<compile_context>
chip_gen: v7x
topology: tpu7x:2x2x1
jax: 0.10.2.dev20260603
libtpu: 0.0.44.dev20260713+nightly
codegen_flags: <defaults>
</compile_context>

<pallas_src>
import functools

import jax
import jax.numpy as jnp
from jax import lax
from jax.experimental import pallas as pl
from jax.experimental.pallas import tpu as pltpu
from jax.experimental.pallas import tpu_sc as plsc

N_ROWS = 65536
DIM = 65536
NNZ_PER_ROW = 65
Q_NNZ = 128
TOP_K = 10

NUM_WORKERS = 32
ROWS_PER_W = N_ROWS // NUM_WORKERS
CHUNK_ROWS = 128
CHUNK_W = CHUNK_ROWS * NNZ_PER_ROW
NUM_CHUNKS = ROWS_PER_W // CHUNK_ROWS
BLOCKS_PER_CHUNK = CHUNK_ROWS // 16
W_NNZ = ROWS_PER_W * NNZ_PER_ROW

_mesh = plsc.VectorSubcoreMesh(core_axis_name="c", subcore_axis_name="s")


def _merge_top16(ts, ti, bs, bi):
    rs = lax.rev(bs, (0,))
    ri = lax.rev(bi, (0,))
    m = ts >= rs
    ns = jnp.where(m, ts, rs)
    ni = jnp.where(m, ti, ri)
    ss, si = plsc.sort_key_val(ns, ni, descending=True)
    return ss, si


@functools.partial(
    pl.kernel,
    out_type=(
        jax.ShapeDtypeStruct((NUM_WORKERS * 16,), jnp.float32),
        jax.ShapeDtypeStruct((NUM_WORKERS * 16,), jnp.int32),
    ),
    mesh=_mesh,
    scratch_types=[
        pltpu.VMEM((DIM + 128,), jnp.float32),
        pltpu.VMEM((3 * CHUNK_W,), jnp.int32),
        pltpu.VMEM((3 * CHUNK_W,), jnp.float32),
        pltpu.VMEM((Q_NNZ,), jnp.int32),
        pltpu.VMEM((Q_NNZ,), jnp.float32),
        pltpu.VMEM((16,), jnp.float32),
        pltpu.VMEM((16,), jnp.int32),
        pltpu.SemaphoreType.DMA,
        pltpu.SemaphoreType.DMA,
        pltpu.SemaphoreType.DMA,
    ],
    compiler_params=pltpu.CompilerParams(needs_layout_passes=False),
)
def _spmv_topk_kernel(qi_hbm, qv_hbm, cols_hbm, vals_hbm,
                      cand_s_hbm, cand_i_hbm,
                      query_tab, colsb, valsb, qiv, qvv,
                      stage_s, stage_i, sem0, sem1, sem2):
    sems = (sem0, sem1, sem2)
    wid = lax.axis_index("s") * 2 + lax.axis_index("c")
    iota16 = lax.iota(jnp.int32, 16)
    stride65 = iota16 * NNZ_PER_ROW
    w_nnz_base = wid * W_NNZ
    w_row_base = wid * ROWS_PER_W

    for pre in range(2):
        pltpu.make_async_copy(
            cols_hbm.at[pl.ds(pl.multiple_of(w_nnz_base + pre * CHUNK_W, 8),
                              CHUNK_W)],
            colsb.at[pl.ds(pre * CHUNK_W, CHUNK_W)], sems[pre]).start()
        pltpu.make_async_copy(
            vals_hbm.at[pl.ds(pl.multiple_of(w_nnz_base + pre * CHUNK_W, 8),
                              CHUNK_W)],
            valsb.at[pl.ds(pre * CHUNK_W, CHUNK_W)], sems[pre]).start()

    pltpu.sync_copy(qi_hbm.at[0], qiv)
    pltpu.sync_copy(qv_hbm.at[0], qvv)
    zeros16 = jnp.zeros((16,), jnp.float32)

    def _zero_body(i, _):
        base = pl.multiple_of(i * 128, 128)
        for k in range(8):
            query_tab[pl.ds(base + k * 16, 16)] = zeros16
        return 0

    lax.fori_loop(0, (DIM + 128) // 128, _zero_body, 0)

    dummy = DIM + iota16
    for vi in range(Q_NNZ // 16):
        iv = qiv[pl.ds(vi * 16, 16)]
        vv = qvv[pl.ds(vi * 16, 16)]
        for l in range(16):
            lane = iota16 == l
            iv_l = jnp.where(lane, iv, dummy)
            vv_l = jnp.where(lane, vv, 0.0)
            g = plsc.load_gather(query_tab, [iv_l])
            plsc.store_scatter(query_tab, [iv_l], g + vv_l)

    def chunk_body(c, carry):
        p = lax.rem(c, 3)
        np_ = lax.rem(c + 2, 3)
        cstart = pl.multiple_of(w_nnz_base + c * CHUNK_W, 8)
        nstart = pl.multiple_of(w_nnz_base + (c + 2) * CHUNK_W, 8)

        for slot in range(3):
            @pl.when(p == slot)
            def _(slot=slot):
                pltpu.make_async_copy(
                    cols_hbm.at[pl.ds(cstart, CHUNK_W)],
                    colsb.at[pl.ds(slot * CHUNK_W, CHUNK_W)], sems[slot]).wait()
                pltpu.make_async_copy(
                    vals_hbm.at[pl.ds(cstart, CHUNK_W)],
                    valsb.at[pl.ds(slot * CHUNK_W, CHUNK_W)], sems[slot]).wait()

            @pl.when(jnp.logical_and(c < NUM_CHUNKS - 2, np_ == slot))
            def _(slot=slot):
                pltpu.make_async_copy(
                    cols_hbm.at[pl.ds(nstart, CHUNK_W)],
                    colsb.at[pl.ds(slot * CHUNK_W, CHUNK_W)], sems[slot]).start()
                pltpu.make_async_copy(
                    vals_hbm.at[pl.ds(nstart, CHUNK_W)],
                    valsb.at[pl.ds(slot * CHUNK_W, CHUNK_W)], sems[slot]).start()

        buf_base = p * CHUNK_W

        def block_body(b, carry2):
            ts2, ti2 = carry2
            idx0 = stride65 + (buf_base + b * (16 * NNZ_PER_ROW))
            BATCH = 5

            def group_body(g, accs5):
                base = idx0 + g * BATCH
                idxs = [base + k for k in range(BATCH)]
                cvs = [plsc.load_gather(colsb, [ix]) for ix in idxs]
                vvs = [plsc.load_gather(valsb, [ix]) for ix in idxs]
                qgs = [plsc.load_gather(query_tab, [cv]) for cv in cvs]
                return tuple(
                    accs5[k] + vvs[k] * qgs[k] for k in range(BATCH)
                )

            accs = lax.fori_loop(
                0, NNZ_PER_ROW // BATCH, group_body,
                tuple(jnp.zeros((16,), jnp.float32) for _ in range(BATCH)))
            acc = ((accs[0] + accs[1]) + (accs[2] + accs[3])) + accs[4]

            rows = w_row_base + c * CHUNK_ROWS + b * 16 + iota16
            bs, bi = plsc.sort_key_val(acc, rows, descending=True)
            ns, ni = _merge_top16(ts2, ti2, bs, bi)
            return ns, ni

        return lax.fori_loop(0, BLOCKS_PER_CHUNK, block_body, carry)

    ts0 = jnp.full((16,), -jnp.inf, jnp.float32)
    ti0 = jnp.zeros((16,), jnp.int32)
    ts, ti = lax.fori_loop(0, NUM_CHUNKS, chunk_body, (ts0, ti0))

    stage_s[...] = ts
    stage_i[...] = ti
    pltpu.sync_copy(stage_s, cand_s_hbm.at[pl.ds(wid * 16, 16)])
    pltpu.sync_copy(stage_i, cand_i_hbm.at[pl.ds(wid * 16, 16)])


def _tc_merge_body(cs_ref, ci_ref, os_ref, oi_ref):
    s = cs_ref[...].reshape(1, NUM_WORKERS * 16)
    idx = ci_ref[...].reshape(1, NUM_WORKERS * 16)
    posmat = lax.broadcasted_iota(jnp.int32, (1, NUM_WORKERS * 16), 1)
    cmb = posmat * 131072 + idx
    lane = lax.broadcasted_iota(jnp.int32, (1, 128), 1)
    out_s = jnp.zeros((1, 128), jnp.float32)
    out_i = jnp.zeros((1, 128), jnp.int32)
    for k in range(TOP_K):
        m = jnp.max(s)
        cmin = jnp.min(jnp.where(s == m, cmb, jnp.int32(2**30)))
        idx_k = jnp.bitwise_and(cmin, 131071)
        pm = cmb == cmin
        out_s = jnp.where(lane == k, m, out_s)
        out_i = jnp.where(lane == k, idx_k, out_i)
        s = jnp.where(pm, -jnp.inf, s)
    os_ref[...] = out_s[0, :TOP_K]
    oi_ref[...] = out_i[0, :TOP_K]


_tc_merge = pl.pallas_call(
    _tc_merge_body,
    out_shape=(
        jax.ShapeDtypeStruct((TOP_K,), jnp.float32),
        jax.ShapeDtypeStruct((TOP_K,), jnp.int32),
    ),
)


def kernel(q_indices, q_values, crow, cols, vals):
    del crow
    cand_s, cand_i = _spmv_topk_kernel(q_indices, q_values, cols, vals)
    out_s, out_i = _tc_merge(cand_s, cand_i)
    return out_s, out_i

# --- scband reference (transcript-rebuilt; emitter-appended) ---
"""Pipeline reference for scband-sharded-csrsparse-retrieval-model-48928267436213 (READ-ONLY COPY).

The authoritative reference and input builder live on the scoring server;
editing this copy changes nothing except your own understanding.
"""

import jax, jax.numpy as jnp
import numpy as np

N = 65536          # rows in collection (documents)
DIM = 65536        # columns (vocab dim); square per SPARSE_MAT pool
NNZ_PER_ROW = 65   # density ~0.001
NNZ = N * NNZ_PER_ROW
Q_NNZ = 128
TOP_K = 10
SPLITS = 4


def setup_inputs(seed: int = 0) -> dict:
    key = jax.random.key(seed)
    k1, k2, k3, k4 = jax.random.split(key, 4)
    # forward args (sparse COO query)
    q_indices = jax.random.randint(k1, (1, Q_NNZ), 0, DIM, dtype=jnp.int32)
    q_values = jax.random.normal(k2, (1, Q_NNZ), dtype=jnp.float32)
    # model state: CSR collection matrix (uniform nnz per row)
    crow = (jnp.arange(N + 1, dtype=jnp.int32) * NNZ_PER_ROW)
    cols = jax.random.randint(k3, (NNZ,), 0, DIM, dtype=jnp.int32)
    vals = jax.random.normal(k4, (NNZ,), dtype=jnp.float32)
    return {"q_indices": q_indices, "q_values": q_values, "crow": crow, "cols": cols, "vals": vals}


def reference(q_indices, q_values, crow, cols, vals):
    # build_dense_query: sparse COO -> dense (duplicates sum, matching torch coalesce)
    query = jnp.zeros((DIM,), dtype=vals.dtype).at[q_indices[0]].add(q_values[0])
    # CSR spmv: scores[r] = sum_j vals[r,j] * query[cols[r,j]]
    counts = crow[1:] - crow[:-1]
    row_ids = jnp.repeat(jnp.arange(N, dtype=jnp.int32), counts, total_repeat_length=NNZ)
    contrib = vals * jnp.take(query, cols)
    scores = jax.ops.segment_sum(contrib, row_ids, num_segments=N)
    # shard_forward per split: local top-k with global row offsets
    rows_per_shard = N // SPLITS
    all_scores, all_indices = [], []
    for s in range(SPLITS):
        start = s * rows_per_shard
        shard_scores = scores[start:start + rows_per_shard]
        local_scores, local_indices = jax.lax.top_k(shard_scores, TOP_K)
        all_scores.append(local_scores)
        all_indices.append(local_indices + start)
    # merge_topk_results
    cat_scores = jnp.concatenate(all_scores, axis=0)
    cat_indices = jnp.concatenate(all_indices, axis=0)
    top_scores, topk_idx = jax.lax.top_k(cat_scores, TOP_K)
    top_indices = cat_indices[topk_idx]
    return (top_scores, top_indices)

if __name__ == "__main__":
    import jax
    _d = setup_inputs()
    print(jax.jit(kernel)(*tuple(_d.values())))

</pallas_src>

<mosaic_0001>
#map = affine_map<(d0, d1) -> (0, 0)>
#map1 = affine_map<(d0, d1) -> (0)>
module attributes {stable_mosaic.version = 14 : i64} {
  func.func @_spmv_topk_kernel(%arg0: i32, %arg1: i32, %arg2: memref<1x128xi32, #tpu.memory_space<hbm>>, %arg3: memref<1x128xf32, #tpu.memory_space<hbm>>, %arg4: memref<4259840xi32, #tpu.memory_space<hbm>>, %arg5: memref<4259840xf32, #tpu.memory_space<hbm>>, %arg6: memref<512xf32, #tpu.memory_space<hbm>>, %arg7: memref<512xi32, #tpu.memory_space<hbm>>, %arg8: memref<65664xf32, #tpu.memory_space<vmem>>, %arg9: memref<24960xi32, #tpu.memory_space<vmem>>, %arg10: memref<24960xf32, #tpu.memory_space<vmem>>, %arg11: memref<128xi32, #tpu.memory_space<vmem>>, %arg12: memref<128xf32, #tpu.memory_space<vmem>>, %arg13: memref<16xf32, #tpu.memory_space<vmem>>, %arg14: memref<16xi32, #tpu.memory_space<vmem>>, %arg15: memref<!tpu.dma_semaphore, #tpu.memory_space<semaphore_mem>>, %arg16: memref<!tpu.dma_semaphore, #tpu.memory_space<semaphore_mem>>, %arg17: memref<!tpu.dma_semaphore, #tpu.memory_space<semaphore_mem>>) attributes {dimension_semantics = [#tpu.dimension_semantics<core_parallel>, #tpu.dimension_semantics<subcore_parallel>], iteration_bounds = array<i64: 2, 16>, scalar_prefetch = 0 : i64, scratch_operands = 10 : i64, tpu.core_type = #tpu.core_type<sc_vector_subcore>, window_params = [{transform_indices = #map}, {transform_indices = #map}, {transform_indices = #map1}, {transform_indices = #map1}, {transform_indices = #map1}, {transform_indices = #map1}]} {
    %mul3A = arith.constant 2 : i32
    %mul3A_0 = arith.muli %arg1, %mul3A : i32
    %add3A = arith.addi %mul3A_0, %arg0 : i32
    %iota3A = tpu.iota {dimensions = array<i32: 0>} : vector<16xi32>
    %mul3A_1 = arith.constant 65 : i32
    %mul3A_2 = vector.broadcast %mul3A_1 : i32 to vector<16xi32>
    %mul3A_3 = arith.muli %iota3A, %mul3A_2 : vector<16xi32>
    %mul3A_4 = arith.constant 133120 : i32
    %mul3A_5 = arith.muli %add3A, %mul3A_4 : i32
    %mul3A_6 = arith.constant 2048 : i32
    %mul3A_7 = arith.muli %add3A, %mul3A_6 : i32
    %add3A_8 = arith.constant 0 : i32
    %add3A_9 = arith.addi %mul3A_5, %add3A_8 : i32
    %multiple_of3A = tpu.assume_multiple %add3A_9, 8 : i32
    %dma_start3A = arith.constant 0 : i32
    %dma_start3A_10 = tpu.memref_slice %arg9[%dma_start3A] : memref<24960xi32, #tpu.memory_space<vmem>> -> memref<8320xi32, #tpu.memory_space<vmem>>
    %dma_start3A_11 = tpu.memref_slice %arg4[%multiple_of3A] : memref<4259840xi32, #tpu.memory_space<hbm>> -> memref<8320xi32, #tpu.memory_space<hbm>>
    %dma_start3A_12 = arith.constant 0 : i32
    %dma_start3A_13 = tpu.memref_slice %arg9[%dma_start3A_12] : memref<24960xi32, #tpu.memory_space<vmem>> -> memref<8320xi32, #tpu.memory_space<vmem>>
    %dma_start3A_14 = tpu.memref_slice %arg4[%multiple_of3A] : memref<4259840xi32, #tpu.memory_space<hbm>> -> memref<8320xi32, #tpu.memory_space<hbm>>
    tpu.enqueue_dma source(%dma_start3A_14 : memref<8320xi32, #tpu.memory_space<hbm>>) target(%dma_start3A_13 : memref<8320xi32, #tpu.memory_space<vmem>>) target_semaphore(%arg15 : memref<!tpu.dma_semaphore, #tpu.memory_space<semaphore_mem>>)
    %add3A_15 = arith.constant 0 : i32
    %add3A_16 = arith.addi %mul3A_5, %add3A_15 : i32
    %multiple_of3A_17 = tpu.assume_multiple %add3A_16, 8 : i32
    %dma_start3A_18 = arith.constant 0 : i32
    %dma_start3A_19 = tpu.memref_slice %arg10[%dma_start3A_18] : memref<24960xf32, #tpu.memory_space<vmem>> -> memref<8320xf32, #tpu.memory_space<vmem>>
    %dma_start3A_20 = tpu.memref_slice %arg5[%multiple_of3A_17] : memref<4259840xf32, #tpu.memory_space<hbm>> -> memref<8320xf32, #tpu.memory_space<hbm>>
    %dma_start3A_21 = arith.constant 0 : i32
    %dma_start3A_22 = tpu.memref_slice %arg10[%dma_start3A_21] : memref<24960xf32, #tpu.memory_space<vmem>> -> memref<8320xf32, #tpu.memory_space<vmem>>
    %dma_start3A_23 = tpu.memref_slice %arg5[%multiple_of3A_17] : memref<4259840xf32, #tpu.memory_space<hbm>> -> memref<8320xf32, #tpu.memory_space<hbm>>
    tpu.enqueue_dma source(%dma_start3A_23 : memref<8320xf32, #tpu.memory_space<hbm>>) target(%dma_start3A_22 : memref<8320xf32, #tpu.memory_space<vmem>>) target_semaphore(%arg15 : memref<!tpu.dma_semaphore, #tpu.memory_space<semaphore_mem>>)
    %add3A_24 = arith.constant 8320 : i32
    %add3A_25 = arith.addi %mul3A_5, %add3A_24 : i32
    %multiple_of3A_26 = tpu.assume_multiple %add3A_25, 8 : i32
    %dma_start3A_27 = arith.constant 8320 : i32
    %dma_start3A_28 = tpu.memref_slice %arg9[%dma_start3A_27] : memref<24960xi32, #tpu.memory_space<vmem>> -> memref<8320xi32, #tpu.memory_space<vmem>>
    %dma_start3A_29 = tpu.memref_slice %arg4[%multiple_of3A_26] : memref<4259840xi32, #tpu.memory_space<hbm>> -> memref<8320xi32, #tpu.memory_space<hbm>>
    %dma_start3A_30 = arith.constant 8320 : i32
    %dma_start3A_31 = tpu.memref_slice %arg9[%dma_start3A_30] : memref<24960xi32, #tpu.memory_space<vmem>> -> memref<8320xi32, #tpu.memory_space<vmem>>
    %dma_start3A_32 = tpu.memref_slice %arg4[%multiple_of3A_26] : memref<4259840xi32, #tpu.memory_space<hbm>> -> memref<8320xi32, #tpu.memory_space<hbm>>
    tpu.enqueue_dma source(%dma_start3A_32 : memref<8320xi32, #tpu.memory_space<hbm>>) target(%dma_start3A_31 : memref<8320xi32, #tpu.memory_space<vmem>>) target_semaphore(%arg16 : memref<!tpu.dma_semaphore, #tpu.memory_space<semaphore_mem>>)
    %add3A_33 = arith.constant 8320 : i32
    %add3A_34 = arith.addi %mul3A_5, %add3A_33 : i32
    %multiple_of3A_35 = tpu.assume_multiple %add3A_34, 8 : i32
    %dma_start3A_36 = arith.constant 8320 : i32
    %dma_start3A_37 = tpu.memref_slice %arg10[%dma_start3A_36] : memref<24960xf32, #tpu.memory_space<vmem>> -> memref<8320xf32, #tpu.memory_space<vmem>>
    %dma_start3A_38 = tpu.memref_slice %arg5[%multiple_of3A_35] : memref<4259840xf32, #tpu.memory_space<hbm>> -> memref<8320xf32, #tpu.memory_space<hbm>>
    %dma_start3A_39 = arith.constant 8320 : i32
    %dma_start3A_40 = tpu.memref_slice %arg10[%dma_start3A_39] : memref<24960xf32, #tpu.memory_space<vmem>> -> memref<8320xf32, #tpu.memory_space<vmem>>
    %dma_start3A_41 = tpu.memref_slice %arg5[%multiple_of3A_35] : memref<4259840xf32, #tpu.memory_space<hbm>> -> memref<8320xf32, #tpu.memory_space<hbm>>
    tpu.enqueue_dma source(%dma_start3A_41 : memref<8320xf32, #tpu.memory_space<hbm>>) target(%dma_start3A_40 : memref<8320xf32, #tpu.memory_space<vmem>>) target_semaphore(%arg16 : memref<!tpu.dma_semaphore, #tpu.memory_space<semaphore_mem>>)
    %run_scoped3A = arith.constant 0 : i32
    "tpu.region"() ({
      %run_scoped3A_1249 = tpu.sem_alloc : memref<!tpu.dma_semaphore, #tpu.memory_space<semaphore_mem>>
      %dma_start3A_1250 = arith.constant 0 : i32
      %dma_start3A_1251 = tpu.memref_slice %arg2[%run_scoped3A, %dma_start3A_1250] : memref<1x128xi32, #tpu.memory_space<hbm>> -> memref<1x128xi32, #tpu.memory_space<hbm>>
      %dma_start3A_1252 = tpu.memref_squeeze %dma_start3A_1251 : memref<1x128xi32, #tpu.memory_space<hbm>> -> memref<128xi32, #tpu.memory_space<hbm>>
      %dma_start3A_1253 = arith.constant 0 : i32
      %dma_start3A_1254 = tpu.memref_slice %arg2[%run_scoped3A, %dma_start3A_1253] : memref<1x128xi32, #tpu.memory_space<hbm>> -> memref<1x128xi32, #tpu.memory_space<hbm>>
      %dma_start3A_1255 = tpu.memref_squeeze %dma_start3A_1254 : memref<1x128xi32, #tpu.memory_space<hbm>> -> memref<128xi32, #tpu.memory_space<hbm>>
      tpu.enqueue_dma source(%dma_start3A_1255 : memref<128xi32, #tpu.memory_space<hbm>>) target(%arg11 : memref<128xi32, #tpu.memory_space<vmem>>) target_semaphore(%run_scoped3A_1249 : memref<!tpu.dma_semaphore, #tpu.memory_space<semaphore_mem>>)
      %dma_wait3A = arith.constant 0 : i32
      %dma_wait3A_1256 = tpu.memref_slice %arg2[%run_scoped3A, %dma_wait3A] : memref<1x128xi32, #tpu.memory_space<hbm>> -> memref<1x128xi32, #tpu.memory_space<hbm>>
      %dma_wait3A_1257 = tpu.memref_squeeze %dma_wait3A_1256 : memref<1x128xi32, #tpu.memory_space<hbm>> -> memref<128xi32, #tpu.memory_space<hbm>>
      %dma_wait3A_1258 = arith.constant 0 : i32
      %dma_wait3A_1259 = tpu.memref_slice %arg2[%run_scoped3A, %dma_wait3A_1258] : memref<1x128xi32, #tpu.memory_space<hbm>> -> memref<1x128xi32, #tpu.memory_space<hbm>>
      %dma_wait3A_1260 = tpu.memref_squeeze %dma_wait3A_1259 : memref<1x128xi32, #tpu.memory_space<hbm>> -> memref<128xi32, #tpu.memory_space<hbm>>
      tpu.wait_dma2 semaphore(%run_scoped3A_1249 : memref<!tpu.dma_semaphore, #tpu.memory_space<semaphore_mem>>) src(%dma_wait3A_1260 : memref<128xi32, #tpu.memory_space<hbm>>) dst(%arg11 : memref<128xi32, #tpu.memory_space<vmem>>)
      tpu.yield
    }) : () -> ()
    %run_scoped3A_42 = arith.constant 0 : i32
    "tpu.region"() ({
      %run_scoped3A_1249 = tpu.sem_alloc : memref<!tpu.dma_semaphore, #tpu.memory_space<semaphore_mem>>
      %dma_start3A_1250 = arith.constant 0 : i32
      %dma_start3A_1251 = tpu.memref_slice %arg3[%run_scoped3A_42, %dma_start3A_1250] : memref<1x128xf32, #tpu.memory_space<hbm>> -> memref<1x128xf32, #tpu.memory_space<hbm>>
      %dma_start3A_1252 = tpu.memref_squeeze %dma_start3A_1251 : memref<1x128xf32, #tpu.memory_space<hbm>> -> memref<128xf32, #tpu.memory_space<hbm>>
      %dma_start3A_1253 = arith.constant 0 : i32
      %dma_start3A_1254 = tpu.memref_slice %arg3[%run_scoped3A_42, %dma_start3A_1253] : memref<1x128xf32, #tpu.memory_space<hbm>> -> memref<1x128xf32, #tpu.memory_space<hbm>>
      %dma_start3A_1255 = tpu.memref_squeeze %dma_start3A_1254 : memref<1x128xf32, #tpu.memory_space<hbm>> -> memref<128xf32, #tpu.memory_space<hbm>>
      tpu.enqueue_dma source(%dma_start3A_1255 : memref<128xf32, #tpu.memory_space<hbm>>) target(%arg12 : memref<128xf32, #tpu.memory_space<vmem>>) target_semaphore(%run_scoped3A_1249 : memref<!tpu.dma_semaphore, #tpu.memory_space<semaphore_mem>>)
      %dma_wait3A = arith.constant 0 : i32
      %dma_wait3A_1256 = tpu.memref_slice %arg3[%run_scoped3A_42, %dma_wait3A] : memref<1x128xf32, #tpu.memory_space<hbm>> -> memref<1x128xf32, #tpu.memory_space<hbm>>
      %dma_wait3A_1257 = tpu.memref_squeeze %dma_wait3A_1256 : memref<1x128xf32, #tpu.memory_space<hbm>> -> memref<128xf32, #tpu.memory_space<hbm>>
      %dma_wait3A_1258 = arith.constant 0 : i32
      %dma_wait3A_1259 = tpu.memref_slice %arg3[%run_scoped3A_42, %dma_wait3A_1258] : memref<1x128xf32, #tpu.memory_space<hbm>> -> memref<1x128xf32, #tpu.memory_space<hbm>>
      %dma_wait3A_1260 = tpu.memref_squeeze %dma_wait3A_1259 : memref<1x128xf32, #tpu.memory_space<hbm>> -> memref<128xf32, #tpu.memory_space<hbm>>
      tpu.wait_dma2 semaphore(%run_scoped3A_1249 : memref<!tpu.dma_semaphore, #tpu.memory_space<semaphore_mem>>) src(%dma_wait3A_1260 : memref<128xf32, #tpu.memory_space<hbm>>) dst(%arg12 : memref<128xf32, #tpu.memory_space<vmem>>)
      tpu.yield
    }) : () -> ()
    %broadcast_in_dim3A = arith.constant 0.000000e+00 : f32
    %broadcast_in_dim3A_43 = vector.broadcast %broadcast_in_dim3A : f32 to vector<16xf32>
    %scan3A = arith.constant 0 : i32
    %scan3A_44 = arith.constant 0 : i32
    %scan3A_45 = arith.constant 513 : i32
    %scan3A_46 = arith.addi %scan3A_44, %scan3A_45 : i32
    %scan3A_47 = arith.constant 1 : i32
    %scan3A_48 = scf.for %scan3A_1249 = %scan3A_44 to %scan3A_46 step %scan3A_47 iter_args(%scan3A_1250 = %scan3A) -> (i32)  : i32 {
      %mul3A_1251 = arith.constant 128 : i32
      %mul3A_1252 = arith.muli %scan3A_1249, %mul3A_1251 : i32
      %multiple_of3A_1253 = tpu.assume_multiple %mul3A_1252, 128 : i32
      %add3A_1254 = arith.constant 0 : i32
      %add3A_1255 = arith.addi %multiple_of3A_1253, %add3A_1254 : i32
      %swap3A_1256 = arith.index_cast %add3A_1255 : i32 to index
      %swap3A_1257 = tpu.vector_load %arg8[%swap3A_1256] {strides = array<i32>} : memref<65664xf32, #tpu.memory_space<vmem>>, vector<16xf32>,
      tpu.vector_store %arg8[%swap3A_1256], %broadcast_in_dim3A_43 {strides = array<i32>} : memref<65664xf32, #tpu.memory_space<vmem>>, vector<16xf32>,
      %add3A_1258 = arith.constant 16 : i32
      %add3A_1259 = arith.addi %multiple_of3A_1253, %add3A_1258 : i32
      %swap3A_1260 = arith.index_cast %add3A_1259 : i32 to index
      %swap3A_1261 = tpu.vector_load %arg8[%swap3A_1260] {strides = array<i32>} : memref<65664xf32, #tpu.memory_space<vmem>>, vector<16xf32>,
      tpu.vector_store %arg8[%swap3A_1260], %broadcast_in_dim3A_43 {strides = array<i32>} : memref<65664xf32, #tpu.memory_space<vmem>>, vector<16xf32>,
      %add3A_1262 = arith.constant 32 : i32
      %add3A_1263 = arith.addi %multiple_of3A_1253, %add3A_1262 : i32
      %swap3A_1264 = arith.index_cast %add3A_1263 : i32 to index
      %swap3A_1265 = tpu.vector_load %arg8[%swap3A_1264] {strides = array<i32>} : memref<65664xf32, #tpu.memory_space<vmem>>, vector<16xf32>,
      tpu.vector_store %arg8[%swap3A_1264], %broadcast_in_dim3A_43 {strides = array<i32>} : memref<65664xf32, #tpu.memory_space<vmem>>, vector<16xf32>,
      %add3A_1266 = arith.constant 48 : i32
      %add3A_1267 = arith.addi %multiple_of3A_1253, %add3A_1266 : i32
      %swap3A_1268 = arith.index_cast %add3A_1267 : i32 to index
      %swap3A_1269 = tpu.vector_load %arg8[%swap3A_1268] {strides = array<i32>} : memref<65664xf32, #tpu.memory_space<vmem>>, vector<16xf32>,
      tpu.vector_store %arg8[%swap3A_1268], %broadcast_in_dim3A_43 {strides = array<i32>} : memref<65664xf32, #tpu.memory_space<vmem>>, vector<16xf32>,
      %add3A_1270 = arith.constant 64 : i32
      %add3A_1271 = arith.addi %multiple_of3A_1253, %add3A_1270 : i32
      %swap3A_1272 = arith.index_cast %add3A_1271 : i32 to index
      %swap3A_1273 = tpu.vector_load %arg8[%swap3A_1272] {strides = array<i32>} : memref<65664xf32, #tpu.memory_space<vmem>>, vector<16xf32>,
      tpu.vector_store %arg8[%swap3A_1272], %broadcast_in_dim3A_43 {strides = array<i32>} : memref<65664xf32, #tpu.memory_space<vmem>>, vector<16xf32>,
      %add3A_1274 = arith.constant 80 : i32
      %add3A_1275 = arith.addi %multiple_of3A_1253, %add3A_1274 : i32
      %swap3A_1276 = arith.index_cast %add3A_1275 : i32 to index
      %swap3A_1277 = tpu.vector_load %arg8[%swap3A_1276] {strides = array<i32>} : memref<65664xf32, #tpu.memory_space<vmem>>, vector<16xf32>,
      tpu.vector_store %arg8[%swap3A_1276], %broadcast_in_dim3A_43 {strides = array<i32>} : memref<65664xf32, #tpu.memory_space<vmem>>, vector<16xf32>,
      %add3A_1278 = arith.constant 96 : i32
      %add3A_1279 = arith.addi %multiple_of3A_1253, %add3A_1278 : i32
      %swap3A_1280 = arith.index_cast %add3A_1279 : i32 to index
      %swap3A_1281 = tpu.vector_load %arg8[%swap3A_1280] {strides = array<i32>} : memref<65664xf32, #tpu.memory_space<vmem>>, vector<16xf32>,
      tpu.vector_store %arg8[%swap3A_1280], %broadcast_in_dim3A_43 {strides = array<i32>} : memref<65664xf32, #tpu.memory_space<vmem>>, vector<16xf32>,
      %add3A_1282 = arith.constant 112 : i32
      %add3A_1283 = arith.addi %multiple_of3A_1253, %add3A_1282 : i32
      %swap3A_1284 = arith.index_cast %add3A_1283 : i32 to index
      %swap3A_1285 = tpu.vector_load %arg8[%swap3A_1284] {strides = array<i32>} : memref<65664xf32, #tpu.memory_space<vmem>>, vector<16xf32>,
      tpu.vector_store %arg8[%swap3A_1284], %broadcast_in_dim3A_43 {strides = array<i32>} : memref<65664xf32, #tpu.memory_space<vmem>>, vector<16xf32>,
      %scan3A_1286 = arith.constant 0 : i32
      scf.yield %scan3A_1286 : i32
    }
    %scan3A_49 = arith.constant 513 : i32
    %add3A_50 = arith.constant 65536 : i32
    %add3A_51 = vector.broadcast %add3A_50 : i32 to vector<16xi32>
    %add3A_52 = arith.addi %add3A_51, %iota3A : vector<16xi32>
    %get3A = arith.constant 0 : index
    %get3A_53 = tpu.vector_load %arg11[%get3A] {strides = array<i32>} : memref<128xi32, #tpu.memory_space<vmem>>, vector<16xi32>,
    %get3A_54 = arith.constant 0 : index
    %get3A_55 = tpu.vector_load %arg12[%get3A_54] {strides = array<i32>} : memref<128xf32, #tpu.memory_space<vmem>>, vector<16xf32>,
    %eq3A = arith.constant 0 : i32
    %eq3A_56 = vector.broadcast %eq3A : i32 to vector<16xi32>
    %eq3A_57 = arith.cmpi eq, %iota3A, %eq3A_56 : vector<16xi32>
    %select_n3A = arith.select %eq3A_57, %get3A_53, %add3A_52 : vector<16xi1>, vector<16xi32>
    %jit3A = arith.constant 0.000000e+00 : f32
    %broadcast_in_dim3A_58 = vector.broadcast %jit3A : f32 to vector<16xf32>
    %select_n3A_59 = arith.select %eq3A_57, %get3A_55, %broadcast_in_dim3A_58 : vector<16xi1>, vector<16xf32>
    %gather3A = tpu.vector_load_idx %arg8[%select_n3A] : memref<65664xf32, #tpu.memory_space<vmem>>[vector<16xi32>], vector<16xf32>,
    %add3A_60 = arith.addf %gather3A, %select_n3A_59 : vector<16xf32>
    tpu.vector_store_idx %arg8[%select_n3A], %add3A_60 : memref<65664xf32, #tpu.memory_space<vmem>>[vector<16xi32>], vector<16xf32>,
    %eq3A_61 = arith.constant 1 : i32
    %eq3A_62 = vector.broadcast %eq3A_61 : i32 to vector<16xi32>
    %eq3A_63 = arith.cmpi eq, %iota3A, %eq3A_62 : vector<16xi32>
    %select_n3A_64 = arith.select %eq3A_63, %get3A_53, %add3A_52 : vector<16xi1>, vector<16xi32>
    %jit3A_65 = arith.constant 0.000000e+00 : f32
    %broadcast_in_dim3A_66 = vector.broadcast %jit3A_65 : f32 to vector<16xf32>
    %select_n3A_67 = arith.select %eq3A_63, %get3A_55, %broadcast_in_dim3A_66 : vector<16xi1>, vector<16xf32>
    %gather3A_68 = tpu.vector_load_idx %arg8[%select_n3A_64] : memref<65664xf32, #tpu.memory_space<vmem>>[vector<16xi32>], vector<16xf32>,
    %add3A_69 = arith.addf %gather3A_68, %select_n3A_67 : vector<16xf32>
    tpu.vector_store_idx %arg8[%select_n3A_64], %add3A_69 : memref<65664xf32, #tpu.memory_space<vmem>>[vector<16xi32>], vector<16xf32>,
    %eq3A_70 = arith.constant 2 : i32
    %eq3A_71 = vector.broadcast %eq3A_70 : i32 to vector<16xi32>
    %eq3A_72 = arith.cmpi eq, %iota3A, %eq3A_71 : vector<16xi32>
    %select_n3A_73 = arith.select %eq3A_72, %get3A_53, %add3A_52 : vector<16xi1>, vector<16xi32>
    %jit3A_74 = arith.constant 0.000000e+00 : f32
    %broadcast_in_dim3A_75 = vector.broadcast %jit3A_74 : f32 to vector<16xf32>
    %select_n3A_76 = arith.select %eq3A_72, %get3A_55, %broadcast_in_dim3A_75 : vector<16xi1>, vector<16xf32>
    %gather3A_77 = tpu.vector_load_idx %arg8[%select_n3A_73] : memref<65664xf32, #tpu.memory_space<vmem>>[vector<16xi32>], vector<16xf32>,
    %add3A_78 = arith.addf %gather3A_77, %select_n3A_76 : vector<16xf32>
    tpu.vector_store_idx %arg8[%select_n3A_73], %add3A_78 : memref<65664xf32, #tpu.memory_space<vmem>>[vector<16xi32>], vector<16xf32>,
    %eq3A_79 = arith.constant 3 : i32
    %eq3A_80 = vector.broadcast %eq3A_79 : i32 to vector<16xi32>
    %eq3A_81 = arith.cmpi eq, %iota3A, %eq3A_80 : vector<16xi32>
    %select_n3A_82 = arith.select %eq3A_81, %get3A_53, %add3A_52 : vector<16xi1>, vector<16xi32>
    %jit3A_83 = arith.constant 0.000000e+00 : f32
    %broadcast_in_dim3A_84 = vector.broadcast %jit3A_83 : f32 to vector<16xf32>
    %select_n3A_85 = arith.select %eq3A_81, %get3A_55, %broadcast_in_dim3A_84 : vector<16xi1>, vector<16xf32>
    %gather3A_86 = tpu.vector_load_idx %arg8[%select_n3A_82] : memref<65664xf32, #tpu.memory_space<vmem>>[vector<16xi32>], vector<16xf32>,
    %add3A_87 = arith.addf %gather3A_86, %select_n3A_85 : vector<16xf32>
    tpu.vector_store_idx %arg8[%select_n3A_82], %add3A_87 : memref<65664xf32, #tpu.memory_space<vmem>>[vector<16xi32>], vector<16xf32>,
    %eq3A_88 = arith.constant 4 : i32
    %eq3A_89 = vector.broadcast %eq3A_88 : i32 to vector<16xi32>
    %eq3A_90 = arith.cmpi eq, %iota3A, %eq3A_89 : vector<16xi32>
    %select_n3A_91 = arith.select %eq3A_90, %get3A_53, %add3A_52 : vector<16xi1>, vector<16xi32>
    %jit3A_92 = arith.constant 0.000000e+00 : f32
    %broadcast_in_dim3A_93 = vector.broadcast %jit3A_92 : f32 to vector<16xf32>
    %select_n3A_94 = arith.select %eq3A_90, %get3A_55, %broadcast_in_dim3A_93 : vector<16xi1>, vector<16xf32>
    %gather3A_95 = tpu.vector_load_idx %arg8[%select_n3A_91] : memref<65664xf32, #tpu.memory_space<vmem>>[vector<16xi32>], vector<16xf32>,
    %add3A_96 = arith.addf %gather3A_95, %select_n3A_94 : vector<16xf32>
    tpu.vector_store_idx %arg8[%select_n3A_91], %add3A_96 : memref<65664xf32, #tpu.memory_space<vmem>>[vector<16xi32>], vector<16xf32>,
    %eq3A_97 = arith.constant 5 : i32
    %eq3A_98 = vector.broadcast %eq3A_97 : i32 to vector<16xi32>
    %eq3A_99 = arith.cmpi eq, %iota3A, %eq3A_98 : vector<16xi32>
    %select_n3A_100 = arith.select %eq3A_99, %get3A_53, %add3A_52 : vector<16xi1>, vector<16xi32>
    %jit3A_101 = arith.constant 0.000000e+00 : f32
    %broadcast_in_dim3A_102 = vector.broadcast %jit3A_101 : f32 to vector<16xf32>
    %select_n3A_103 = arith.select %eq3A_99, %get3A_55, %broadcast_in_dim3A_102 : vector<16xi1>, vector<16xf32>
    %gather3A_104 = tpu.vector_load_idx %arg8[%select_n3A_100] : memref<65664xf32, #tpu.memory_space<vmem>>[vector<16xi32>], vector<16xf32>,
    %add3A_105 = arith.addf %gather3A_104, %select_n3A_103 : vector<16xf32>
    tpu.vector_store_idx %arg8[%select_n3A_100], %add3A_105 : memref<65664xf32, #tpu.memory_space<vmem>>[vector<16xi32>], vector<16xf32>,
    %eq3A_106 = arith.constant 6 : i32
    %eq3A_107 = vector.broadcast %eq3A_106 : i32 to vector<16xi32>
    %eq3A_108 = arith.cmpi eq, %iota3A, %eq3A_107 : vector<16xi32>
    %select_n3A_109 = arith.select %eq3A_108, %get3A_53, %add3A_52 : vector<16xi1>, vector<16xi32>
    %jit3A_110 = arith.constant 0.000000e+00 : f32
    %broadcast_in_dim3A_111 = vector.broadcast %jit3A_110 : f32 to vector<16xf32>
    %select_n3A_112 = arith.select %eq3A_108, %get3A_55, %broadcast_in_dim3A_111 : vector<16xi1>, vector<16xf32>
    %gather3A_113 = tpu.vector_load_idx %arg8[%select_n3A_109] : memref<65664xf32, #tpu.memory_space<vmem>>[vector<16xi32>], vector<16xf32>,
    %add3A_114 = arith.addf %gather3A_113, %select_n3A_112 : vector<16xf32>
    tpu.vector_store_idx %arg8[%select_n3A_109], %add3A_114 : memref<65664xf32, #tpu.memory_space<vmem>>[vector<16xi32>], vector<16xf32>,
    %eq3A_115 = arith.constant 7 : i32
    %eq3A_116 = vector.broadcast %eq3A_115 : i32 to vector<16xi32>
    %eq3A_117 = arith.cmpi eq, %iota3A, %eq3A_116 : vector<16xi32>
    %select_n3A_118 = arith.select %eq3A_117, %get3A_53, %add3A_52 : vector<16xi1>, vector<16xi32>
    %jit3A_119 = arith.constant 0.000000e+00 : f32
    %broadcast_in_dim3A_120 = vector.broadcast %jit3A_119 : f32 to vector<16xf32>
    %select_n3A_121 = arith.select %eq3A_117, %get3A_55, %broadcast_in_dim3A_120 : vector<16xi1>, vector<16xf32>
    %gather3A_122 = tpu.vector_load_idx %arg8[%select_n3A_118] : memref<65664xf32, #tpu.memory_space<vmem>>[vector<16xi32>], vector<16xf32>,
    %add3A_123 = arith.addf %gather3A_122, %select_n3A_121 : vector<16xf32>
    tpu.vector_store_idx %arg8[%select_n3A_118], %add3A_123 : memref<65664xf32, #tpu.memory_space<vmem>>[vector<16xi32>], vector<16xf32>,
    %eq3A_124 = arith.constant 8 : i32
    %eq3A_125 = vector.broadcast %eq3A_124 : i32 to vector<16xi32>
    %eq3A_126 = arith.cmpi eq, %iota3A, %eq3A_125 : vector<16xi32>
    %select_n3A_127 = arith.select %eq3A_126, %get3A_53, %add3A_52 : vector<16xi1>, vector<16xi32>
    %jit3A_128 = arith.constant 0.000000e+00 : f32
    %broadcast_in_dim3A_129 = vector.broadcast %jit3A_128 : f32 to vector<16xf32>
    %select_n3A_130 = arith.select %eq3A_126, %get3A_55, %broadcast_in_dim3A_129 : vector<16xi1>, vector<16xf32>
    %gather3A_131 = tpu.vector_load_idx %arg8[%select_n3A_127] : memref<65664xf32, #tpu.memory_space<vmem>>[vector<16xi32>], vector<16xf32>,
    %add3A_132 = arith.addf %gather3A_131, %select_n3A_130 : vector<16xf32>
    tpu.vector_store_idx %arg8[%select_n3A_127], %add3A_132 : memref<65664xf32, #tpu.memory_space<vmem>>[vector<16xi32>], vector<16xf32>,
    %eq3A_133 = arith.constant 9 : i32
    %eq3A_134 = vector.broadcast %eq3A_133 : i32 to vector<16xi32>
    %eq3A_135 = arith.cmpi eq, %iota3A, %eq3A_134 : vector<16xi32>
    %select_n3A_136 = arith.select %eq3A_135, %get3A_53, %add3A_52 : vector<16xi1>, vector<16xi32>
    %jit3A_137 = arith.constant 0.000000e+00 : f32
    %broadcast_in_dim3A_138 = vector.broadcast %jit3A_137 : f32 to vector<16xf32>
    %select_n3A_139 = arith.select %eq3A_135, %get3A_55, %broadcast_in_dim3A_138 : vector<16xi1>, vector<16xf32>
    %gather3A_140 = tpu.vector_load_idx %arg8[%select_n3A_136] : memref<65664xf32, #tpu.memory_space<vmem>>[vector<16xi32>], vector<16xf32>,
    %add3A_141 = arith.addf %gather3A_140, %select_n3A_139 : vector<16xf32>
    tpu.vector_store_idx %arg8[%select_n3A_136], %add3A_141 : memref<65664xf32, #tpu.memory_space<vmem>>[vector<16xi32>], vector<16xf32>,
    %eq3A_142 = arith.constant 10 : i32
    %eq3A_143 = vector.broadcast %eq3A_142 : i32 to vector<16xi32>
    %eq3A_144 = arith.cmpi eq, %iota3A, %eq3A_143 : vector<16xi32>
    %select_n3A_145 = arith.select %eq3A_144, %get3A_53, %add3A_52 : vector<16xi1>, vector<16xi32>
    %jit3A_146 = arith.constant 0.000000e+00 : f32
    %broadcast_in_dim3A_147 = vector.broadcast %jit3A_146 : f32 to vector<16xf32>
    %select_n3A_148 = arith.select %eq3A_144, %get3A_55, %broadcast_in_dim3A_147 : vector<16xi1>, vector<16xf32>
    %gather3A_149 = tpu.vector_load_idx %arg8[%select_n3A_145] : memref<65664xf32, #tpu.memory_space<vmem>>[vector<16xi32>], vector<16xf32>,
    %add3A_150 = arith.addf %gather3A_149, %select_n3A_148 : vector<16xf32>
    tpu.vector_store_idx %arg8[%select_n3A_145], %add3A_150 : memref<65664xf32, #tpu.memory_space<vmem>>[vector<16xi32>], vector<16xf32>,
    %eq3A_151 = arith.constant 11 : i32
    %eq3A_152 = vector.broadcast %eq3A_151 : i32 to vector<16xi32>
    %eq3A_153 = arith.cmpi eq, %iota3A, %eq3A_152 : vector<16xi32>
    %select_n3A_154 = arith.select %eq3A_153, %get3A_53, %add3A_52 : vector<16xi1>, vector<16xi32>
    %jit3A_155 = arith.constant 0.000000e+00 : f32
    %broadcast_in_dim3A_156 = vector.broadcast %jit3A_155 : f32 to vector<16xf32>
    %select_n3A_157 = arith.select %eq3A_153, %get3A_55, %broadcast_in_dim3A_156 : vector<16xi1>, vector<16xf32>
    %gather3A_158 = tpu.vector_load_idx %arg8[%select_n3A_154] : memref<65664xf32, #tpu.memory_space<vmem>>[vector<16xi32>], vector<16xf32>,
    %add3A_159 = arith.addf %gather3A_158, %select_n3A_157 : vector<16xf32>
    tpu.vector_store_idx %arg8[%select_n3A_154], %add3A_159 : memref<65664xf32, #tpu.memory_space<vmem>>[vector<16xi32>], vector<16xf32>,
    %eq3A_160 = arith.constant 12 : i32
    %eq3A_161 = vector.broadcast %eq3A_160 : i32 to vector<16xi32>
    %eq3A_162 = arith.cmpi eq, %iota3A, %eq3A_161 : vector<16xi32>
    %select_n3A_163 = arith.select %eq3A_162, %get3A_53, %add3A_52 : vector<16xi1>, vector<16xi32>
    %jit3A_164 = arith.constant 0.000000e+00 : f32
    %broadcast_in_dim3A_165 = vector.broadcast %jit3A_164 : f32 to vector<16xf32>
    %select_n3A_166 = arith.select %eq3A_162, %get3A_55, %broadcast_in_dim3A_165 : vector<16xi1>, vector<16xf32>
    %gather3A_167 = tpu.vector_load_idx %arg8[%select_n3A_163] : memref<65664xf32, #tpu.memory_space<vmem>>[vector<16xi32>], vector<16xf32>,
    %add3A_168 = arith.addf %gather3A_167, %select_n3A_166 : vector<16xf32>
    tpu.vector_store_idx %arg8[%select_n3A_163], %add3A_168 : memref<65664xf32, #tpu.memory_space<vmem>>[vector<16xi32>], vector<16xf32>,
    %eq3A_169 = arith.constant 13 : i32
    %eq3A_170 = vector.broadcast %eq3A_169 : i32 to vector<16xi32>
    %eq3A_171 = arith.cmpi eq, %iota3A, %eq3A_170 : vector<16xi32>
    %select_n3A_172 = arith.select %eq3A_171, %get3A_53, %add3A_52 : vector<16xi1>, vector<16xi32>
    %jit3A_173 = arith.constant 0.000000e+00 : f32
    %broadcast_in_dim3A_174 = vector.broadcast %jit3A_173 : f32 to vector<16xf32>
    %select_n3A_175 = arith.select %eq3A_171, %get3A_55, %broadcast_in_dim3A_174 : vector<16xi1>, vector<16xf32>
    %gather3A_176 = tpu.vector_load_idx %arg8[%select_n3A_172] : memref<65664xf32, #tpu.memory_space<vmem>>[vector<16xi32>], vector<16xf32>,
    %add3A_177 = arith.addf %gather3A_176, %select_n3A_175 : vector<16xf32>
    tpu.vector_store_idx %arg8[%select_n3A_172], %add3A_177 : memref<65664xf32, #tpu.memory_space<vmem>>[vector<16xi32>], vector<16xf32>,
    %eq3A_178 = arith.constant 14 : i32
    %eq3A_179 = vector.broadcast %eq3A_178 : i32 to vector<16xi32>
    %eq3A_180 = arith.cmpi eq, %iota3A, %eq3A_179 : vector<16xi32>
    %select_n3A_181 = arith.select %eq3A_180, %get3A_53, %add3A_52 : vector<16xi1>, vector<16xi32>
    %jit3A_182 = arith.constant 0.000000e+00 : f32
    %broadcast_in_dim3A_183 = vector.broadcast %jit3A_182 : f32 to vector<16xf32>
    %select_n3A_184 = arith.select %eq3A_180, %get3A_55, %broadcast_in_dim3A_183 : vector<16xi1>, vector<16xf32>
    %gather3A_185 = tpu.vector_load_idx %arg8[%select_n3A_181] : memref<65664xf32, #tpu.memory_space<vmem>>[vector<16xi32>], vector<16xf32>,
    %add3A_186 = arith.addf %gather3A_185, %select_n3A_184 : vector<16xf32>
    tpu.vector_store_idx %arg8[%select_n3A_181], %add3A_186 : memref<65664xf32, #tpu.memory_space<vmem>>[vector<16xi32>], vector<16xf32>,
    %eq3A_187 = arith.constant 15 : i32
    %eq3A_188 = vector.broadcast %eq3A_187 : i32 to vector<16xi32>
    %eq3A_189 = arith.cmpi eq, %iota3A, %eq3A_188 : vector<16xi32>
    %select_n3A_190 = arith.select %eq3A_189, %get3A_53, %add3A_52 : vector<16xi1>, vector<16xi32>
    %jit3A_191 = arith.constant 0.000000e+00 : f32
    %broadcast_in_dim3A_192 = vector.broadcast %jit3A_191 : f32 to vector<16xf32>
    %select_n3A_193 = arith.select %eq3A_189, %get3A_55, %broadcast_in_dim3A_192 : vector<16xi1>, vector<16xf32>
    %gather3A_194 = tpu.vector_load_idx %arg8[%select_n3A_190] : memref<65664xf32, #tpu.memory_space<vmem>>[vector<16xi32>], vector<16xf32>,
    %add3A_195 = arith.addf %gather3A_194, %select_n3A_193 : vector<16xf32>
    tpu.vector_store_idx %arg8[%select_n3A_190], %add3A_195 : memref<65664xf32, #tpu.memory_space<vmem>>[vector<16xi32>], vector<16xf32>,
    %get3A_196 = arith.constant 16 : index
    %get3A_197 = tpu.vector_load %arg11[%get3A_196] {strides = array<i32>} : memref<128xi32, #tpu.memory_space<vmem>>, vector<16xi32>,
    %get3A_198 = arith.constant 16 : index
    %get3A_199 = tpu.vector_load %arg12[%get3A_198] {strides = array<i32>} : memref<128xf32, #tpu.memory_space<vmem>>, vector<16xf32>,
    %eq3A_200 = arith.constant 0 : i32
    %eq3A_201 = vector.broadcast %eq3A_200 : i32 to vector<16xi32>
    %eq3A_202 = arith.cmpi eq, %iota3A, %eq3A_201 : vector<16xi32>
    %select_n3A_203 = arith.select %eq3A_202, %get3A_197, %add3A_52 : vector<16xi1>, vector<16xi32>
    %jit3A_204 = arith.constant 0.000000e+00 : f32
    %broadcast_in_dim3A_205 = vector.broadcast %jit3A_204 : f32 to vector<16xf32>
    %select_n3A_206 = arith.select %eq3A_202, %get3A_199, %broadcast_in_dim3A_205 : vector<16xi1>, vector<16xf32>
    %gather3A_207 = tpu.vector_load_idx %arg8[%select_n3A_203] : memref<65664xf32, #tpu.memory_space<vmem>>[vector<16xi32>], vector<16xf32>,
    %add3A_208 = arith.addf %gather3A_207, %select_n3A_206 : vector<16xf32>
    tpu.vector_store_idx %arg8[%select_n3A_203], %add3A_208 : memref<65664xf32, #tpu.memory_space<vmem>>[vector<16xi32>], vector<16xf32>,
    %eq3A_209 = arith.constant 1 : i32
    %eq3A_210 = vector.broadcast %eq3A_209 : i32 to vector<16xi32>
    %eq3A_211 = arith.cmpi eq, %iota3A, %eq3A_210 : vector<16xi32>
    %select_n3A_212 = arith.select %eq3A_211, %get3A_197, %add3A_52 : vector<16xi1>, vector<16xi32>
    %jit3A_213 = arith.constant 0.000000e+00 : f32
    %broadcast_in_dim3A_214 = vector.broadcast %jit3A_213 : f32 to vector<16xf32>
    %select_n3A_215 = arith.select %eq3A_211, %get3A_199, %broadcast_in_dim3A_214 : vector<16xi1>, vector<16xf32>
    %gather3A_216 = tpu.vector_load_idx %arg8[%select_n3A_212] : memref<65664xf32, #tpu.memory_space<vmem>>[vector<16xi32>], vector<16xf32>,
    %add3A_217 = arith.addf %gather3A_216, %select_n3A_215 : vector<16xf32>
    tpu.vector_store_idx %arg8[%select_n3A_212], %add3A_217 : memref<65664xf32, #tpu.memory_space<vmem>>[vector<16xi32>], vector<16xf32>,
    %eq3A_218 = arith.constant 2 : i32
    %eq3A_219 = vector.broadcast %eq3A_218 : i32 to vector<16xi32>
    %eq3A_220 = arith.cmpi eq, %iota3A, %eq3A_219 : vector<16xi32>
    %select_n3A_221 = arith.select %eq3A_220, %get3A_197, %add3A_52 : vector<16xi1>, vector<16xi32>
    %jit3A_222 = arith.constant 0.000000e+00 : f32
    %broadcast_in_dim3A_223 = vector.broadcast %jit3A_222 : f32 to vector<16xf32>
    %select_n3A_224 = arith.select %eq3A_220, %get3A_199, %broadcast_in_dim3A_223 : vector<16xi1>, vector<16xf32>
    %gather3A_225 = tpu.vector_load_idx %arg8[%select_n3A_221] : memref<65664xf32, #tpu.memory_space<vmem>>[vector<16xi32>], vector<16xf32>,
    %add3A_226 = arith.addf %gather3A_225, %select_n3A_224 : vector<16xf32>
    tpu.vector_store_idx %arg8[%select_n3A_221], %add3A_226 : memref<65664xf32, #tpu.memory_space<vmem>>[vector<16xi32>], vector<16xf32>,
    %eq3A_227 = arith.constant 3 : i32
    %eq3A_228 = vector.broadcast %eq3A_227 : i32 to vector<16xi32>
    %eq3A_229 = arith.cmpi eq, %iota3A, %eq3A_228 : vector<16xi32>
    %select_n3A_230 = arith.select %eq3A_229, %get3A_197, %add3A_52 : vector<16xi1>, vector<16xi32>
    %jit3A_231 = arith.constant 0.000000e+00 : f32
    %broadcast_in_dim3A_232 = vector.broadcast %jit3A_231 : f32 to vector<16xf32>
    %select_n3A_233 = arith.select %eq3A_229, %get3A_199, %broadcast_in_dim3A_232 : vector<16xi1>, vector<16xf32>
    %gather3A_234 = tpu.vector_load_idx %arg8[%select_n3A_230] : memref<65664xf32, #tpu.memory_space<vmem>>[vector<16xi32>], vector<16xf32>,
    %add3A_235 = arith.addf %gather3A_234, %select_n3A_233 : vector<16xf32>
    tpu.vector_store_idx %arg8[%select_n3A_230], %add3A_235 : memref<65664xf32, #tpu.memory_space<vmem>>[vector<16xi32>], vector<16xf32>,
    %eq3A_236 = arith.constant 4 : i32
    %eq3A_237 = vector.broadcast %eq3A_236 : i32 to vector<16xi32>
    %eq3A_238 = arith.cmpi eq, %iota3A, %eq3A_237 : vector<16xi32>
    %select_n3A_239 = arith.select %eq3A_238, %get3A_197, %add3A_52 : vector<16xi1>, vector<16xi32>
    %jit3A_240 = arith.constant 0.000000e+00 : f32
    %broadcast_in_dim3A_241 = vector.broadcast %jit3A_240 : f32 to vector<16xf32>
    %select_n3A_242 = arith.select %eq3A_238, %get3A_199, %broadcast_in_dim3A_241 : vector<16xi1>, vector<16xf32>
    %gather3A_243 = tpu.vector_load_idx %arg8[%select_n3A_239] : memref<65664xf32, #tpu.memory_space<vmem>>[vector<16xi32>], vector<16xf32>,
    %add3A_244 = arith.addf %gather3A_243, %select_n3A_242 : vector<16xf32>
    tpu.vector_store_idx %arg8[%select_n3A_239], %add3A_244 : memref<65664xf32, #tpu.memory_space<vmem>>[vector<16xi32>], vector<16xf32>,
    %eq3A_245 = arith.constant 5 : i32
    %eq3A_246 = vector.broadcast %eq3A_245 : i32 to vector<16xi32>
    %eq3A_247 = arith.cmpi eq, %iota3A, %eq3A_246 : vector<16xi32>
    %select_n3A_248 = arith.select %eq3A_247, %get3A_197, %add3A_52 : vector<16xi1>, vector<16xi32>
    %jit3A_249 = arith.constant 0.000000e+00 : f32
    %broadcast_in_dim3A_250 = vector.broadcast %jit3A_249 : f32 to vector<16xf32>
    %select_n3A_251 = arith.select %eq3A_247, %get3A_199, %broadcast_in_dim3A_250 : vector<16xi1>, vector<16xf32>
    %gather3A_252 = tpu.vector_load_idx %arg8[%select_n3A_248] : memref<65664xf32, #tpu.memory_space<vmem>>[vector<16xi32>], vector<16xf32>,
    %add3A_253 = arith.addf %gather3A_252, %select_n3A_251 : vector<16xf32>
    tpu.vector_store_idx %arg8[%select_n3A_248], %add3A_253 : memref<65664xf32, #tpu.memory_space<vmem>>[vector<16xi32>], vector<16xf32>,
    %eq3A_254 = arith.constant 6 : i32
    %eq3A_255 = vector.broadcast %eq3A_254 : i32 to vector<16xi32>
    %eq3A_256 = arith.cmpi eq, %iota3A, %eq3A_255 : vector<16xi32>
    %select_n3A_257 = arith.select %eq3A_256, %get3A_197, %add3A_52 : vector<16xi1>, vector<16xi32>
    %jit3A_258 = arith.constant 0.000000e+00 : f32
    %broadcast_in_dim3A_259 = vector.broadcast %jit3A_258 : f32 to vector<16xf32>
    %select_n3A_260 = arith.select %eq3A_256, %get3A_199, %broadcast_in_dim3A_259 : vector<16xi1>, vector<16xf32>
    %gather3A_261 = tpu.vector_load_idx %arg8[%select_n3A_257] : memref<65664xf32, #tpu.memory_space<vmem>>[vector<16xi32>], vector<16xf32>,
    %add3A_262 = arith.addf %gather3A_261, %select_n3A_260 : vector<16xf32>
    tpu.vector_store_idx %arg8[%select_n3A_257], %add3A_262 : memref<65664xf32, #tpu.memory_space<vmem>>[vector<16xi32>], vector<16xf32>,
    %eq3A_263 = arith.constant 7 : i32
    %eq3A_264 = vector.broadcast %eq3A_263 : i32 to vector<16xi32>
    %eq3A_265 = arith.cmpi eq, %iota3A, %eq3A_264 : vector<16xi32>
    %select_n3A_266 = arith.select %eq3A_265, %get3A_197, %add3A_52 : vector<16xi1>, vector<16xi32>
    %jit3A_267 = arith.constant 0.000000e+00 : f32
    %broadcast_in_dim3A_268 = vector.broadcast %jit3A_267 : f32 to vector<16xf32>
    %select_n3A_269 = arith.select %eq3A_265, %get3A_199, %broadcast_in_dim3A_268 : vector<16xi1>, vector<16xf32>
    %gather3A_270 = tpu.vector_load_idx %arg8[%select_n3A_266] : memref<65664xf32, #tpu.memory_space<vmem>>[vector<16xi32>], vector<16xf32>,
    %add3A_271 = arith.addf %gather3A_270, %select_n3A_269 : vector<16xf32>
    tpu.vector_store_idx %arg8[%select_n3A_266], %add3A_271 : memref<65664xf32, #tpu.memory_space<vmem>>[vector<16xi32>], vector<16xf32>,
    %eq3A_272 = arith.constant 8 : i32
    %eq3A_273 = vector.broadcast %eq3A_272 : i32 to vector<16xi32>
    %eq3A_274 = arith.cmpi eq, %iota3A, %eq3A_273 : vector<16xi32>
    %select_n3A_275 = arith.select %eq3A_274, %get3A_197, %add3A_52 : vector<16xi1>, vector<16xi32>
    %jit3A_276 = arith.constant 0.000000e+00 : f32
    %broadcast_in_dim3A_277 = vector.broadcast %jit3A_276 : f32 to vector<16xf32>
    %select_n3A_278 = arith.select %eq3A_274, %get3A_199, %broadcast_in_dim3A_277 : vector<16xi1>, vector<16xf32>
    %gather3A_279 = tpu.vector_load_idx %arg8[%select_n3A_275] : memref<65664xf32, #tpu.memory_space<vmem>>[vector<16xi32>], vector<16xf32>,
    %add3A_280 = arith.addf %gather3A_279, %select_n3A_278 : vector<16xf32>
    tpu.vector_store_idx %arg8[%select_n3A_275], %add3A_280 : memref<65664xf32, #tpu.memory_space<vmem>>[vector<16xi32>], vector<16xf32>,
    %eq3A_281 = arith.constant 9 : i32
    %eq3A_282 = vector.broadcast %eq3A_281 : i32 to vector<16xi32>
    %eq3A_283 = arith.cmpi eq, %iota3A, %eq3A_282 : vector<16xi32>
    %select_n3A_284 = arith.select %eq3A_283, %get3A_197, %add3A_52 : vector<16xi1>, vector<16xi32>
    %jit3A_285 = arith.constant 0.000000e+00 : f32
    %broadcast_in_dim3A_286 = vector.broadcast %jit3A_285 : f32 to vector<16xf32>
    %select_n3A_287 = arith.select %eq3A_283, %get3A_199, %broadcast_in_dim3A_286 : vector<16xi1>, vector<16xf32>
    %gather3A_288 = tpu.vector_load_idx %arg8[%select_n3A_284] : memref<65664xf32, #tpu.memory_space<vmem>>[vector<16xi32>], vector<16xf32>,
    %add3A_289 = arith.addf %gather3A_288, %select_n3A_287 : vector<16xf32>
    tpu.vector_store_idx %arg8[%select_n3A_284], %add3A_289 : memref<65664xf32, #tpu.memory_space<vmem>>[vector<16xi32>], vector<16xf32>,
    %eq3A_290 = arith.constant 10 : i32
    %eq3A_291 = vector.broadcast %eq3A_290 : i32 to vector<16xi32>
    %eq3A_292 = arith.cmpi eq, %iota3A, %eq3A_291 : vector<16xi32>
    %select_n3A_293 = arith.select %eq3A_292, %get3A_197, %add3A_52 : vector<16xi1>, vector<16xi32>
    %jit3A_294 = arith.constant 0.000000e+00 : f32
    %broadcast_in_dim3A_295 = vector.broadcast %jit3A_294 : f32 to vector<16xf32>
    %select_n3A_296 = arith.select %eq3A_292, %get3A_199, %broadcast_in_dim3A_295 : vector<16xi1>, vector<16xf32>
    %gather3A_297 = tpu.vector_load_idx %arg8[%select_n3A_293] : memref<65664xf32, #tpu.memory_space<vmem>>[vector<16xi32>], vector<16xf32>,
    %add3A_298 = arith.addf %gather3A_297, %select_n3A_296 : vector<16xf32>
    tpu.vector_store_idx %arg8[%select_n3A_293], %add3A_298 : memref<65664xf32, #tpu.memory_space<vmem>>[vector<16xi32>], vector<16xf32>,
    %eq3A_299 = arith.constant 11 : i32
    %eq3A_300 = vector.broadcast %eq3A_299 : i32 to vector<16xi32>
    %eq3A_301 = arith.cmpi eq, %iota3A, %eq3A_300 : vector<16xi32>
    %select_n3A_302 = arith.select %eq3A_301, %get3A_197, %add3A_52 : vector<16xi1>, vector<16xi32>
    %jit3A_303 = arith.constant 0.000000e+00 : f32
    %broadcast_in_dim3A_304 = vector.broadcast %jit3A_303 : f32 to vector<16xf32>
    %select_n3A_305 = arith.select %eq3A_301, %get3A_199, %broadcast_in_dim3A_304 : vector<16xi1>, vector<16xf32>
    %gather3A_306 = tpu.vector_load_idx %arg8[%select_n3A_302] : memref<65664xf32, #tpu.memory_space<vmem>>[vector<16xi32>], vector<16xf32>,
    %add3A_307 = arith.addf %gather3A_306, %select_n3A_305 : vector<16xf32>
    tpu.vector_store_idx %arg8[%select_n3A_302], %add3A_307 : memref<65664xf32, #tpu.memory_space<vmem>>[vector<16xi32>], vector<16xf32>,
    %eq3A_308 = arith.constant 12 : i32
    %eq3A_309 = vector.broadcast %eq3A_308 : i32 to vector<16xi32>
    %eq3A_310 = arith.cmpi eq, %iota3A, %eq3A_309 : vector<16xi32>
    %select_n3A_311 = arith.select %eq3A_310, %get3A_197, %add3A_52 : vector<16xi1>, vector<16xi32>
    %jit3A_312 = arith.constant 0.000000e+00 : f32
    %broadcast_in_dim3A_313 = vector.broadcast %jit3A_312 : f32 to vector<16xf32>
    %select_n3A_314 = arith.select %eq3A_310, %get3A_199, %broadcast_in_dim3A_313 : vector<16xi1>, vector<16xf32>
    %gather3A_315 = tpu.vector_load_idx %arg8[%select_n3A_311] : memref<65664xf32, #tpu.memory_space<vmem>>[vector<16xi32>], vector<16xf32>,
    %add3A_316 = arith.addf %gather3A_315, %select_n3A_314 : vector<16xf32>
    tpu.vector_store_idx %arg8[%select_n3A_311], %add3A_316 : memref<65664xf32, #tpu.memory_space<vmem>>[vector<16xi32>], vector<16xf32>,
    %eq3A_317 = arith.constant 13 : i32
    %eq3A_318 = vector.broadcast %eq3A_317 : i32 to vector<16xi32>
    %eq3A_319 = arith.cmpi eq, %iota3A, %eq3A_318 : vector<16xi32>
    %select_n3A_320 = arith.select %eq3A_319, %get3A_197, %add3A_52 : vector<16xi1>, vector<16xi32>
    %jit3A_321 = arith.constant 0.000000e+00 : f32
    %broadcast_in_dim3A_322 = vector.broadcast %jit3A_321 : f32 to vector<16xf32>
    %select_n3A_323 = arith.select %eq3A_319, %get3A_199, %broadcast_in_dim3A_322 : vector<16xi1>, vector<16xf32>
    %gather3A_324 = tpu.vector_load_idx %arg8[%select_n3A_320] : memref<65664xf32, #tpu.memory_space<vmem>>[vector<16xi32>], vector<16xf32>,
    %add3A_325 = arith.addf %gather3A_324, %select_n3A_323 : vector<16xf32>
    tpu.vector_store_idx %arg8[%select_n3A_320], %add3A_325 : memref<65664xf32, #tpu.memory_space<vmem>>[vector<16xi32>], vector<16xf32>,
    %eq3A_326 = arith.constant 14 : i32
    %eq3A_327 = vector.broadcast %eq3A_326 : i32 to vector<16xi32>
    %eq3A_328 = arith.cmpi eq, %iota3A, %eq3A_327 : vector<16xi32>
    %select_n3A_329 = arith.select %eq3A_328, %get3A_197, %add3A_52 : vector<16xi1>, vector<16xi32>
    %jit3A_330 = arith.constant 0.000000e+00 : f32
    %broadcast_in_dim3A_331 = vector.broadcast %jit3A_330 : f32 to vector<16xf32>
    %select_n3A_332 = arith.select %eq3A_328, %get3A_199, %broadcast_in_dim3A_331 : vector<16xi1>, vector<16xf32>
    %gather3A_333 = tpu.vector_load_idx %arg8[%select_n3A_329] : memref<65664xf32, #tpu.memory_space<vmem>>[vector<16xi32>], vector<16xf32>,
    %add3A_334 = arith.addf %gather3A_333, %select_n3A_332 : vector<16xf32>
    tpu.vector_store_idx %arg8[%select_n3A_329], %add3A_334 : memref<65664xf32, #tpu.memory_space<vmem>>[vector<16xi32>], vector<16xf32>,
    %eq3A_335 = arith.constant 15 : i32
    %eq3A_336 = vector.broadcast %eq3A_335 : i32 to vector<16xi32>
    %eq3A_337 = arith.cmpi eq, %iota3A, %eq3A_336 : vector<16xi32>
    %select_n3A_338 = arith.select %eq3A_337, %get3A_197, %add3A_52 : vector<16xi1>, vector<16xi32>
    %jit3A_339 = arith.constant 0.000000e+00 : f32
    %broadcast_in_dim3A_340 = vector.broadcast %jit3A_339 : f32 to vector<16xf32>
    %select_n3A_341 = arith.select %eq3A_337, %get3A_199, %broadcast_in_dim3A_340 : vector<16xi1>, vector<16xf32>
    %gather3A_342 = tpu.vector_load_idx %arg8[%select_n3A_338] : memref<65664xf32, #tpu.memory_space<vmem>>[vector<16xi32>], vector<16xf32>,
    %add3A_343 = arith.addf %gather3A_342, %select_n3A_341 : vector<16xf32>
    tpu.vector_store_idx %arg8[%select_n3A_338], %add3A_343 : memref<65664xf32, #tpu.memory_space<vmem>>[vector<16xi32>], vector<16xf32>,
    %get3A_344 = arith.constant 32 : index
    %get3A_345 = tpu.vector_load %arg11[%get3A_344] {strides = array<i32>} : memref<128xi32, #tpu.memory_space<vmem>>, vector<16xi32>,
    %get3A_346 = arith.constant 32 : index
    %get3A_347 = tpu.vector_load %arg12[%get3A_346] {strides = array<i32>} : memref<128xf32, #tpu.memory_space<vmem>>, vector<16xf32>,
    %eq3A_348 = arith.constant 0 : i32
    %eq3A_349 = vector.broadcast %eq3A_348 : i32 to vector<16xi32>
    %eq3A_350 = arith.cmpi eq, %iota3A, %eq3A_349 : vector<16xi32>
    %select_n3A_351 = arith.select %eq3A_350, %get3A_345, %add3A_52 : vector<16xi1>, vector<16xi32>
    %jit3A_352 = arith.constant 0.000000e+00 : f32
    %broadcast_in_dim3A_353 = vector.broadcast %jit3A_352 : f32 to vector<16xf32>
    %select_n3A_354 = arith.select %eq3A_350, %get3A_347, %broadcast_in_dim3A_353 : vector<16xi1>, vector<16xf32>
    %gather3A_355 = tpu.vector_load_idx %arg8[%select_n3A_351] : memref<65664xf32, #tpu.memory_space<vmem>>[vector<16xi32>], vector<16xf32>,
    %add3A_356 = arith.addf %gather3A_355, %select_n3A_354 : vector<16xf32>
    tpu.vector_store_idx %arg8[%select_n3A_351], %add3A_356 : memref<65664xf32, #tpu.memory_space<vmem>>[vector<16xi32>], vector<16xf32>,
    %eq3A_357 = arith.constant 1 : i32
    %eq3A_358 = vector.broadcast %eq3A_357 : i32 to vector<16xi32>
    %eq3A_359 = arith.cmpi eq, %iota3A, %eq3A_358 : vector<16xi32>
    %select_n3A_360 = arith.select %eq3A_359, %get3A_345, %add3A_52 : vector<16xi1>, vector<16xi32>
    %jit3A_361 = arith.constant 0.000000e+00 : f32
    %broadcast_in_dim3A_362 = vector.broadcast %jit3A_361 : f32 to vector<16xf32>
    %select_n3A_363 = arith.select %eq3A_359, %get3A_347, %broadcast_in_dim3A_362 : vector<16xi1>, vector<16xf32>
    %gather3A_364 = tpu.vector_load_idx %arg8[%select_n3A_360] : memref<65664xf32, #tpu.memory_space<vmem>>[vector<16xi32>], vector<16xf32>,
    %add3A_365 = arith.addf %gather3A_364, %select_n3A_363 : vector<16xf32>
    tpu.vector_store_idx %arg8[%select_n3A_360], %add3A_365 : memref<65664xf32, #tpu.memory_space<vmem>>[vector<16xi32>], vector<16xf32>,
    %eq3A_366 = arith.constant 2 : i32
    %eq3A_367 = vector.broadcast %eq3A_366 : i32 to vector<16xi32>
    %eq3A_368 = arith.cmpi eq, %iota3A, %eq3A_367 : vector<16xi32>
    %select_n3A_369 = arith.select %eq3A_368, %get3A_345, %add3A_52 : vector<16xi1>, vector<16xi32>
    %jit3A_370 = arith.constant 0.000000e+00 : f32
    %broadcast_in_dim3A_371 = vector.broadcast %jit3A_370 : f32 to vector<16xf32>
    %select_n3A_372 = arith.select %eq3A_368, %get3A_347, %broadcast_in_dim3A_371 : vector<16xi1>, vector<16xf32>
    %gather3A_373 = tpu.vector_load_idx %arg8[%select_n3A_369] : memref<65664xf32, #tpu.memory_space<vmem>>[vector<16xi32>], vector<16xf32>,
    %add3A_374 = arith.addf %gather3A_373, %select_n3A_372 : vector<16xf32>
    tpu.vector_store_idx %arg8[%select_n3A_369], %add3A_374 : memref<65664xf32, #tpu.memory_space<vmem>>[vector<16xi32>], vector<16xf32>,
    %eq3A_375 = arith.constant 3 : i32
    %eq3A_376 = vector.broadcast %eq3A_375 : i32 to vector<16xi32>
    %eq3A_377 = arith.cmpi eq, %iota3A, %eq3A_376 : vector<16xi32>
    %select_n3A_378 = arith.select %eq3A_377, %get3A_345, %add3A_52 : vector<16xi1>, vector<16xi32>
    %jit3A_379 = arith.constant 0.000000e+00 : f32
    %broadcast_in_dim3A_380 = vector.broadcast %jit3A_379 : f32 to vector<16xf32>
    %select_n3A_381 = arith.select %eq3A_377, %get3A_347, %broadcast_in_dim3A_380 : vector<16xi1>, vector<16xf32>
    %gather3A_382 = tpu.vector_load_idx %arg8[%select_n3A_378] : memref<65664xf32, #tpu.memory_space<vmem>>[vector<16xi32>], vector<16xf32>,
    %add3A_383 = arith.addf %gather3A_382, %select_n3A_381 : vector<16xf32>
    tpu.vector_store_idx %arg8[%select_n3A_378], %add3A_383 : memref<65664xf32, #tpu.memory_space<vmem>>[vector<16xi32>], vector<16xf32>,
    %eq3A_384 = arith.constant 4 : i32
    %eq3A_385 = vector.broadcast %eq3A_384 : i32 to vector<16xi32>
    %eq3A_386 = arith.cmpi eq, %iota3A, %eq3A_385 : vector<16xi32>
    %select_n3A_387 = arith.select %eq3A_386, %get3A_345, %add3A_52 : vector<16xi1>, vector<16xi32>
    %jit3A_388 = arith.constant 0.000000e+00 : f32
    %broadcast_in_dim3A_389 = vector.broadcast %jit3A_388 : f32 to vector<16xf32>
    %select_n3A_390 = arith.select %eq3A_386, %get3A_347, %broadcast_in_dim3A_389 : vector<16xi1>, vector<16xf32>
    %gather3A_391 = tpu.vector_load_idx %arg8[%select_n3A_387] : memref<65664xf32, #tpu.memory_space<vmem>>[vector<16xi32>], vector<16xf32>,
    %add3A_392 = arith.addf %gather3A_391, %select_n3A_390 : vector<16xf32>
    tpu.vector_store_idx %arg8[%select_n3A_387], %add3A_392 : memref<65664xf32, #tpu.memory_space<vmem>>[vector<16xi32>], vector<16xf32>,
    %eq3A_393 = arith.constant 5 : i32
    %eq3A_394 = vector.broadcast %eq3A_393 : i32 to vector<16xi32>
    %eq3A_395 = arith.cmpi eq, %iota3A, %eq3A_394 : vector<16xi32>
    %select_n3A_396 = arith.select %eq3A_395, %get3A_345, %add3A_52 : vector<16xi1>, vector<16xi32>
    %jit3A_397 = arith.constant 0.000000e+00 : f32
    %broadcast_in_dim3A_398 = vector.broadcast %jit3A_397 : f32 to vector<16xf32>
    %select_n3A_399 = arith.select %eq3A_395, %get3A_347, %broadcast_in_dim3A_398 : vector<16xi1>, vector<16xf32>
    %gather3A_400 = tpu.vector_load_idx %arg8[%select_n3A_396] : memref<65664xf32, #tpu.memory_space<vmem>>[vector<16xi32>], vector<16xf32>,
    %add3A_401 = arith.addf %gather3A_400, %select_n3A_399 : vector<16xf32>
    tpu.vector_store_idx %arg8[%select_n3A_396], %add3A_401 : memref<65664xf32, #tpu.memory_space<vmem>>[vector<16xi32>], vector<16xf32>,
    %eq3A_402 = arith.constant 6 : i32
    %eq3A_403 = vector.broadcast %eq3A_402 : i32 to vector<16xi32>
    %eq3A_404 = arith.cmpi eq, %iota3A, %eq3A_403 : vector<16xi32>
    %select_n3A_405 = arith.select %eq3A_404, %get3A_345, %add3A_52 : vector<16xi1>, vector<16xi32>
    %jit3A_406 = arith.constant 0.000000e+00 : f32
    %broadcast_in_dim3A_407 = vector.broadcast %jit3A_406 : f32 to vector<16xf32>
    %select_n3A_408 = arith.select %eq3A_404, %get3A_347, %broadcast_in_dim3A_407 : vector<16xi1>, vector<16xf32>
    %gather3A_409 = tpu.vector_load_idx %arg8[%select_n3A_405] : memref<65664xf32, #tpu.memory_space<vmem>>[vector<16xi32>], vector<16xf32>,
    %add3A_410 = arith.addf %gather3A_409, %select_n3A_408 : vector<16xf32>
    tpu.vector_store_idx %arg8[%select_n3A_405], %add3A_410 : memref<65664xf32, #tpu.memory_space<vmem>>[vector<16xi32>], vector<16xf32>,
    %eq3A_411 = arith.constant 7 : i32
    %eq3A_412 = vector.broadcast %eq3A_411 : i32 to vector<16xi32>
    %eq3A_413 = arith.cmpi eq, %iota3A, %eq3A_412 : vector<16xi32>
    %select_n3A_414 = arith.select %eq3A_413, %get3A_345, %add3A_52 : vector<16xi1>, vector<16xi32>
    %jit3A_415 = arith.constant 0.000000e+00 : f32
    %broadcast_in_dim3A_416 = vector.broadcast %jit3A_415 : f32 to vector<16xf32>
    %select_n3A_417 = arith.select %eq3A_413, %get3A_347, %broadcast_in_dim3A_416 : vector<16xi1>, vector<16xf32>
    %gather3A_418 = tpu.vector_load_idx %arg8[%select_n3A_414] : memref<65664xf32, #tpu.memory_space<vmem>>[vector<16xi32>], vector<16xf32>,
    %add3A_419 = arith.addf %gather3A_418, %select_n3A_417 : vector<16xf32>
    tpu.vector_store_idx %arg8[%select_n3A_414], %add3A_419 : memref<65664xf32, #tpu.memory_space<vmem>>[vector<16xi32>], vector<16xf32>,
    %eq3A_420 = arith.constant 8 : i32
    %eq3A_421 = vector.broadcast %eq3A_420 : i32 to vector<16xi32>
    %eq3A_422 = arith.cmpi eq, %iota3A, %eq3A_421 : vector<16xi32>
    %select_n3A_423 = arith.select %eq3A_422, %get3A_345, %add3A_52 : vector<16xi1>, vector<16xi32>
    %jit3A_424 = arith.constant 0.000000e+00 : f32
    %broadcast_in_dim3A_425 = vector.broadcast %jit3A_424 : f32 to vector<16xf32>
    %select_n3A_426 = arith.select %eq3A_422, %get3A_347, %broadcast_in_dim3A_425 : vector<16xi1>, vector<16xf32>
    %gather3A_427 = tpu.vector_load_idx %arg8[%select_n3A_423] : memref<65664xf32, #tpu.memory_space<vmem>>[vector<16xi32>], vector<16xf32>,
    %add3A_428 = arith.addf %gather3A_427, %select_n3A_426 : vector<16xf32>
    tpu.vector_store_idx %arg8[%select_n3A_423], %add3A_428 : memref<65664xf32, #tpu.memory_space<vmem>>[vector<16xi32>], vector<16xf32>,
    %eq3A_429 = arith.constant 9 : i32
    %eq3A_430 = vector.broadcast %eq3A_429 : i32 to vector<16xi32>
    %eq3A_431 = arith.cmpi eq, %iota3A, %eq3A_430 : vector<16xi32>
    %select_n3A_432 = arith.select %eq3A_431, %get3A_345, %add3A_52 : vector<16xi1>, vector<16xi32>
    %jit3A_433 = arith.constant 0.000000e+00 : f32
    %broadcast_in_dim3A_434 = vector.broadcast %jit3A_433 : f32 to vector<16xf32>
    %select_n3A_435 = arith.select %eq3A_431, %get3A_347, %broadcast_in_dim3A_434 : vector<16xi1>, vector<16xf32>
    %gather3A_436 = tpu.vector_load_idx %arg8[%select_n3A_432] : memref<65664xf32, #tpu.memory_space<vmem>>[vector<16xi32>], vector<16xf32>,
    %add3A_437 = arith.addf %gather3A_436, %select_n3A_435 : vector<16xf32>
    tpu.vector_store_idx %arg8[%select_n3A_432], %add3A_437 : memref<65664xf32, #tpu.memory_space<vmem>>[vector<16xi32>], vector<16xf32>,
    %eq3A_438 = arith.constant 10 : i32
    %eq3A_439 = vector.broadcast %eq3A_438 : i32 to vector<16xi32>
    %eq3A_440 = arith.cmpi eq, %iota3A, %eq3A_439 : vector<16xi32>
    %select_n3A_441 = arith.select %eq3A_440, %get3A_345, %add3A_52 : vector<16xi1>, vector<16xi32>
    %jit3A_442 = arith.constant 0.000000e+00 : f32
    %broadcast_in_dim3A_443 = vector.broadcast %jit3A_442 : f32 to vector<16xf32>
    %select_n3A_444 = arith.select %eq3A_440, %get3A_347, %broadcast_in_dim3A_443 : vector<16xi1>, vector<16xf32>
    %gather3A_445 = tpu.vector_load_idx %arg8[%select_n3A_441] : memref<65664xf32, #tpu.memory_space<vmem>>[vector<16xi32>], vector<16xf32>,
    %add3A_446 = arith.addf %gather3A_445, %select_n3A_444 : vector<16xf32>
    tpu.vector_store_idx %arg8[%select_n3A_441], %add3A_446 : memref<65664xf32, #tpu.memory_space<vmem>>[vector<16xi32>], vector<16xf32>,
    %eq3A_447 = arith.constant 11 : i32
    %eq3A_448 = vector.broadcast %eq3A_447 : i32 to vector<16xi32>
    %eq3A_449 = arith.cmpi eq, %iota3A, %eq3A_448 : vector<16xi32>
    %select_n3A_450 = arith.select %eq3A_449, %get3A_345, %add3A_52 : vector<16xi1>, vector<16xi32>
    %jit3A_451 = arith.constant 0.000000e+00 : f32
    %broadcast_in_dim3A_452 = vector.broadcast %jit3A_451 : f32 to vector<16xf32>
    %select_n3A_453 = arith.select %eq3A_449, %get3A_347, %broadcast_in_dim3A_452 : vector<16xi1>, vector<16xf32>
    %gather3A_454 = tpu.vector_load_idx %arg8[%select_n3A_450] : memref<65664xf32, #tpu.memory_space<vmem>>[vector<16xi32>], vector<16xf32>,
    %add3A_455 = arith.addf %gather3A_454, %select_n3A_453 : vector<16xf32>
    tpu.vector_store_idx %arg8[%select_n3A_450], %add3A_455 : memref<65664xf32, #tpu.memory_space<vmem>>[vector<16xi32>], vector<16xf32>,
    %eq3A_456 = arith.constant 12 : i32
    %eq3A_457 = vector.broadcast %eq3A_456 : i32 to vector<16xi32>
    %eq3A_458 = arith.cmpi eq, %iota3A, %eq3A_457 : vector<16xi32>
    %select_n3A_459 = arith.select %eq3A_458, %get3A_345, %add3A_52 : vector<16xi1>, vector<16xi32>
    %jit3A_460 = arith.constant 0.000000e+00 : f32
    %broadcast_in_dim3A_461 = vector.broadcast %jit3A_460 : f32 to vector<16xf32>
    %select_n3A_462 = arith.select %eq3A_458, %get3A_347, %broadcast_in_dim3A_461 : vector<16xi1>, vector<16xf32>
    %gather3A_463 = tpu.vector_load_idx %arg8[%select_n3A_459] : memref<65664xf32, #tpu.memory_space<vmem>>[vector<16xi32>], vector<16xf32>,
    %add3A_464 = arith.addf %gather3A_463, %select_n3A_462 : vector<16xf32>
    tpu.vector_store_idx %arg8[%select_n3A_459], %add3A_464 : memref<65664xf32, #tpu.memory_space<vmem>>[vector<16xi32>], vector<16xf32>,
    %eq3A_465 = arith.constant 13 : i32
    %eq3A_466 = vector.broadcast %eq3A_465 : i32 to vector<16xi32>
    %eq3A_467 = arith.cmpi eq, %iota3A, %eq3A_466 : vector<16xi32>
    %select_n3A_468 = arith.select %eq3A_467, %get3A_345, %add3A_52 : vector<16xi1>, vector<16xi32>
    %jit3A_469 = arith.constant 0.000000e+00 : f32
    %broadcast_in_dim3A_470 = vector.broadcast %jit3A_469 : f32 to vector<16xf32>
    %select_n3A_471 = arith.select %eq3A_467, %get3A_347, %broadcast_in_dim3A_470 : vector<16xi1>, vector<16xf32>
    %gather3A_472 = tpu.vector_load_idx %arg8[%select_n3A_468] : memref<65664xf32, #tpu.memory_space<vmem>>[vector<16xi32>], vector<16xf32>,
    %add3A_473 = arith.addf %gather3A_472, %select_n3A_471 : vector<16xf32>
    tpu.vector_store_idx %arg8[%select_n3A_468], %add3A_473 : memref<65664xf32, #tpu.memory_space<vmem>>[vector<16xi32>], vector<16xf32>,
    %eq3A_474 = arith.constant 14 : i32
    %eq3A_475 = vector.broadcast %eq3A_474 : i32 to vector<16xi32>
    %eq3A_476 = arith.cmpi eq, %iota3A, %eq3A_475 : vector<16xi32>
    %select_n3A_477 = arith.select %eq3A_476, %get3A_345, %add3A_52 : vector<16xi1>, vector<16xi32>
    %jit3A_478 = arith.constant 0.000000e+00 : f32
    %broadcast_in_dim3A_479 = vector.broadcast %jit3A_478 : f32 to vector<16xf32>
    %select_n3A_480 = arith.select %eq3A_476, %get3A_347, %broadcast_in_dim3A_479 : vector<16xi1>, vector<16xf32>
    %gather3A_481 = tpu.vector_load_idx %arg8[%select_n3A_477] : memref<65664xf32, #tpu.memory_space<vmem>>[vector<16xi32>], vector<16xf32>,
    %add3A_482 = arith.addf %gather3A_481, %select_n3A_480 : vector<16xf32>
    tpu.vector_store_idx %arg8[%select_n3A_477], %add3A_482 : memref<65664xf32, #tpu.memory_space<vmem>>[vector<16xi32>], vector<16xf32>,
    %eq3A_483 = arith.constant 15 : i32
    %eq3A_484 = vector.broadcast %eq3A_483 : i32 to vector<16xi32>
    %eq3A_485 = arith.cmpi eq, %iota3A, %eq3A_484 : vector<16xi32>
    %select_n3A_486 = arith.select %eq3A_485, %get3A_345, %add3A_52 : vector<16xi1>, vector<16xi32>
    %jit3A_487 = arith.constant 0.000000e+00 : f32
    %broadcast_in_dim3A_488 = vector.broadcast %jit3A_487 : f32 to vector<16xf32>
    %select_n3A_489 = arith.select %eq3A_485, %get3A_347, %broadcast_in_dim3A_488 : vector<16xi1>, vector<16xf32>
    %gather3A_490 = tpu.vector_load_idx %arg8[%select_n3A_486] : memref<65664xf32, #tpu.memory_space<vmem>>[vector<16xi32>], vector<16xf32>,
    %add3A_491 = arith.addf %gather3A_490, %select_n3A_489 : vector<16xf32>
    tpu.vector_store_idx %arg8[%select_n3A_486], %add3A_491 : memref<65664xf32, #tpu.memory_space<vmem>>[vector<16xi32>], vector<16xf32>,
    %get3A_492 = arith.constant 48 : index
    %get3A_493 = tpu.vector_load %arg11[%get3A_492] {strides = array<i32>} : memref<128xi32, #tpu.memory_space<vmem>>, vector<16xi32>,
    %get3A_494 = arith.constant 48 : index
    %get3A_495 = tpu.vector_load %arg12[%get3A_494] {strides = array<i32>} : memref<128xf32, #tpu.memory_space<vmem>>, vector<16xf32>,
    %eq3A_496 = arith.constant 0 : i32
    %eq3A_497 = vector.broadcast %eq3A_496 : i32 to vector<16xi32>
    %eq3A_498 = arith.cmpi eq, %iota3A, %eq3A_497 : vector<16xi32>
    %select_n3A_499 = arith.select %eq3A_498, %get3A_493, %add3A_52 : vector<16xi1>, vector<16xi32>
    %jit3A_500 = arith.constant 0.000000e+00 : f32
    %broadcast_in_dim3A_501 = vector.broadcast %jit3A_500 : f32 to vector<16xf32>
    %select_n3A_502 = arith.select %eq3A_498, %get3A_495, %broadcast_in_dim3A_501 : vector<16xi1>, vector<16xf32>
    %gather3A_503 = tpu.vector_load_idx %arg8[%select_n3A_499] : memref<65664xf32, #tpu.memory_space<vmem>>[vector<16xi32>], vector<16xf32>,
    %add3A_504 = arith.addf %gather3A_503, %select_n3A_502 : vector<16xf32>
    tpu.vector_store_idx %arg8[%select_n3A_499], %add3A_504 : memref<65664xf32, #tpu.memory_space<vmem>>[vector<16xi32>], vector<16xf32>,
    %eq3A_505 = arith.constant 1 : i32
    %eq3A_506 = vector.broadcast %eq3A_505 : i32 to vector<16xi32>
    %eq3A_507 = arith.cmpi eq, %iota3A, %eq3A_506 : vector<16xi32>
    %select_n3A_508 = arith.select %eq3A_507, %get3A_493, %add3A_52 : vector<16xi1>, vector<16xi32>
    %jit3A_509 = arith.constant 0.000000e+00 : f32
    %broadcast_in_dim3A_510 = vector.broadcast %jit3A_509 : f32 to vector<16xf32>
    %select_n3A_511 = arith.select %eq3A_507, %get3A_495, %broadcast_in_dim3A_510 : vector<16xi1>, vector<16xf32>
    %gather3A_512 = tpu.vector_load_idx %arg8[%select_n3A_508] : memref<65664xf32, #tpu.memory_space<vmem>>[vector<16xi32>], vector<16xf32>,
    %add3A_513 = arith.addf %gather3A_512, %select_n3A_511 : vector<16xf32>
    tpu.vector_store_idx %arg8[%select_n3A_508], %add3A_513 : memref<65664xf32, #tpu.memory_space<vmem>>[vector<16xi32>], vector<16xf32>,
    %eq3A_514 = arith.constant 2 : i32
    %eq3A_515 = vector.broadcast %eq3A_514 : i32 to vector<16xi32>
    %eq3A_516 = arith.cmpi eq, %iota3A, %eq3A_515 : vector<16xi32>
    %select_n3A_517 = arith.select %eq3A_516, %get3A_493, %add3A_52 : vector<16xi1>, vector<16xi32>
    %jit3A_518 = arith.constant 0.000000e+00 : f32
    %broadcast_in_dim3A_519 = vector.broadcast %jit3A_518 : f32 to vector<16xf32>
    %select_n3A_520 = arith.select %eq3A_516, %get3A_495, %broadcast_in_dim3A_519 : vector<16xi1>, vector<16xf32>
    %gather3A_521 = tpu.vector_load_idx %arg8[%select_n3A_517] : memref<65664xf32, #tpu.memory_space<vmem>>[vector<16xi32>], vector<16xf32>,
    %add3A_522 = arith.addf %gather3A_521, %select_n3A_520 : vector<16xf32>
    tpu.vector_store_idx %arg8[%select_n3A_517], %add3A_522 : memref<65664xf32, #tpu.memory_space<vmem>>[vector<16xi32>], vector<16xf32>,
    %eq3A_523 = arith.constant 3 : i32
    %eq3A_524 = vector.broadcast %eq3A_523 : i32 to vector<16xi32>
    %eq3A_525 = arith.cmpi eq, %iota3A, %eq3A_524 : vector<16xi32>
    %select_n3A_526 = arith.select %eq3A_525, %get3A_493, %add3A_52 : vector<16xi1>, vector<16xi32>
    %jit3A_527 = arith.constant 0.000000e+00 : f32
    %broadcast_in_dim3A_528 = vector.broadcast %jit3A_527 : f32 to vector<16xf32>
    %select_n3A_529 = arith.select %eq3A_525, %get3A_495, %broadcast_in_dim3A_528 : vector<16xi1>, vector<16xf32>
    %gather3A_530 = tpu.vector_load_idx %arg8[%select_n3A_526] : memref<65664xf32, #tpu.memory_space<vmem>>[vector<16xi32>], vector<16xf32>,
    %add3A_531 = arith.addf %gather3A_530, %select_n3A_529 : vector<16xf32>
    tpu.vector_store_idx %arg8[%select_n3A_526], %add3A_531 : memref<65664xf32, #tpu.memory_space<vmem>>[vector<16xi32>], vector<16xf32>,
    %eq3A_532 = arith.constant 4 : i32
    %eq3A_533 = vector.broadcast %eq3A_532 : i32 to vector<16xi32>
    %eq3A_534 = arith.cmpi eq, %iota3A, %eq3A_533 : vector<16xi32>
    %select_n3A_535 = arith.select %eq3A_534, %get3A_493, %add3A_52 : vector<16xi1>, vector<16xi32>
    %jit3A_536 = arith.constant 0.000000e+00 : f32
    %broadcast_in_dim3A_537 = vector.broadcast %jit3A_536 : f32 to vector<16xf32>
    %select_n3A_538 = arith.select %eq3A_534, %get3A_495, %broadcast_in_dim3A_537 : vector<16xi1>, vector<16xf32>
    %gather3A_539 = tpu.vector_load_idx %arg8[%select_n3A_535] : memref<65664xf32, #tpu.memory_space<vmem>>[vector<16xi32>], vector<16xf32>,
    %add3A_540 = arith.addf %gather3A_539, %select_n3A_538 : vector<16xf32>
    tpu.vector_store_idx %arg8[%select_n3A_535], %add3A_540 : memref<65664xf32, #tpu.memory_space<vmem>>[vector<16xi32>], vector<16xf32>,
    %eq3A_541 = arith.constant 5 : i32
    %eq3A_542 = vector.broadcast %eq3A_541 : i32 to vector<16xi32>
    %eq3A_543 = arith.cmpi eq, %iota3A, %eq3A_542 : vector<16xi32>
    %select_n3A_544 = arith.select %eq3A_543, %get3A_493, %add3A_52 : vector<16xi1>, vector<16xi32>
    %jit3A_545 = arith.constant 0.000000e+00 : f32
    %broadcast_in_dim3A_546 = vector.broadcast %jit3A_545 : f32 to vector<16xf32>
    %select_n3A_547 = arith.select %eq3A_543, %get3A_495, %broadcast_in_dim3A_546 : vector<16xi1>, vector<16xf32>
    %gather3A_548 = tpu.vector_load_idx %arg8[%select_n3A_544] : memref<65664xf32, #tpu.memory_space<vmem>>[vector<16xi32>], vector<16xf32>,
    %add3A_549 = arith.addf %gather3A_548, %select_n3A_547 : vector<16xf32>
    tpu.vector_store_idx %arg8[%select_n3A_544], %add3A_549 : memref<65664xf32, #tpu.memory_space<vmem>>[vector<16xi32>], vector<16xf32>,
    %eq3A_550 = arith.constant 6 : i32
    %eq3A_551 = vector.broadcast %eq3A_550 : i32 to vector<16xi32>
    %eq3A_552 = arith.cmpi eq, %iota3A, %eq3A_551 : vector<16xi32>
    %select_n3A_553 = arith.select %eq3A_552, %get3A_493, %add3A_52 : vector<16xi1>, vector<16xi32>
    %jit3A_554 = arith.constant 0.000000e+00 : f32
    %broadcast_in_dim3A_555 = vector.broadcast %jit3A_554 : f32 to vector<16xf32>
    %select_n3A_556 = arith.select %eq3A_552, %get3A_495, %broadcast_in_dim3A_555 : vector<16xi1>, vector<16xf32>
    %gather3A_557 = tpu.vector_load_idx %arg8[%select_n3A_553] : memref<65664xf32, #tpu.memory_space<vmem>>[vector<16xi32>], vector<16xf32>,
    %add3A_558 = arith.addf %gather3A_557, %select_n3A_556 : vector<16xf32>
    tpu.vector_store_idx %arg8[%select_n3A_553], %add3A_558 : memref<65664xf32, #tpu.memory_space<vmem>>[vector<16xi32>], vector<16xf32>,
    %eq3A_559 = arith.constant 7 : i32
    %eq3A_560 = vector.broadcast %eq3A_559 : i32 to vector<16xi32>
    %eq3A_561 = arith.cmpi eq, %iota3A, %eq3A_560 : vector<16xi32>
    %select_n3A_562 = arith.select %eq3A_561, %get3A_493, %add3A_52 : vector<16xi1>, vector<16xi32>
    %jit3A_563 = arith.constant 0.000000e+00 : f32
    %broadcast_in_dim3A_564 = vector.broadcast %jit3A_563 : f32 to vector<16xf32>
    %select_n3A_565 = arith.select %eq3A_561, %get3A_495, %broadcast_in_dim3A_564 : vector<16xi1>, vector<16xf32>
    %gather3A_566 = tpu.vector_load_idx %arg8[%select_n3A_562] : memref<65664xf32, #tpu.memory_space<vmem>>[vector<16xi32>], vector<16xf32>,
    %add3A_567 = arith.addf %gather3A_566, %select_n3A_565 : vector<16xf32>
    tpu.vector_store_idx %arg8[%select_n3A_562], %add3A_567 : memref<65664xf32, #tpu.memory_space<vmem>>[vector<16xi32>], vector<16xf32>,
    %eq3A_568 = arith.constant 8 : i32
    %eq3A_569 = vector.broadcast %eq3A_568 : i32 to vector<16xi32>
    %eq3A_570 = arith.cmpi eq, %iota3A, %eq3A_569 : vector<16xi32>
    %select_n3A_571 = arith.select %eq3A_570, %get3A_493, %add3A_52 : vector<16xi1>, vector<16xi32>
    %jit3A_572 = arith.constant 0.000000e+00 : f32
    %broadcast_in_dim3A_573 = vector.broadcast %jit3A_572 : f32 to vector<16xf32>
    %select_n3A_574 = arith.select %eq3A_570, %get3A_495, %broadcast_in_dim3A_573 : vector<16xi1>, vector<16xf32>
    %gather3A_575 = tpu.vector_load_idx %arg8[%select_n3A_571] : memref<65664xf32, #tpu.memory_space<vmem>>[vector<16xi32>], vector<16xf32>,
    %add3A_576 = arith.addf %gather3A_575, %select_n3A_574 : vector<16xf32>
    tpu.vector_store_idx %arg8[%select_n3A_571], %add3A_576 : memref<65664xf32, #tpu.memory_space<vmem>>[vector<16xi32>], vector<16xf32>,
    %eq3A_577 = arith.constant 9 : i32
    %eq3A_578 = vector.broadcast %eq3A_577 : i32 to vector<16xi32>
    %eq3A_579 = arith.cmpi eq, %iota3A, %eq3A_578 : vector<16xi32>
    %select_n3A_580 = arith.select %eq3A_579, %get3A_493, %add3A_52 : vector<16xi1>, vector<16xi32>
    %jit3A_581 = arith.constant 0.000000e+00 : f32
    %broadcast_in_dim3A_582 = vector.broadcast %jit3A_581 : f32 to vector<16xf32>
    %select_n3A_583 = arith.select %eq3A_579, %get3A_495, %broadcast_in_dim3A_582 : vector<16xi1>, vector<16xf32>
    %gather3A_584 = tpu.vector_load_idx %arg8[%select_n3A_580] : memref<65664xf32, #tpu.memory_space<vmem>>[vector<16xi32>], vector<16xf32>,
    %add3A_585 = arith.addf %gather3A_584, %select_n3A_583 : vector<16xf32>
    tpu.vector_store_idx %arg8[%select_n3A_580], %add3A_585 : memref<65664xf32, #tpu.memory_space<vmem>>[vector<16xi32>], vector<16xf32>,
    %eq3A_586 = arith.constant 10 : i32
    %eq3A_587 = vector.broadcast %eq3A_586 : i32 to vector<16xi32>
    %eq3A_588 = arith.cmpi eq, %iota3A, %eq3A_587 : vector<16xi32>
    %select_n3A_589 = arith.select %eq3A_588, %get3A_493, %add3A_52 : vector<16xi1>, vector<16xi32>
    %jit3A_590 = arith.constant 0.000000e+00 : f32
    %broadcast_in_dim3A_591 = vector.broadcast %jit3A_590 : f32 to vector<16xf32>
    %select_n3A_592 = arith.select %eq3A_588, %get3A_495, %broadcast_in_dim3A_591 : vector<16xi1>, vector<16xf32>
    %gather3A_593 = tpu.vector_load_idx %arg8[%select_n3A_589] : memref<65664xf32, #tpu.memory_space<vmem>>[vector<16xi32>], vector<16xf32>,
    %add3A_594 = arith.addf %gather3A_593, %select_n3A_592 : vector<16xf32>
    tpu.vector_store_idx %arg8[%select_n3A_589], %add3A_594 : memref<65664xf32, #tpu.memory_space<vmem>>[vector<16xi32>], vector<16xf32>,
    %eq3A_595 = arith.constant 11 : i32
    %eq3A_596 = vector.broadcast %eq3A_595 : i32 to vector<16xi32>
    %eq3A_597 = arith.cmpi eq, %iota3A, %eq3A_596 : vector<16xi32>
    %select_n3A_598 = arith.select %eq3A_597, %get3A_493, %add3A_52 : vector<16xi1>, vector<16xi32>
    %jit3A_599 = arith.constant 0.000000e+00 : f32
    %broadcast_in_dim3A_600 = vector.broadcast %jit3A_599 : f32 to vector<16xf32>
    %select_n3A_601 = arith.select %eq3A_597, %get3A_495, %broadcast_in_dim3A_600 : vector<16xi1>, vector<16xf32>
    %gather3A_602 = tpu.vector_load_idx %arg8[%select_n3A_598] : memref<65664xf32, #tpu.memory_space<vmem>>[vector<16xi32>], vector<16xf32>,
    %add3A_603 = arith.addf %gather3A_602, %select_n3A_601 : vector<16xf32>
    tpu.vector_store_idx %arg8[%select_n3A_598], %add3A_603 : memref<65664xf32, #tpu.memory_space<vmem>>[vector<16xi32>], vector<16xf32>,
    %eq3A_604 = arith.constant 12 : i32
    %eq3A_605 = vector.broadcast %eq3A_604 : i32 to vector<16xi32>
    %eq3A_606 = arith.cmpi eq, %iota3A, %eq3A_605 : vector<16xi32>
    %select_n3A_607 = arith.select %eq3A_606, %get3A_493, %add3A_52 : vector<16xi1>, vector<16xi32>
    %jit3A_608 = arith.constant 0.000000e+00 : f32
    %broadcast_in_dim3A_609 = vector.broadcast %jit3A_608 : f32 to vector<16xf32>
    %select_n3A_610 = arith.select %eq3A_606, %get3A_495, %broadcast_in_dim3A_609 : vector<16xi1>, vector<16xf32>
    %gather3A_611 = tpu.vector_load_idx %arg8[%select_n3A_607] : memref<65664xf32, #tpu.memory_space<vmem>>[vector<16xi32>], vector<16xf32>,
    %add3A_612 = arith.addf %gather3A_611, %select_n3A_610 : vector<16xf32>
    tpu.vector_store_idx %arg8[%select_n3A_607], %add3A_612 : memref<65664xf32, #tpu.memory_space<vmem>>[vector<16xi32>], vector<16xf32>,
    %eq3A_613 = arith.constant 13 : i32
    %eq3A_614 = vector.broadcast %eq3A_613 : i32 to vector<16xi32>
    %eq3A_615 = arith.cmpi eq, %iota3A, %eq3A_614 : vector<16xi32>
    %select_n3A_616 = arith.select %eq3A_615, %get3A_493, %add3A_52 : vector<16xi1>, vector<16xi32>
    %jit3A_617 = arith.constant 0.000000e+00 : f32
    %broadcast_in_dim3A_618 = vector.broadcast %jit3A_617 : f32 to vector<16xf32>
    %select_n3A_619 = arith.select %eq3A_615, %get3A_495, %broadcast_in_dim3A_618 : vector<16xi1>, vector<16xf32>
    %gather3A_620 = tpu.vector_load_idx %arg8[%select_n3A_616] : memref<65664xf32, #tpu.memory_space<vmem>>[vector<16xi32>], vector<16xf32>,
    %add3A_621 = arith.addf %gather3A_620, %select_n3A_619 : vector<16xf32>
    tpu.vector_store_idx %arg8[%select_n3A_616], %add3A_621 : memref<65664xf32, #tpu.memory_space<vmem>>[vector<16xi32>], vector<16xf32>,
    %eq3A_622 = arith.constant 14 : i32
    %eq3A_623 = vector.broadcast %eq3A_622 : i32 to vector<16xi32>
    %eq3A_624 = arith.cmpi eq, %iota3A, %eq3A_623 : vector<16xi32>
    %select_n3A_625 = arith.select %eq3A_624, %get3A_493, %add3A_52 : vector<16xi1>, vector<16xi32>
    %jit3A_626 = arith.constant 0.000000e+00 : f32
    %broadcast_in_dim3A_627 = vector.broadcast %jit3A_626 : f32 to vector<16xf32>
    %select_n3A_628 = arith.select %eq3A_624, %get3A_495, %broadcast_in_dim3A_627 : vector<16xi1>, vector<16xf32>
    %gather3A_629 = tpu.vector_load_idx %arg8[%select_n3A_625] : memref<65664xf32, #tpu.memory_space<vmem>>[vector<16xi32>], vector<16xf32>,
    %add3A_630 = arith.addf %gather3A_629, %select_n3A_628 : vector<16xf32>
    tpu.vector_store_idx %arg8[%select_n3A_625], %add3A_630 : memref<65664xf32, #tpu.memory_space<vmem>>[vector<16xi32>], vector<16xf32>,
    %eq3A_631 = arith.constant 15 : i32
    %eq3A_632 = vector.broadcast %eq3A_631 : i32 to vector<16xi32>
    %eq3A_633 = arith.cmpi eq, %iota3A, %eq3A_632 : vector<16xi32>
    %select_n3A_634 = arith.select %eq3A_633, %get3A_493, %add3A_52 : vector<16xi1>, vector<16xi32>
    %jit3A_635 = arith.constant 0.000000e+00 : f32
    %broadcast_in_dim3A_636 = vector.broadcast %jit3A_635 : f32 to vector<16xf32>
    %select_n3A_637 = arith.select %eq3A_633, %get3A_495, %broadcast_in_dim3A_636 : vector<16xi1>, vector<16xf32>
    %gather3A_638 = tpu.vector_load_idx %arg8[%select_n3A_634] : memref<65664xf32, #tpu.memory_space<vmem>>[vector<16xi32>], vector<16xf32>,
    %add3A_639 = arith.addf %gather3A_638, %select_n3A_637 : vector<16xf32>
    tpu.vector_store_idx %arg8[%select_n3A_634], %add3A_639 : memref<65664xf32, #tpu.memory_space<vmem>>[vector<16xi32>], vector<16xf32>,
    %get3A_640 = arith.constant 64 : index
    %get3A_641 = tpu.vector_load %arg11[%get3A_640] {strides = array<i32>} : memref<128xi32, #tpu.memory_space<vmem>>, vector<16xi32>,
    %get3A_642 = arith.constant 64 : index
    %get3A_643 = tpu.vector_load %arg12[%get3A_642] {strides = array<i32>} : memref<128xf32, #tpu.memory_space<vmem>>, vector<16xf32>,
    %eq3A_644 = arith.constant 0 : i32
    %eq3A_645 = vector.broadcast %eq3A_644 : i32 to vector<16xi32>
    %eq3A_646 = arith.cmpi eq, %iota3A, %eq3A_645 : vector<16xi32>
    %select_n3A_647 = arith.select %eq3A_646, %get3A_641, %add3A_52 : vector<16xi1>, vector<16xi32>
    %jit3A_648 = arith.constant 0.000000e+00 : f32
    %broadcast_in_dim3A_649 = vector.broadcast %jit3A_648 : f32 to vector<16xf32>
    %select_n3A_650 = arith.select %eq3A_646, %get3A_643, %broadcast_in_dim3A_649 : vector<16xi1>, vector<16xf32>
    %gather3A_651 = tpu.vector_load_idx %arg8[%select_n3A_647] : memref<65664xf32, #tpu.memory_space<vmem>>[vector<16xi32>], vector<16xf32>,
    %add3A_652 = arith.addf %gather3A_651, %select_n3A_650 : vector<16xf32>
    tpu.vector_store_idx %arg8[%select_n3A_647], %add3A_652 : memref<65664xf32, #tpu.memory_space<vmem>>[vector<16xi32>], vector<16xf32>,
    %eq3A_653 = arith.constant 1 : i32
    %eq3A_654 = vector.broadcast %eq3A_653 : i32 to vector<16xi32>
    %eq3A_655 = arith.cmpi eq, %iota3A, %eq3A_654 : vector<16xi32>
    %select_n3A_656 = arith.select %eq3A_655, %get3A_641, %add3A_52 : vector<16xi1>, vector<16xi32>
    %jit3A_657 = arith.constant 0.000000e+00 : f32
    %broadcast_in_dim3A_658 = vector.broadcast %jit3A_657 : f32 to vector<16xf32>
    %select_n3A_659 = arith.select %eq3A_655, %get3A_643, %broadcast_in_dim3A_658 : vector<16xi1>, vector<16xf32>
    %gather3A_660 = tpu.vector_load_idx %arg8[%select_n3A_656] : memref<65664xf32, #tpu.memory_space<vmem>>[vector<16xi32>], vector<16xf32>,
    %add3A_661 = arith.addf %gather3A_660, %select_n3A_659 : vector<16xf32>
    tpu.vector_store_idx %arg8[%select_n3A_656], %add3A_661 : memref<65664xf32, #tpu.memory_space<vmem>>[vector<16xi32>], vector<16xf32>,
    %eq3A_662 = arith.constant 2 : i32
    %eq3A_663 = vector.broadcast %eq3A_662 : i32 to vector<16xi32>
    %eq3A_664 = arith.cmpi eq, %iota3A, %eq3A_663 : vector<16xi32>
    %select_n3A_665 = arith.select %eq3A_664, %get3A_641, %add3A_52 : vector<16xi1>, vector<16xi32>
    %jit3A_666 = arith.constant 0.000000e+00 : f32
    %broadcast_in_dim3A_667 = vector.broadcast %jit3A_666 : f32 to vector<16xf32>
    %select_n3A_668 = arith.select %eq3A_664, %get3A_643, %broadcast_in_dim3A_667 : vector<16xi1>, vector<16xf32>
    %gather3A_669 = tpu.vector_load_idx %arg8[%select_n3A_665] : memref<65664xf32, #tpu.memory_space<vmem>>[vector<16xi32>], vector<16xf32>,
    %add3A_670 = arith.addf %gather3A_669, %select_n3A_668 : vector<16xf32>
    tpu.vector_store_idx %arg8[%select_n3A_665], %add3A_670 : memref<65664xf32, #tpu.memory_space<vmem>>[vector<16xi32>], vector<16xf32>,
    %eq3A_671 = arith.constant 3 : i32
    %eq3A_672 = vector.broadcast %eq3A_671 : i32 to vector<16xi32>
    %eq3A_673 = arith.cmpi eq, %iota3A, %eq3A_672 : vector<16xi32>
    %select_n3A_674 = arith.select %eq3A_673, %get3A_641, %add3A_52 : vector<16xi1>, vector<16xi32>
    %jit3A_675 = arith.constant 0.000000e+00 : f32
    %broadcast_in_dim3A_676 = vector.broadcast %jit3A_675 : f32 to vector<16xf32>
    %select_n3A_677 = arith.select %eq3A_673, %get3A_643, %broadcast_in_dim3A_676 : vector<16xi1>, vector<16xf32>
    %gather3A_678 = tpu.vector_load_idx %arg8[%select_n3A_674] : memref<65664xf32, #tpu.memory_space<vmem>>[vector<16xi32>], vector<16xf32>,
    %add3A_679 = arith.addf %gather3A_678, %select_n3A_677 : vector<16xf32>
    tpu.vector_store_idx %arg8[%select_n3A_674], %add3A_679 : memref<65664xf32, #tpu.memory_space<vmem>>[vector<16xi32>], vector<16xf32>,
    %eq3A_680 = arith.constant 4 : i32
    %eq3A_681 = vector.broadcast %eq3A_680 : i32 to vector<16xi32>
    %eq3A_682 = arith.cmpi eq, %iota3A, %eq3A_681 : vector<16xi32>
    %select_n3A_683 = arith.select %eq3A_682, %get3A_641, %add3A_52 : vector<16xi1>, vector<16xi32>
    %jit3A_684 = arith.constant 0.000000e+00 : f32
    %broadcast_in_dim3A_685 = vector.broadcast %jit3A_684 : f32 to vector<16xf32>
    %select_n3A_686 = arith.select %eq3A_682, %get3A_643, %broadcast_in_dim3A_685 : vector<16xi1>, vector<16xf32>
    %gather3A_687 = tpu.vector_load_idx %arg8[%select_n3A_683] : memref<65664xf32, #tpu.memory_space<vmem>>[vector<16xi32>], vector<16xf32>,
    %add3A_688 = arith.addf %gather3A_687, %select_n3A_686 : vector<16xf32>
    tpu.vector_store_idx %arg8[%select_n3A_683], %add3A_688 : memref<65664xf32, #tpu.memory_space<vmem>>[vector<16xi32>], vector<16xf32>,
    %eq3A_689 = arith.constant 5 : i32
    %eq3A_690 = vector.broadcast %eq3A_689 : i32 to vector<16xi32>
    %eq3A_691 = arith.cmpi eq, %iota3A, %eq3A_690 : vector<16xi32>
    %select_n3A_692 = arith.select %eq3A_691, %get3A_641, %add3A_52 : vector<16xi1>, vector<16xi32>
    %jit3A_693 = arith.constant 0.000000e+00 : f32
    %broadcast_in_dim3A_694 = vector.broadcast %jit3A_693 : f32 to vector<16xf32>
    %select_n3A_695 = arith.select %eq3A_691, %get3A_643, %broadcast_in_dim3A_694 : vector<16xi1>, vector<16xf32>
    %gather3A_696 = tpu.vector_load_idx %arg8[%select_n3A_692] : memref<65664xf32, #tpu.memory_space<vmem>>[vector<16xi32>], vector<16xf32>,
    %add3A_697 = arith.addf %gather3A_696, %select_n3A_695 : vector<16xf32>
    tpu.vector_store_idx %arg8[%select_n3A_692], %add3A_697 : memref<65664xf32, #tpu.memory_space<vmem>>[vector<16xi32>], vector<16xf32>,
    %eq3A_698 = arith.constant 6 : i32
    %eq3A_699 = vector.broadcast %eq3A_698 : i32 to vector<16xi32>
    %eq3A_700 = arith.cmpi eq, %iota3A, %eq3A_699 : vector<16xi32>
    %select_n3A_701 = arith.select %eq3A_700, %get3A_641, %add3A_52 : vector<16xi1>, vector<16xi32>
    %jit3A_702 = arith.constant 0.000000e+00 : f32
    %broadcast_in_dim3A_703 = vector.broadcast %jit3A_702 : f32 to vector<16xf32>
    %select_n3A_704 = arith.select %eq3A_700, %get3A_643, %broadcast_in_dim3A_703 : vector<16xi1>, vector<16xf32>
    %gather3A_705 = tpu.vector_load_idx %arg8[%select_n3A_701] : memref<65664xf32, #tpu.memory_space<vmem>>[vector<16xi32>], vector<16xf32>,
    %add3A_706 = arith.addf %gather3A_705, %select_n3A_704 : vector<16xf32>
    tpu.vector_store_idx %arg8[%select_n3A_701], %add3A_706 : memref<65664xf32, #tpu.memory_space<vmem>>[vector<16xi32>], vector<16xf32>,
    %eq3A_707 = arith.constant 7 : i32
    %eq3A_708 = vector.broadcast %eq3A_707 : i32 to vector<16xi32>
    %eq3A_709 = arith.cmpi eq, %iota3A, %eq3A_708 : vector<16xi32>
    %select_n3A_710 = arith.select %eq3A_709, %get3A_641, %add3A_52 : vector<16xi1>, vector<16xi32>
    %jit3A_711 = arith.constant 0.000000e+00 : f32
    %broadcast_in_dim3A_712 = vector.broadcast %jit3A_711 : f32 to vector<16xf32>
    %select_n3A_713 = arith.select %eq3A_709, %get3A_643, %broadcast_in_dim3A_712 : vector<16xi1>, vector<16xf32>
    %gather3A_714 = tpu.vector_load_idx %arg8[%select_n3A_710] : memref<65664xf32, #tpu.memory_space<vmem>>[vector<16xi32>], vector<16xf32>,
    %add3A_715 = arith.addf %gather3A_714, %select_n3A_713 : vector<16xf32>
    tpu.vector_store_idx %arg8[%select_n3A_710], %add3A_715 : memref<65664xf32, #tpu.memory_space<vmem>>[vector<16xi32>], vector<16xf32>,
    %eq3A_716 = arith.constant 8 : i32
    %eq3A_717 = vector.broadcast %eq3A_716 : i32 to vector<16xi32>
    %eq3A_718 = arith.cmpi eq, %iota3A, %eq3A_717 : vector<16xi32>
    %select_n3A_719 = arith.select %eq3A_718, %get3A_641, %add3A_52 : vector<16xi1>, vector<16xi32>
    %jit3A_720 = arith.constant 0.000000e+00 : f32
    %broadcast_in_dim3A_721 = vector.broadcast %jit3A_720 : f32 to vector<16xf32>
    %select_n3A_722 = arith.select %eq3A_718, %get3A_643, %broadcast_in_dim3A_721 : vector<16xi1>, vector<16xf32>
    %gather3A_723 = tpu.vector_load_idx %arg8[%select_n3A_719] : memref<65664xf32, #tpu.memory_space<vmem>>[vector<16xi32>], vector<16xf32>,
    %add3A_724 = arith.addf %gather3A_723, %select_n3A_722 : vector<16xf32>
    tpu.vector_store_idx %arg8[%select_n3A_719], %add3A_724 : memref<65664xf32, #tpu.memory_space<vmem>>[vector<16xi32>], vector<16xf32>,
    %eq3A_725 = arith.constant 9 : i32
    %eq3A_726 = vector.broadcast %eq3A_725 : i32 to vector<16xi32>
    %eq3A_727 = arith.cmpi eq, %iota3A, %eq3A_726 : vector<16xi32>
    %select_n3A_728 = arith.select %eq3A_727, %get3A_641, %add3A_52 : vector<16xi1>, vector<16xi32>
    %jit3A_729 = arith.constant 0.000000e+00 : f32
    %broadcast_in_dim3A_730 = vector.broadcast %jit3A_729 : f32 to vector<16xf32>
    %select_n3A_731 = arith.select %eq3A_727, %get3A_643, %broadcast_in_dim3A_730 : vector<16xi1>, vector<16xf32>
    %gather3A_732 = tpu.vector_load_idx %arg8[%select_n3A_728] : memref<65664xf32, #tpu.memory_space<vmem>>[vector<16xi32>], vector<16xf32>,
    %add3A_733 = arith.addf %gather3A_732, %select_n3A_731 : vector<16xf32>
    tpu.vector_store_idx %arg8[%select_n3A_728], %add3A_733 : memref<65664xf32, #tpu.memory_space<vmem>>[vector<16xi32>], vector<16xf32>,
    %eq3A_734 = arith.constant 10 : i32
    %eq3A_735 = vector.broadcast %eq3A_734 : i32 to vector<16xi32>
    %eq3A_736 = arith.cmpi eq, %iota3A, %eq3A_735 : vector<16xi32>
    %select_n3A_737 = arith.select %eq3A_736, %get3A_641, %add3A_52 : vector<16xi1>, vector<16xi32>
    %jit3A_738 = arith.constant 0.000000e+00 : f32
    %broadcast_in_dim3A_739 = vector.broadcast %jit3A_738 : f32 to vector<16xf32>
    %select_n3A_740 = arith.select %eq3A_736, %get3A_643, %broadcast_in_dim3A_739 : vector<16xi1>, vector<16xf32>
    %gather3A_741 = tpu.vector_load_idx %arg8[%select_n3A_737] : memref<65664xf32, #tpu.memory_space<vmem>>[vector<16xi32>], vector<16xf32>,
    %add3A_742 = arith.addf %gather3A_741, %select_n3A_740 : vector<16xf32>
    tpu.vector_store_idx %arg8[%select_n3A_737], %add3A_742 : memref<65664xf32, #tpu.memory_space<vmem>>[vector<16xi32>], vector<16xf32>,
    %eq3A_743 = arith.constant 11 : i32
    %eq3A_744 = vector.broadcast %eq3A_743 : i32 to vector<16xi32>
    %eq3A_745 = arith.cmpi eq, %iota3A, %eq3A_744 : vector<16xi32>
    %select_n3A_746 = arith.select %eq3A_745, %get3A_641, %add3A_52 : vector<16xi1>, vector<16xi32>
    %jit3A_747 = arith.constant 0.000000e+00 : f32
    %broadcast_in_dim3A_748 = vector.broadcast %jit3A_747 : f32 to vector<16xf32>
    %select_n3A_749 = arith.select %eq3A_745, %get3A_643, %broadcast_in_dim3A_748 : vector<16xi1>, vector<16xf32>
    %gather3A_750 = tpu.vector_load_idx %arg8[%select_n3A_746] : memref<65664xf32, #tpu.memory_space<vmem>>[vector<16xi32>], vector<16xf32>,
    %add3A_751 = arith.addf %gather3A_750, %select_n3A_749 : vector<16xf32>
    tpu.vector_store_idx %arg8[%select_n3A_746], %add3A_751 : memref<65664xf32, #tpu.memory_space<vmem>>[vector<16xi32>], vector<16xf32>,
    %eq3A_752 = arith.constant 12 : i32
    %eq3A_753 = vector.broadcast %eq3A_752 : i32 to vector<16xi32>
    %eq3A_754 = arith.cmpi eq, %iota3A, %eq3A_753 : vector<16xi32>
    %select_n3A_755 = arith.select %eq3A_754, %get3A_641, %add3A_52 : vector<16xi1>, vector<16xi32>
    %jit3A_756 = arith.constant 0.000000e+00 : f32
    %broadcast_in_dim3A_757 = vector.broadcast %jit3A_756 : f32 to vector<16xf32>
    %select_n3A_758 = arith.select %eq3A_754, %get3A_643, %broadcast_in_dim3A_757 : vector<16xi1>, vector<16xf32>
    %gather3A_759 = tpu.vector_load_idx %arg8[%select_n3A_755] : memref<65664xf32, #tpu.memory_space<vmem>>[vector<16xi32>], vector<16xf32>,
    %add3A_760 = arith.addf %gather3A_759, %select_n3A_758 : vector<16xf32>
    tpu.vector_store_idx %arg8[%select_n3A_755], %add3A_760 : memref<65664xf32, #tpu.memory_space<vmem>>[vector<16xi32>], vector<16xf32>,
    %eq3A_761 = arith.constant 13 : i32
    %eq3A_762 = vector.broadcast %eq3A_761 : i32 to vector<16xi32>
    %eq3A_763 = arith.cmpi eq, %iota3A, %eq3A_762 : vector<16xi32>
    %select_n3A_764 = arith.select %eq3A_763, %get3A_641, %add3A_52 : vector<16xi1>, vector<16xi32>
    %jit3A_765 = arith.constant 0.000000e+00 : f32
    %broadcast_in_dim3A_766 = vector.broadcast %jit3A_765 : f32 to vector<16xf32>
    %select_n3A_767 = arith.select %eq3A_763, %get3A_643, %broadcast_in_dim3A_766 : vector<16xi1>, vector<16xf32>
    %gather3A_768 = tpu.vector_load_idx %arg8[%select_n3A_764] : memref<65664xf32, #tpu.memory_space<vmem>>[vector<16xi32>], vector<16xf32>,
    %add3A_769 = arith.addf %gather3A_768, %select_n3A_767 : vector<16xf32>
    tpu.vector_store_idx %arg8[%select_n3A_764], %add3A_769 : memref<65664xf32, #tpu.memory_space<vmem>>[vector<16xi32>], vector<16xf32>,
    %eq3A_770 = arith.constant 14 : i32
    %eq3A_771 = vector.broadcast %eq3A_770 : i32 to vector<16xi32>
    %eq3A_772 = arith.cmpi eq, %iota3A, %eq3A_771 : vector<16xi32>
    %select_n3A_773 = arith.select %eq3A_772, %get3A_641, %add3A_52 : vector<16xi1>, vector<16xi32>
    %jit3A_774 = arith.constant 0.000000e+00 : f32
    %broadcast_in_dim3A_775 = vector.broadcast %jit3A_774 : f32 to vector<16xf32>
    %select_n3A_776 = arith.select %eq3A_772, %get3A_643, %broadcast_in_dim3A_775 : vector<16xi1>, vector<16xf32>
    %gather3A_777 = tpu.vector_load_idx %arg8[%select_n3A_773] : memref<65664xf32, #tpu.memory_space<vmem>>[vector<16xi32>], vector<16xf32>,
    %add3A_778 = arith.addf %gather3A_777, %select_n3A_776 : vector<16xf32>
    tpu.vector_store_idx %arg8[%select_n3A_773], %add3A_778 : memref<65664xf32, #tpu.memory_space<vmem>>[vector<16xi32>], vector<16xf32>,
    %eq3A_779 = arith.constant 15 : i32
    %eq3A_780 = vector.broadcast %eq3A_779 : i32 to vector<16xi32>
    %eq3A_781 = arith.cmpi eq, %iota3A, %eq3A_780 : vector<16xi32>
    %select_n3A_782 = arith.select %eq3A_781, %get3A_641, %add3A_52 : vector<16xi1>, vector<16xi32>
    %jit3A_783 = arith.constant 0.000000e+00 : f32
    %broadcast_in_dim3A_784 = vector.broadcast %jit3A_783 : f32 to vector<16xf32>
    %select_n3A_785 = arith.select %eq3A_781, %get3A_643, %broadcast_in_dim3A_784 : vector<16xi1>, vector<16xf32>
    %gather3A_786 = tpu.vector_load_idx %arg8[%select_n3A_782] : memref<65664xf32, #tpu.memory_space<vmem>>[vector<16xi32>], vector<16xf32>,
    %add3A_787 = arith.addf %gather3A_786, %select_n3A_785 : vector<16xf32>
    tpu.vector_store_idx %arg8[%select_n3A_782], %add3A_787 : memref<65664xf32, #tpu.memory_space<vmem>>[vector<16xi32>], vector<16xf32>,
    %get3A_788 = arith.constant 80 : index
    %get3A_789 = tpu.vector_load %arg11[%get3A_788] {strides = array<i32>} : memref<128xi32, #tpu.memory_space<vmem>>, vector<16xi32>,
    %get3A_790 = arith.constant 80 : index
    %get3A_791 = tpu.vector_load %arg12[%get3A_790] {strides = array<i32>} : memref<128xf32, #tpu.memory_space<vmem>>, vector<16xf32>,
    %eq3A_792 = arith.constant 0 : i32
    %eq3A_793 = vector.broadcast %eq3A_792 : i32 to vector<16xi32>
    %eq3A_794 = arith.cmpi eq, %iota3A, %eq3A_793 : vector<16xi32>
    %select_n3A_795 = arith.select %eq3A_794, %get3A_789, %add3A_52 : vector<16xi1>, vector<16xi32>
    %jit3A_796 = arith.constant 0.000000e+00 : f32
    %broadcast_in_dim3A_797 = vector.broadcast %jit3A_796 : f32 to vector<16xf32>
    %select_n3A_798 = arith.select %eq3A_794, %get3A_791, %broadcast_in_dim3A_797 : vector<16xi1>, vector<16xf32>
    %gather3A_799 = tpu.vector_load_idx %arg8[%select_n3A_795] : memref<65664xf32, #tpu.memory_space<vmem>>[vector<16xi32>], vector<16xf32>,
    %add3A_800 = arith.addf %gather3A_799, %select_n3A_798 : vector<16xf32>
    tpu.vector_store_idx %arg8[%select_n3A_795], %add3A_800 : memref<65664xf32, #tpu.memory_space<vmem>>[vector<16xi32>], vector<16xf32>,
    %eq3A_801 = arith.constant 1 : i32
    %eq3A_802 = vector.broadcast %eq3A_801 : i32 to vector<16xi32>
    %eq3A_803 = arith.cmpi eq, %iota3A, %eq3A_802 : vector<16xi32>
    %select_n3A_804 = arith.select %eq3A_803, %get3A_789, %add3A_52 : vector<16xi1>, vector<16xi32>
    %jit3A_805 = arith.constant 0.000000e+00 : f32
    %broadcast_in_dim3A_806 = vector.broadcast %jit3A_805 : f32 to vector<16xf32>
    %select_n3A_807 = arith.select %eq3A_803, %get3A_791, %broadcast_in_dim3A_806 : vector<16xi1>, vector<16xf32>
    %gather3A_808 = tpu.vector_load_idx %arg8[%select_n3A_804] : memref<65664xf32, #tpu.memory_space<vmem>>[vector<16xi32>], vector<16xf32>,
    %add3A_809 = arith.addf %gather3A_808, %select_n3A_807 : vector<16xf32>
    tpu.vector_store_idx %arg8[%select_n3A_804], %add3A_809 : memref<65664xf32, #tpu.memory_space<vmem>>[vector<16xi32>], vector<16xf32>,
    %eq3A_810 = arith.constant 2 : i32
    %eq3A_811 = vector.broadcast %eq3A_810 : i32 to vector<16xi32>
    %eq3A_812 = arith.cmpi eq, %iota3A, %eq3A_811 : vector<16xi32>
    %select_n3A_813 = arith.select %eq3A_812, %get3A_789, %add3A_52 : vector<16xi1>, vector<16xi32>
    %jit3A_814 = arith.constant 0.000000e+00 : f32
    %broadcast_in_dim3A_815 = vector.broadcast %jit3A_814 : f32 to vector<16xf32>
    %select_n3A_816 = arith.select %eq3A_812, %get3A_791, %broadcast_in_dim3A_815 : vector<16xi1>, vector<16xf32>
    %gather3A_817 = tpu.vector_load_idx %arg8[%select_n3A_813] : memref<65664xf32, #tpu.memory_space<vmem>>[vector<16xi32>], vector<16xf32>,
    %add3A_818 = arith.addf %gather3A_817, %select_n3A_816 : vector<16xf32>
    tpu.vector_store_idx %arg8[%select_n3A_813], %add3A_818 : memref<65664xf32, #tpu.memory_space<vmem>>[vector<16xi32>], vector<16xf32>,
    %eq3A_819 = arith.constant 3 : i32
    %eq3A_820 = vector.broadcast %eq3A_819 : i32 to vector<16xi32>
    %eq3A_821 = arith.cmpi eq, %iota3A, %eq3A_820 : vector<16xi32>
    %select_n3A_822 = arith.select %eq3A_821, %get3A_789, %add3A_52 : vector<16xi1>, vector<16xi32>
    %jit3A_823 = arith.constant 0.000000e+00 : f32
    %broadcast_in_dim3A_824 = vector.broadcast %jit3A_823 : f32 to vector<16xf32>
    %select_n3A_825 = arith.select %eq3A_821, %get3A_791, %broadcast_in_dim3A_824 : vector<16xi1>, vector<16xf32>
    %gather3A_826 = tpu.vector_load_idx %arg8[%select_n3A_822] : memref<65664xf32, #tpu.memory_space<vmem>>[vector<16xi32>], vector<16xf32>,
    %add3A_827 = arith.addf %gather3A_826, %select_n3A_825 : vector<16xf32>
    tpu.vector_store_idx %arg8[%select_n3A_822], %add3A_827 : memref<65664xf32, #tpu.memory_space<vmem>>[vector<16xi32>], vector<16xf32>,
    %eq3A_828 = arith.constant 4 : i32
    %eq3A_829 = vector.broadcast %eq3A_828 : i32 to vector<16xi32>
    %eq3A_830 = arith.cmpi eq, %iota3A, %eq3A_829 : vector<16xi32>
    %select_n3A_831 = arith.select %eq3A_830, %get3A_789, %add3A_52 : vector<16xi1>, vector<16xi32>
    %jit3A_832 = arith.constant 0.000000e+00 : f32
    %broadcast_in_dim3A_833 = vector.broadcast %jit3A_832 : f32 to vector<16xf32>
    %select_n3A_834 = arith.select %eq3A_830, %get3A_791, %broadcast_in_dim3A_833 : vector<16xi1>, vector<16xf32>
    %gather3A_835 = tpu.vector_load_idx %arg8[%select_n3A_831] : memref<65664xf32, #tpu.memory_space<vmem>>[vector<16xi32>], vector<16xf32>,
    %add3A_836 = arith.addf %gather3A_835, %select_n3A_834 : vector<16xf32>
    tpu.vector_store_idx %arg8[%select_n3A_831], %add3A_836 : memref<65664xf32, #tpu.memory_space<vmem>>[vector<16xi32>], vector<16xf32>,
    %eq3A_837 = arith.constant 5 : i32
    %eq3A_838 = vector.broadcast %eq3A_837 : i32 to vector<16xi32>
    %eq3A_839 = arith.cmpi eq, %iota3A, %eq3A_838 : vector<16xi32>
    %select_n3A_840 = arith.select %eq3A_839, %get3A_789, %add3A_52 : vector<16xi1>, vector<16xi32>
    %jit3A_841 = arith.constant 0.000000e+00 : f32
    %broadcast_in_dim3A_842 = vector.broadcast %jit3A_841 : f32 to vector<16xf32>
    %select_n3A_843 = arith.select %eq3A_839, %get3A_791, %broadcast_in_dim3A_842 : vector<16xi1>, vector<16xf32>
    %gather3A_844 = tpu.vector_load_idx %arg8[%select_n3A_840] : memref<65664xf32, #tpu.memory_space<vmem>>[vector<16xi32>], vector<16xf32>,
    %add3A_845 = arith.addf %gather3A_844, %select_n3A_843 : vector<16xf32>
    tpu.vector_store_idx %arg8[%select_n3A_840], %add3A_845 : memref<65664xf32, #tpu.memory_space<vmem>>[vector<16xi32>], vector<16xf32>,
    %eq3A_846 = arith.constant 6 : i32
    %eq3A_847 = vector.broadcast %eq3A_846 : i32 to vector<16xi32>
    %eq3A_848 = arith.cmpi eq, %iota3A, %eq3A_847 : vector<16xi32>
    %select_n3A_849 = arith.select %eq3A_848, %get3A_789, %add3A_52 : vector<16xi1>, vector<16xi32>
    %jit3A_850 = arith.constant 0.000000e+00 : f32
    %broadcast_in_dim3A_851 = vector.broadcast %jit3A_850 : f32 to vector<16xf32>
    %select_n3A_852 = arith.select %eq3A_848, %get3A_791, %broadcast_in_dim3A_851 : vector<16xi1>, vector<16xf32>
    %gather3A_853 = tpu.vector_load_idx %arg8[%select_n3A_849] : memref<65664xf32, #tpu.memory_space<vmem>>[vector<16xi32>], vector<16xf32>,
    %add3A_854 = arith.addf %gather3A_853, %select_n3A_852 : vector<16xf32>
    tpu.vector_store_idx %arg8[%select_n3A_849], %add3A_854 : memref<65664xf32, #tpu.memory_space<vmem>>[vector<16xi32>], vector<16xf32>,
    %eq3A_855 = arith.constant 7 : i32
    %eq3A_856 = vector.broadcast %eq3A_855 : i32 to vector<16xi32>
    %eq3A_857 = arith.cmpi eq, %iota3A, %eq3A_856 : vector<16xi32>
    %select_n3A_858 = arith.select %eq3A_857, %get3A_789, %add3A_52 : vector<16xi1>, vector<16xi32>
    %jit3A_859 = arith.constant 0.000000e+00 : f32
    %broadcast_in_dim3A_860 = vector.broadcast %jit3A_859 : f32 to vector<16xf32>
    %select_n3A_861 = arith.select %eq3A_857, %get3A_791, %broadcast_in_dim3A_860 : vector<16xi1>, vector<16xf32>
    %gather3A_862 = tpu.vector_load_idx %arg8[%select_n3A_858] : memref<65664xf32, #tpu.memory_space<vmem>>[vector<16xi32>], vector<16xf32>,
    %add3A_863 = arith.addf %gather3A_862, %select_n3A_861 : vector<16xf32>
    tpu.vector_store_idx %arg8[%select_n3A_858], %add3A_863 : memref<65664xf32, #tpu.memory_space<vmem>>[vector<16xi32>], vector<16xf32>,
    %eq3A_864 = arith.constant 8 : i32
    %eq3A_865 = vector.broadcast %eq3A_864 : i32 to vector<16xi32>
    %eq3A_866 = arith.cmpi eq, %iota3A, %eq3A_865 : vector<16xi32>
    %select_n3A_867 = arith.select %eq3A_866, %get3A_789, %add3A_52 : vector<16xi1>, vector<16xi32>
    %jit3A_868 = arith.constant 0.000000e+00 : f32
    %broadcast_in_dim3A_869 = vector.broadcast %jit3A_868 : f32 to vector<16xf32>
    %select_n3A_870 = arith.select %eq3A_866, %get3A_791, %broadcast_in_dim3A_869 : vector<16xi1>, vector<16xf32>
    %gather3A_871 = tpu.vector_load_idx %arg8[%select_n3A_867] : memref<65664xf32, #tpu.memory_space<vmem>>[vector<16xi32>], vector<16xf32>,
    %add3A_872 = arith.addf %gather3A_871, %select_n3A_870 : vector<16xf32>
    tpu.vector_store_idx %arg8[%select_n3A_867], %add3A_872 : memref<65664xf32, #tpu.memory_space<vmem>>[vector<16xi32>], vector<16xf32>,
    %eq3A_873 = arith.constant 9 : i32
    %eq3A_874 = vector.broadcast %eq3A_873 : i32 to vector<16xi32>
    %eq3A_875 = arith.cmpi eq, %iota3A, %eq3A_874 : vector<16xi32>
    %select_n3A_876 = arith.select %eq3A_875, %get3A_789, %add3A_52 : vector<16xi1>, vector<16xi32>
    %jit3A_877 = arith.constant 0.000000e+00 : f32
    %broadcast_in_dim3A_878 = vector.broadcast %jit3A_877 : f32 to vector<16xf32>
    %select_n3A_879 = arith.select %eq3A_875, %get3A_791, %broadcast_in_dim3A_878 : vector<16xi1>, vector<16xf32>
    %gather3A_880 = tpu.vector_load_idx %arg8[%select_n3A_876] : memref<65664xf32, #tpu.memory_space<vmem>>[vector<16xi32>], vector<16xf32>,
    %add3A_881 = arith.addf %gather3A_880, %select_n3A_879 : vector<16xf32>
    tpu.vector_store_idx %arg8[%select_n3A_876], %add3A_881 : memref<65664xf32, #tpu.memory_space<vmem>>[vector<16xi32>], vector<16xf32>,
    %eq3A_882 = arith.constant 10 : i32
    %eq3A_883 = vector.broadcast %eq3A_882 : i32 to vector<16xi32>
    %eq3A_884 = arith.cmpi eq, %iota3A, %eq3A_883 : vector<16xi32>
    %select_n3A_885 = arith.select %eq3A_884, %get3A_789, %add3A_52 : vector<16xi1>, vector<16xi32>
    %jit3A_886 = arith.constant 0.000000e+00 : f32
    %broadcast_in_dim3A_887 = vector.broadcast %jit3A_886 : f32 to vector<16xf32>
    %select_n3A_888 = arith.select %eq3A_884, %get3A_791, %broadcast_in_dim3A_887 : vector<16xi1>, vector<16xf32>
    %gather3A_889 = tpu.vector_load_idx %arg8[%select_n3A_885] : memref<65664xf32, #tpu.memory_space<vmem>>[vector<16xi32>], vector<16xf32>,
    %add3A_890 = arith.addf %gather3A_889, %select_n3A_888 : vector<16xf32>
    tpu.vector_store_idx %arg8[%select_n3A_885], %add3A_890 : memref<65664xf32, #tpu.memory_space<vmem>>[vector<16xi32>], vector<16xf32>,
    %eq3A_891 = arith.constant 11 : i32
    %eq3A_892 = vector.broadcast %eq3A_891 : i32 to vector<16xi32>
    %eq3A_893 = arith.cmpi eq, %iota3A, %eq3A_892 : vector<16xi32>
    %select_n3A_894 = arith.select %eq3A_893, %get3A_789, %add3A_52 : vector<16xi1>, vector<16xi32>
    %jit3A_895 = arith.constant 0.000000e+00 : f32
    %broadcast_in_dim3A_896 = vector.broadcast %jit3A_895 : f32 to vector<16xf32>
    %select_n3A_897 = arith.select %eq3A_893, %get3A_791, %broadcast_in_dim3A_896 : vector<16xi1>, vector<16xf32>
    %gather3A_898 = tpu.vector_load_idx %arg8[%select_n3A_894] : memref<65664xf32, #tpu.memory_space<vmem>>[vector<16xi32>], vector<16xf32>,
    %add3A_899 = arith.addf %gather3A_898, %select_n3A_897 : vector<16xf32>
    tpu.vector_store_idx %arg8[%select_n3A_894], %add3A_899 : memref<65664xf32, #tpu.memory_space<vmem>>[vector<16xi32>], vector<16xf32>,
    %eq3A_900 = arith.constant 12 : i32
    %eq3A_901 = vector.broadcast %eq3A_900 : i32 to vector<16xi32>
    %eq3A_902 = arith.cmpi eq, %iota3A, %eq3A_901 : vector<16xi32>
    %select_n3A_903 = arith.select %eq3A_902, %get3A_789, %add3A_52 : vector<16xi1>, vector<16xi32>
    %jit3A_904 = arith.constant 0.000000e+00 : f32
    %broadcast_in_dim3A_905 = vector.broadcast %jit3A_904 : f32 to vector<16xf32>
    %select_n3A_906 = arith.select %eq3A_902, %get3A_791, %broadcast_in_dim3A_905 : vector<16xi1>, vector<16xf32>
    %gather3A_907 = tpu.vector_load_idx %arg8[%select_n3A_903] : memref<65664xf32, #tpu.memory_space<vmem>>[vector<16xi32>], vector<16xf32>,
    %add3A_908 = arith.addf %gather3A_907, %select_n3A_906 : vector<16xf32>
    tpu.vector_store_idx %arg8[%select_n3A_903], %add3A_908 : memref<65664xf32, #tpu.memory_space<vmem>>[vector<16xi32>], vector<16xf32>,
    %eq3A_909 = arith.constant 13 : i32
    %eq3A_910 = vector.broadcast %eq3A_909 : i32 to vector<16xi32>
    %eq3A_911 = arith.cmpi eq, %iota3A, %eq3A_910 : vector<16xi32>
    %select_n3A_912 = arith.select %eq3A_911, %get3A_789, %add3A_52 : vector<16xi1>, vector<16xi32>
    %jit3A_913 = arith.constant 0.000000e+00 : f32
    %broadcast_in_dim3A_914 = vector.broadcast %jit3A_913 : f32 to vector<16xf32>
    %select_n3A_915 = arith.select %eq3A_911, %get3A_791, %broadcast_in_dim3A_914 : vector<16xi1>, vector<16xf32>
    %gather3A_916 = tpu.vector_load_idx %arg8[%select_n3A_912] : memref<65664xf32, #tpu.memory_space<vmem>>[vector<16xi32>], vector<16xf32>,
    %add3A_917 = arith.addf %gather3A_916, %select_n3A_915 : vector<16xf32>
    tpu.vector_store_idx %arg8[%select_n3A_912], %add3A_917 : memref<65664xf32, #tpu.memory_space<vmem>>[vector<16xi32>], vector<16xf32>,
    %eq3A_918 = arith.constant 14 : i32
    %eq3A_919 = vector.broadcast %eq3A_918 : i32 to vector<16xi32>
    %eq3A_920 = arith.cmpi eq, %iota3A, %eq3A_919 : vector<16xi32>
    %select_n3A_921 = arith.select %eq3A_920, %get3A_789, %add3A_52 : vector<16xi1>, vector<16xi32>
    %jit3A_922 = arith.constant 0.000000e+00 : f32
    %broadcast_in_dim3A_923 = vector.broadcast %jit3A_922 : f32 to vector<16xf32>
    %select_n3A_924 = arith.select %eq3A_920, %get3A_791, %broadcast_in_dim3A_923 : vector<16xi1>, vector<16xf32>
    %gather3A_925 = tpu.vector_load_idx %arg8[%select_n3A_921] : memref<65664xf32, #tpu.memory_space<vmem>>[vector<16xi32>], vector<16xf32>,
    %add3A_926 = arith.addf %gather3A_925, %select_n3A_924 : vector<16xf32>
    tpu.vector_store_idx %arg8[%select_n3A_921], %add3A_926 : memref<65664xf32, #tpu.memory_space<vmem>>[vector<16xi32>], vector<16xf32>,
    %eq3A_927 = arith.constant 15 : i32
    %eq3A_928 = vector.broadcast %eq3A_927 : i32 to vector<16xi32>
    %eq3A_929 = arith.cmpi eq, %iota3A, %eq3A_928 : vector<16xi32>
    %select_n3A_930 = arith.select %eq3A_929, %get3A_789, %add3A_52 : vector<16xi1>, vector<16xi32>
    %jit3A_931 = arith.constant 0.000000e+00 : f32
    %broadcast_in_dim3A_932 = vector.broadcast %jit3A_931 : f32 to vector<16xf32>
    %select_n3A_933 = arith.select %eq3A_929, %get3A_791, %broadcast_in_dim3A_932 : vector<16xi1>, vector<16xf32>
    %gather3A_934 = tpu.vector_load_idx %arg8[%select_n3A_930] : memref<65664xf32, #tpu.memory_space<vmem>>[vector<16xi32>], vector<16xf32>,
    %add3A_935 = arith.addf %gather3A_934, %select_n3A_933 : vector<16xf32>
    tpu.vector_store_idx %arg8[%select_n3A_930], %add3A_935 : memref<65664xf32, #tpu.memory_space<vmem>>[vector<16xi32>], vector<16xf32>,
    %get3A_936 = arith.constant 96 : index
    %get3A_937 = tpu.vector_load %arg11[%get3A_936] {strides = array<i32>} : memref<128xi32, #tpu.memory_space<vmem>>, vector<16xi32>,
    %get3A_938 = arith.constant 96 : index
    %get3A_939 = tpu.vector_load %arg12[%get3A_938] {strides = array<i32>} : memref<128xf32, #tpu.memory_space<vmem>>, vector<16xf32>,
    %eq3A_940 = arith.constant 0 : i32
    %eq3A_941 = vector.broadcast %eq3A_940 : i32 to vector<16xi32>
    %eq3A_942 = arith.cmpi eq, %iota3A, %eq3A_941 : vector<16xi32>
    %select_n3A_943 = arith.select %eq3A_942, %get3A_937, %add3A_52 : vector<16xi1>, vector<16xi32>
    %jit3A_944 = arith.constant 0.000000e+00 : f32
    %broadcast_in_dim3A_945 = vector.broadcast %jit3A_944 : f32 to vector<16xf32>
    %select_n3A_946 = arith.select %eq3A_942, %get3A_939, %broadcast_in_dim3A_945 : vector<16xi1>, vector<16xf32>
    %gather3A_947 = tpu.vector_load_idx %arg8[%select_n3A_943] : memref<65664xf32, #tpu.memory_space<vmem>>[vector<16xi32>], vector<16xf32>,
    %add3A_948 = arith.addf %gather3A_947, %select_n3A_946 : vector<16xf32>
    tpu.vector_store_idx %arg8[%select_n3A_943], %add3A_948 : memref<65664xf32, #tpu.memory_space<vmem>>[vector<16xi32>], vector<16xf32>,
    %eq3A_949 = arith.constant 1 : i32
    %eq3A_950 = vector.broadcast %eq3A_949 : i32 to vector<16xi32>
    %eq3A_951 = arith.cmpi eq, %iota3A, %eq3A_950 : vector<16xi32>
    %select_n3A_952 = arith.select %eq3A_951, %get3A_937, %add3A_52 : vector<16xi1>, vector<16xi32>
    %jit3A_953 = arith.constant 0.000000e+00 : f32
    %broadcast_in_dim3A_954 = vector.broadcast %jit3A_953 : f32 to vector<16xf32>
    %select_n3A_955 = arith.select %eq3A_951, %get3A_939, %broadcast_in_dim3A_954 : vector<16xi1>, vector<16xf32>
    %gather3A_956 = tpu.vector_load_idx %arg8[%select_n3A_952] : memref<65664xf32, #tpu.memory_space<vmem>>[vector<16xi32>], vector<16xf32>,
    %add3A_957 = arith.addf %gather3A_956, %select_n3A_955 : vector<16xf32>
    tpu.vector_store_idx %arg8[%select_n3A_952], %add3A_957 : memref<65664xf32, #tpu.memory_space<vmem>>[vector<16xi32>], vector<16xf32>,
    %eq3A_958 = arith.constant 2 : i32
    %eq3A_959 = vector.broadcast %eq3A_958 : i32 to vector<16xi32>
    %eq3A_960 = arith.cmpi eq, %iota3A, %eq3A_959 : vector<16xi32>
    %select_n3A_961 = arith.select %eq3A_960, %get3A_937, %add3A_52 : vector<16xi1>, vector<16xi32>
    %jit3A_962 = arith.constant 0.000000e+00 : f32
    %broadcast_in_dim3A_963 = vector.broadcast %jit3A_962 : f32 to vector<16xf32>
    %select_n3A_964 = arith.select %eq3A_960, %get3A_939, %broadcast_in_dim3A_963 : vector<16xi1>, vector<16xf32>
    %gather3A_965 = tpu.vector_load_idx %arg8[%select_n3A_961] : memref<65664xf32, #tpu.memory_space<vmem>>[vector<16xi32>], vector<16xf32>,
    %add3A_966 = arith.addf %gather3A_965, %select_n3A_964 : vector<16xf32>
    tpu.vector_store_idx %arg8[%select_n3A_961], %add3A_966 : memref<65664xf32, #tpu.memory_space<vmem>>[vector<16xi32>], vector<16xf32>,
    %eq3A_967 = arith.constant 3 : i32
    %eq3A_968 = vector.broadcast %eq3A_967 : i32 to vector<16xi32>
    %eq3A_969 = arith.cmpi eq, %iota3A, %eq3A_968 : vector<16xi32>
    %select_n3A_970 = arith.select %eq3A_969, %get3A_937, %add3A_52 : vector<16xi1>, vector<16xi32>
    %jit3A_971 = arith.constant 0.000000e+00 : f32
    %broadcast_in_dim3A_972 = vector.broadcast %jit3A_971 : f32 to vector<16xf32>
    %select_n3A_973 = arith.select %eq3A_969, %get3A_939, %broadcast_in_dim3A_972 : vector<16xi1>, vector<16xf32>
    %gather3A_974 = tpu.vector_load_idx %arg8[%select_n3A_970] : memref<65664xf32, #tpu.memory_space<vmem>>[vector<16xi32>], vector<16xf32>,
    %add3A_975 = arith.addf %gather3A_974, %select_n3A_973 : vector<16xf32>
    tpu.vector_store_idx %arg8[%select_n3A_970], %add3A_975 : memref<65664xf32, #tpu.memory_space<vmem>>[vector<16xi32>], vector<16xf32>,
    %eq3A_976 = arith.constant 4 : i32
    %eq3A_977 = vector.broadcast %eq3A_976 : i32 to vector<16xi32>
    %eq3A_978 = arith.cmpi eq, %iota3A, %eq3A_977 : vector<16xi32>
    %select_n3A_979 = arith.select %eq3A_978, %get3A_937, %add3A_52 : vector<16xi1>, vector<16xi32>
    %jit3A_980 = arith.constant 0.000000e+00 : f32
    %broadcast_in_dim3A_981 = vector.broadcast %jit3A_980 : f32 to vector<16xf32>
    %select_n3A_982 = arith.select %eq3A_978, %get3A_939, %broadcast_in_dim3A_981 : vector<16xi1>, vector<16xf32>
    %gather3A_983 = tpu.vector_load_idx %arg8[%select_n3A_979] : memref<65664xf32, #tpu.memory_space<vmem>>[vector<16xi32>], vector<16xf32>,
    %add3A_984 = arith.addf %gather3A_983, %select_n3A_982 : vector<16xf32>
    tpu.vector_store_idx %arg8[%select_n3A_979], %add3A_984 : memref<65664xf32, #tpu.memory_space<vmem>>[vector<16xi32>], vector<16xf32>,
    %eq3A_985 = arith.constant 5 : i32
    %eq3A_986 = vector.broadcast %eq3A_985 : i32 to vector<16xi32>
    %eq3A_987 = arith.cmpi eq, %iota3A, %eq3A_986 : vector<16xi32>
    %select_n3A_988 = arith.select %eq3A_987, %get3A_937, %add3A_52 : vector<16xi1>, vector<16xi32>
    %jit3A_989 = arith.constant 0.000000e+00 : f32
    %broadcast_in_dim3A_990 = vector.broadcast %jit3A_989 : f32 to vector<16xf32>
    %select_n3A_991 = arith.select %eq3A_987, %get3A_939, %broadcast_in_dim3A_990 : vector<16xi1>, vector<16xf32>
    %gather3A_992 = tpu.vector_load_idx %arg8[%select_n3A_988] : memref<65664xf32, #tpu.memory_space<vmem>>[vector<16xi32>], vector<16xf32>,
    %add3A_993 = arith.addf %gather3A_992, %select_n3A_991 : vector<16xf32>
    tpu.vector_store_idx %arg8[%select_n3A_988], %add3A_993 : memref<65664xf32, #tpu.memory_space<vmem>>[vector<16xi32>], vector<16xf32>,
    %eq3A_994 = arith.constant 6 : i32
    %eq3A_995 = vector.broadcast %eq3A_994 : i32 to vector<16xi32>
    %eq3A_996 = arith.cmpi eq, %iota3A, %eq3A_995 : vector<16xi32>
    %select_n3A_997 = arith.select %eq3A_996, %get3A_937, %add3A_52 : vector<16xi1>, vector<16xi32>
    %jit3A_998 = arith.constant 0.000000e+00 : f32
    %broadcast_in_dim3A_999 = vector.broadcast %jit3A_998 : f32 to vector<16xf32>
    %select_n3A_1000 = arith.select %eq3A_996, %get3A_939, %broadcast_in_dim3A_999 : vector<16xi1>, vector<16xf32>
    %gather3A_1001 = tpu.vector_load_idx %arg8[%select_n3A_997] : memref<65664xf32, #tpu.memory_space<vmem>>[vector<16xi32>], vector<16xf32>,
    %add3A_1002 = arith.addf %gather3A_1001, %select_n3A_1000 : vector<16xf32>
    tpu.vector_store_idx %arg8[%select_n3A_997], %add3A_1002 : memref<65664xf32, #tpu.memory_space<vmem>>[vector<16xi32>], vector<16xf32>,
    %eq3A_1003 = arith.constant 7 : i32
    %eq3A_1004 = vector.broadcast %eq3A_1003 : i32 to vector<16xi32>
    %eq3A_1005 = arith.cmpi eq, %iota3A, %eq3A_1004 : vector<16xi32>
    %select_n3A_1006 = arith.select %eq3A_1005, %get3A_937, %add3A_52 : vector<16xi1>, vector<16xi32>
    %jit3A_1007 = arith.constant 0.000000e+00 : f32
    %broadcast_in_dim3A_1008 = vector.broadcast %jit3A_1007 : f32 to vector<16xf32>
    %select_n3A_1009 = arith.select %eq3A_1005, %get3A_939, %broadcast_in_dim3A_1008 : vector<16xi1>, vector<16xf32>
    %gather3A_1010 = tpu.vector_load_idx %arg8[%select_n3A_1006] : memref<65664xf32, #tpu.memory_space<vmem>>[vector<16xi32>], vector<16xf32>,
    %add3A_1011 = arith.addf %gather3A_1010, %select_n3A_1009 : vector<16xf32>
    tpu.vector_store_idx %arg8[%select_n3A_1006], %add3A_1011 : memref<65664xf32, #tpu.memory_space<vmem>>[vector<16xi32>], vector<16xf32>,
    %eq3A_1012 = arith.constant 8 : i32
    %eq3A_1013 = vector.broadcast %eq3A_1012 : i32 to vector<16xi32>
    %eq3A_1014 = arith.cmpi eq, %iota3A, %eq3A_1013 : vector<16xi32>
    %select_n3A_1015 = arith.select %eq3A_1014, %get3A_937, %add3A_52 : vector<16xi1>, vector<16xi32>
    %jit3A_1016 = arith.constant 0.000000e+00 : f32
    %broadcast_in_dim3A_1017 = vector.broadcast %jit3A_1016 : f32 to vector<16xf32>
    %select_n3A_1018 = arith.select %eq3A_1014, %get3A_939, %broadcast_in_dim3A_1017 : vector<16xi1>, vector<16xf32>
    %gather3A_1019 = tpu.vector_load_idx %arg8[%select_n3A_1015] : memref<65664xf32, #tpu.memory_space<vmem>>[vector<16xi32>], vector<16xf32>,
    %add3A_1020 = arith.addf %gather3A_1019, %select_n3A_1018 : vector<16xf32>
    tpu.vector_store_idx %arg8[%select_n3A_1015], %add3A_1020 : memref<65664xf32, #tpu.memory_space<vmem>>[vector<16xi32>], vector<16xf32>,
    %eq3A_1021 = arith.constant 9 : i32
    %eq3A_1022 = vector.broadcast %eq3A_1021 : i32 to vector<16xi32>
    %eq3A_1023 = arith.cmpi eq, %iota3A, %eq3A_1022 : vector<16xi32>
    %select_n3A_1024 = arith.select %eq3A_1023, %get3A_937, %add3A_52 : vector<16xi1>, vector<16xi32>
    %jit3A_1025 = arith.constant 0.000000e+00 : f32
    %broadcast_in_dim3A_1026 = vector.broadcast %jit3A_1025 : f32 to vector<16xf32>
    %select_n3A_1027 = arith.select %eq3A_1023, %get3A_939, %broadcast_in_dim3A_1026 : vector<16xi1>, vector<16xf32>
    %gather3A_1028 = tpu.vector_load_idx %arg8[%select_n3A_1024] : memref<65664xf32, #tpu.memory_space<vmem>>[vector<16xi32>], vector<16xf32>,
    %add3A_1029 = arith.addf %gather3A_1028, %select_n3A_1027 : vector<16xf32>
    tpu.vector_store_idx %arg8[%select_n3A_1024], %add3A_1029 : memref<65664xf32, #tpu.memory_space<vmem>>[vector<16xi32>], vector<16xf32>,
    %eq3A_1030 = arith.constant 10 : i32
    %eq3A_1031 = vector.broadcast %eq3A_1030 : i32 to vector<16xi32>
    %eq3A_1032 = arith.cmpi eq, %iota3A, %eq3A_1031 : vector<16xi32>
    %select_n3A_1033 = arith.select %eq3A_1032, %get3A_937, %add3A_52 : vector<16xi1>, vector<16xi32>
    %jit3A_1034 = arith.constant 0.000000e+00 : f32
    %broadcast_in_dim3A_1035 = vector.broadcast %jit3A_1034 : f32 to vector<16xf32>
    %select_n3A_1036 = arith.select %eq3A_1032, %get3A_939, %broadcast_in_dim3A_1035 : vector<16xi1>, vector<16xf32>
    %gather3A_1037 = tpu.vector_load_idx %arg8[%select_n3A_1033] : memref<65664xf32, #tpu.memory_space<vmem>>[vector<16xi32>], vector<16xf32>,
    %add3A_1038 = arith.addf %gather3A_1037, %select_n3A_1036 : vector<16xf32>
    tpu.vector_store_idx %arg8[%select_n3A_1033], %add3A_1038 : memref<65664xf32, #tpu.memory_space<vmem>>[vector<16xi32>], vector<16xf32>,
    %eq3A_1039 = arith.constant 11 : i32
    %eq3A_1040 = vector.broadcast %eq3A_1039 : i32 to vector<16xi32>
    %eq3A_1041 = arith.cmpi eq, %iota3A, %eq3A_1040 : vector<16xi32>
    %select_n3A_1042 = arith.select %eq3A_1041, %get3A_937, %add3A_52 : vector<16xi1>, vector<16xi32>
    %jit3A_1043 = arith.constant 0.000000e+00 : f32
    %broadcast_in_dim3A_1044 = vector.broadcast %jit3A_1043 : f32 to vector<16xf32>
    %select_n3A_1045 = arith.select %eq3A_1041, %get3A_939, %broadcast_in_dim3A_1044 : vector<16xi1>, vector<16xf32>
    %gather3A_1046 = tpu.vector_load_idx %arg8[%select_n3A_1042] : memref<65664xf32, #tpu.memory_space<vmem>>[vector<16xi32>], vector<16xf32>,
    %add3A_1047 = arith.addf %gather3A_1046, %select_n3A_1045 : vector<16xf32>
    tpu.vector_store_idx %arg8[%select_n3A_1042], %add3A_1047 : memref<65664xf32, #tpu.memory_space<vmem>>[vector<16xi32>], vector<16xf32>,
    %eq3A_1048 = arith.constant 12 : i32
    %eq3A_1049 = vector.broadcast %eq3A_1048 : i32 to vector<16xi32>
    %eq3A_1050 = arith.cmpi eq, %iota3A, %eq3A_1049 : vector<16xi32>
    %select_n3A_1051 = arith.select %eq3A_1050, %get3A_937, %add3A_52 : vector<16xi1>, vector<16xi32>
    %jit3A_1052 = arith.constant 0.000000e+00 : f32
    %broadcast_in_dim3A_1053 = vector.broadcast %jit3A_1052 : f32 to vector<16xf32>
    %select_n3A_1054 = arith.select %eq3A_1050, %get3A_939, %broadcast_in_dim3A_1053 : vector<16xi1>, vector<16xf32>
    %gather3A_1055 = tpu.vector_load_idx %arg8[%select_n3A_1051] : memref<65664xf32, #tpu.memory_space<vmem>>[vector<16xi32>], vector<16xf32>,
    %add3A_1056 = arith.addf %gather3A_1055, %select_n3A_1054 : vector<16xf32>
    tpu.vector_store_idx %arg8[%select_n3A_1051], %add3A_1056 : memref<65664xf32, #tpu.memory_space<vmem>>[vector<16xi32>], vector<16xf32>,
    %eq3A_1057 = arith.constant 13 : i32
    %eq3A_1058 = vector.broadcast %eq3A_1057 : i32 to vector<16xi32>
    %eq3A_1059 = arith.cmpi eq, %iota3A, %eq3A_1058 : vector<16xi32>
    %select_n3A_1060 = arith.select %eq3A_1059, %get3A_937, %add3A_52 : vector<16xi1>, vector<16xi32>
    %jit3A_1061 = arith.constant 0.000000e+00 : f32
    %broadcast_in_dim3A_1062 = vector.broadcast %jit3A_1061 : f32 to vector<16xf32>
    %select_n3A_1063 = arith.select %eq3A_1059, %get3A_939, %broadcast_in_dim3A_1062 : vector<16xi1>, vector<16xf32>
    %gather3A_1064 = tpu.vector_load_idx %arg8[%select_n3A_1060] : memref<65664xf32, #tpu.memory_space<vmem>>[vector<16xi32>], vector<16xf32>,
    %add3A_1065 = arith.addf %gather3A_1064, %select_n3A_1063 : vector<16xf32>
    tpu.vector_store_idx %arg8[%select_n3A_1060], %add3A_1065 : memref<65664xf32, #tpu.memory_space<vmem>>[vector<16xi32>], vector<16xf32>,
    %eq3A_1066 = arith.constant 14 : i32
    %eq3A_1067 = vector.broadcast %eq3A_1066 : i32 to vector<16xi32>
    %eq3A_1068 = arith.cmpi eq, %iota3A, %eq3A_1067 : vector<16xi32>
    %select_n3A_1069 = arith.select %eq3A_1068, %get3A_937, %add3A_52 : vector<16xi1>, vector<16xi32>
    %jit3A_1070 = arith.constant 0.000000e+00 : f32
    %broadcast_in_dim3A_1071 = vector.broadcast %jit3A_1070 : f32 to vector<16xf32>
    %select_n3A_1072 = arith.select %eq3A_1068, %get3A_939, %broadcast_in_dim3A_1071 : vector<16xi1>, vector<16xf32>
    %gather3A_1073 = tpu.vector_load_idx %arg8[%select_n3A_1069] : memref<65664xf32, #tpu.memory_space<vmem>>[vector<16xi32>], vector<16xf32>,
    %add3A_1074 = arith.addf %gather3A_1073, %select_n3A_1072 : vector<16xf32>
    tpu.vector_store_idx %arg8[%select_n3A_1069], %add3A_1074 : memref<65664xf32, #tpu.memory_space<vmem>>[vector<16xi32>], vector<16xf32>,
    %eq3A_1075 = arith.constant 15 : i32
    %eq3A_1076 = vector.broadcast %eq3A_1075 : i32 to vector<16xi32>
    %eq3A_1077 = arith.cmpi eq, %iota3A, %eq3A_1076 : vector<16xi32>
    %select_n3A_1078 = arith.select %eq3A_1077, %get3A_937, %add3A_52 : vector<16xi1>, vector<16xi32>
    %jit3A_1079 = arith.constant 0.000000e+00 : f32
    %broadcast_in_dim3A_1080 = vector.broadcast %jit3A_1079 : f32 to vector<16xf32>
    %select_n3A_1081 = arith.select %eq3A_1077, %get3A_939, %broadcast_in_dim3A_1080 : vector<16xi1>, vector<16xf32>
    %gather3A_1082 = tpu.vector_load_idx %arg8[%select_n3A_1078] : memref<65664xf32, #tpu.memory_space<vmem>>[vector<16xi32>], vector<16xf32>,
    %add3A_1083 = arith.addf %gather3A_1082, %select_n3A_1081 : vector<16xf32>
    tpu.vector_store_idx %arg8[%select_n3A_1078], %add3A_1083 : memref<65664xf32, #tpu.memory_space<vmem>>[vector<16xi32>], vector<16xf32>,
    %get3A_1084 = arith.constant 112 : index
    %get3A_1085 = tpu.vector_load %arg11[%get3A_1084] {strides = array<i32>} : memref<128xi32, #tpu.memory_space<vmem>>, vector<16xi32>,
    %get3A_1086 = arith.constant 112 : index
    %get3A_1087 = tpu.vector_load %arg12[%get3A_1086] {strides = array<i32>} : memref<128xf32, #tpu.memory_space<vmem>>, vector<16xf32>,
    %eq3A_1088 = arith.constant 0 : i32
    %eq3A_1089 = vector.broadcast %eq3A_1088 : i32 to vector<16xi32>
    %eq3A_1090 = arith.cmpi eq, %iota3A, %eq3A_1089 : vector<16xi32>
    %select_n3A_1091 = arith.select %eq3A_1090, %get3A_1085, %add3A_52 : vector<16xi1>, vector<16xi32>
    %jit3A_1092 = arith.constant 0.000000e+00 : f32
    %broadcast_in_dim3A_1093 = vector.broadcast %jit3A_1092 : f32 to vector<16xf32>
    %select_n3A_1094 = arith.select %eq3A_1090, %get3A_1087, %broadcast_in_dim3A_1093 : vector<16xi1>, vector<16xf32>
    %gather3A_1095 = tpu.vector_load_idx %arg8[%select_n3A_1091] : memref<65664xf32, #tpu.memory_space<vmem>>[vector<16xi32>], vector<16xf32>,
    %add3A_1096 = arith.addf %gather3A_1095, %select_n3A_1094 : vector<16xf32>
    tpu.vector_store_idx %arg8[%select_n3A_1091], %add3A_1096 : memref<65664xf32, #tpu.memory_space<vmem>>[vector<16xi32>], vector<16xf32>,
    %eq3A_1097 = arith.constant 1 : i32
    %eq3A_1098 = vector.broadcast %eq3A_1097 : i32 to vector<16xi32>
    %eq3A_1099 = arith.cmpi eq, %iota3A, %eq3A_1098 : vector<16xi32>
    %select_n3A_1100 = arith.select %eq3A_1099, %get3A_1085, %add3A_52 : vector<16xi1>, vector<16xi32>
    %jit3A_1101 = arith.constant 0.000000e+00 : f32
    %broadcast_in_dim3A_1102 = vector.broadcast %jit3A_1101 : f32 to vector<16xf32>
    %select_n3A_1103 = arith.select %eq3A_1099, %get3A_1087, %broadcast_in_dim3A_1102 : vector<16xi1>, vector<16xf32>
    %gather3A_1104 = tpu.vector_load_idx %arg8[%select_n3A_1100] : memref<65664xf32, #tpu.memory_space<vmem>>[vector<16xi32>], vector<16xf32>,
    %add3A_1105 = arith.addf %gather3A_1104, %select_n3A_1103 : vector<16xf32>
    tpu.vector_store_idx %arg8[%select_n3A_1100], %add3A_1105 : memref<65664xf32, #tpu.memory_space<vmem>>[vector<16xi32>], vector<16xf32>,
    %eq3A_1106 = arith.constant 2 : i32
    %eq3A_1107 = vector.broadcast %eq3A_1106 : i32 to vector<16xi32>
    %eq3A_1108 = arith.cmpi eq, %iota3A, %eq3A_1107 : vector<16xi32>
    %select_n3A_1109 = arith.select %eq3A_1108, %get3A_1085, %add3A_52 : vector<16xi1>, vector<16xi32>
    %jit3A_1110 = arith.constant 0.000000e+00 : f32
    %broadcast_in_dim3A_1111 = vector.broadcast %jit3A_1110 : f32 to vector<16xf32>
    %select_n3A_1112 = arith.select %eq3A_1108, %get3A_1087, %broadcast_in_dim3A_1111 : vector<16xi1>, vector<16xf32>
    %gather3A_1113 = tpu.vector_load_idx %arg8[%select_n3A_1109] : memref<65664xf32, #tpu.memory_space<vmem>>[vector<16xi32>], vector<16xf32>,
    %add3A_1114 = arith.addf %gather3A_1113, %select_n3A_1112 : vector<16xf32>
    tpu.vector_store_idx %arg8[%select_n3A_1109], %add3A_1114 : memref<65664xf32, #tpu.memory_space<vmem>>[vector<16xi32>], vector<16xf32>,
    %eq3A_1115 = arith.constant 3 : i32
    %eq3A_1116 = vector.broadcast %eq3A_1115 : i32 to vector<16xi32>
    %eq3A_1117 = arith.cmpi eq, %iota3A, %eq3A_1116 : vector<16xi32>
    %select_n3A_1118 = arith.select %eq3A_1117, %get3A_1085, %add3A_52 : vector<16xi1>, vector<16xi32>
    %jit3A_1119 = arith.constant 0.000000e+00 : f32
    %broadcast_in_dim3A_1120 = vector.broadcast %jit3A_1119 : f32 to vector<16xf32>
    %select_n3A_1121 = arith.select %eq3A_1117, %get3A_1087, %broadcast_in_dim3A_1120 : vector<16xi1>, vector<16xf32>
    %gather3A_1122 = tpu.vector_load_idx %arg8[%select_n3A_1118] : memref<65664xf32, #tpu.memory_space<vmem>>[vector<16xi32>], vector<16xf32>,
    %add3A_1123 = arith.addf %gather3A_1122, %select_n3A_1121 : vector<16xf32>
    tpu.vector_store_idx %arg8[%select_n3A_1118], %add3A_1123 : memref<65664xf32, #tpu.memory_space<vmem>>[vector<16xi32>], vector<16xf32>,
    %eq3A_1124 = arith.constant 4 : i32
    %eq3A_1125 = vector.broadcast %eq3A_1124 : i32 to vector<16xi32>
    %eq3A_1126 = arith.cmpi eq, %iota3A, %eq3A_1125 : vector<16xi32>
    %select_n3A_1127 = arith.select %eq3A_1126, %get3A_1085, %add3A_52 : vector<16xi1>, vector<16xi32>
    %jit3A_1128 = arith.constant 0.000000e+00 : f32
    %broadcast_in_dim3A_1129 = vector.broadcast %jit3A_1128 : f32 to vector<16xf32>
    %select_n3A_1130 = arith.select %eq3A_1126, %get3A_1087, %broadcast_in_dim3A_1129 : vector<16xi1>, vector<16xf32>
    %gather3A_1131 = tpu.vector_load_idx %arg8[%select_n3A_1127] : memref<65664xf32, #tpu.memory_space<vmem>>[vector<16xi32>], vector<16xf32>,
    %add3A_1132 = arith.addf %gather3A_1131, %select_n3A_1130 : vector<16xf32>
    tpu.vector_store_idx %arg8[%select_n3A_1127], %add3A_1132 : memref<65664xf32, #tpu.memory_space<vmem>>[vector<16xi32>], vector<16xf32>,
    %eq3A_1133 = arith.constant 5 : i32
    %eq3A_1134 = vector.broadcast %eq3A_1133 : i32 to vector<16xi32>
    %eq3A_1135 = arith.cmpi eq, %iota3A, %eq3A_1134 : vector<16xi32>
    %select_n3A_1136 = arith.select %eq3A_1135, %get3A_1085, %add3A_52 : vector<16xi1>, vector<16xi32>
    %jit3A_1137 = arith.constant 0.000000e+00 : f32
    %broadcast_in_dim3A_1138 = vector.broadcast %jit3A_1137 : f32 to vector<16xf32>
    %select_n3A_1139 = arith.select %eq3A_1135, %get3A_1087, %broadcast_in_dim3A_1138 : vector<16xi1>, vector<16xf32>
    %gather3A_1140 = tpu.vector_load_idx %arg8[%select_n3A_1136] : memref<65664xf32, #tpu.memory_space<vmem>>[vector<16xi32>], vector<16xf32>,
    %add3A_1141 = arith.addf %gather3A_1140, %select_n3A_1139 : vector<16xf32>
    tpu.vector_store_idx %arg8[%select_n3A_1136], %add3A_1141 : memref<65664xf32, #tpu.memory_space<vmem>>[vector<16xi32>], vector<16xf32>,
    %eq3A_1142 = arith.constant 6 : i32
    %eq3A_1143 = vector.broadcast %eq3A_1142 : i32 to vector<16xi32>
    %eq3A_1144 = arith.cmpi eq, %iota3A, %eq3A_1143 : vector<16xi32>
    %select_n3A_1145 = arith.select %eq3A_1144, %get3A_1085, %add3A_52 : vector<16xi1>, vector<16xi32>
    %jit3A_1146 = arith.constant 0.000000e+00 : f32
    %broadcast_in_dim3A_1147 = vector.broadcast %jit3A_1146 : f32 to vector<16xf32>
    %select_n3A_1148 = arith.select %eq3A_1144, %get3A_1087, %broadcast_in_dim3A_1147 : vector<16xi1>, vector<16xf32>
    %gather3A_1149 = tpu.vector_load_idx %arg8[%select_n3A_1145] : memref<65664xf32, #tpu.memory_space<vmem>>[vector<16xi32>], vector<16xf32>,
    %add3A_1150 = arith.addf %gather3A_1149, %select_n3A_1148 : vector<16xf32>
    tpu.vector_store_idx %arg8[%select_n3A_1145], %add3A_1150 : memref<65664xf32, #tpu.memory_space<vmem>>[vector<16xi32>], vector<16xf32>,
    %eq3A_1151 = arith.constant 7 : i32
    %eq3A_1152 = vector.broadcast %eq3A_1151 : i32 to vector<16xi32>
    %eq3A_1153 = arith.cmpi eq, %iota3A, %eq3A_1152 : vector<16xi32>
    %select_n3A_1154 = arith.select %eq3A_1153, %get3A_1085, %add3A_52 : vector<16xi1>, vector<16xi32>
    %jit3A_1155 = arith.constant 0.000000e+00 : f32
    %broadcast_in_dim3A_1156 = vector.broadcast %jit3A_1155 : f32 to vector<16xf32>
    %select_n3A_1157 = arith.select %eq3A_1153, %get3A_1087, %broadcast_in_dim3A_1156 : vector<16xi1>, vector<16xf32>
    %gather3A_1158 = tpu.vector_load_idx %arg8[%select_n3A_1154] : memref<65664xf32, #tpu.memory_space<vmem>>[vector<16xi32>], vector<16xf32>,
    %add3A_1159 = arith.addf %gather3A_1158, %select_n3A_1157 : vector<16xf32>
    tpu.vector_store_idx %arg8[%select_n3A_1154], %add3A_1159 : memref<65664xf32, #tpu.memory_space<vmem>>[vector<16xi32>], vector<16xf32>,
    %eq3A_1160 = arith.constant 8 : i32
    %eq3A_1161 = vector.broadcast %eq3A_1160 : i32 to vector<16xi32>
    %eq3A_1162 = arith.cmpi eq, %iota3A, %eq3A_1161 : vector<16xi32>
    %select_n3A_1163 = arith.select %eq3A_1162, %get3A_1085, %add3A_52 : vector<16xi1>, vector<16xi32>
    %jit3A_1164 = arith.constant 0.000000e+00 : f32
    %broadcast_in_dim3A_1165 = vector.broadcast %jit3A_1164 : f32 to vector<16xf32>
    %select_n3A_1166 = arith.select %eq3A_1162, %get3A_1087, %broadcast_in_dim3A_1165 : vector<16xi1>, vector<16xf32>
    %gather3A_1167 = tpu.vector_load_idx %arg8[%select_n3A_1163] : memref<65664xf32, #tpu.memory_space<vmem>>[vector<16xi32>], vector<16xf32>,
    %add3A_1168 = arith.addf %gather3A_1167, %select_n3A_1166 : vector<16xf32>
    tpu.vector_store_idx %arg8[%select_n3A_1163], %add3A_1168 : memref<65664xf32, #tpu.memory_space<vmem>>[vector<16xi32>], vector<16xf32>,
    %eq3A_1169 = arith.constant 9 : i32
    %eq3A_1170 = vector.broadcast %eq3A_1169 : i32 to vector<16xi32>
    %eq3A_1171 = arith.cmpi eq, %iota3A, %eq3A_1170 : vector<16xi32>
    %select_n3A_1172 = arith.select %eq3A_1171, %get3A_1085, %add3A_52 : vector<16xi1>, vector<16xi32>
    %jit3A_1173 = arith.constant 0.000000e+00 : f32
    %broadcast_in_dim3A_1174 = vector.broadcast %jit3A_1173 : f32 to vector<16xf32>
    %select_n3A_1175 = arith.select %eq3A_1171, %get3A_1087, %broadcast_in_dim3A_1174 : vector<16xi1>, vector<16xf32>
    %gather3A_1176 = tpu.vector_load_idx %arg8[%select_n3A_1172] : memref<65664xf32, #tpu.memory_space<vmem>>[vector<16xi32>], vector<16xf32>,
    %add3A_1177 = arith.addf %gather3A_1176, %select_n3A_1175 : vector<16xf32>
    tpu.vector_store_idx %arg8[%select_n3A_1172], %add3A_1177 : memref<65664xf32, #tpu.memory_space<vmem>>[vector<16xi32>], vector<16xf32>,
    %eq3A_1178 = arith.constant 10 : i32
    %eq3A_1179 = vector.broadcast %eq3A_1178 : i32 to vector<16xi32>
    %eq3A_1180 = arith.cmpi eq, %iota3A, %eq3A_1179 : vector<16xi32>
    %select_n3A_1181 = arith.select %eq3A_1180, %get3A_1085, %add3A_52 : vector<16xi1>, vector<16xi32>
    %jit3A_1182 = arith.constant 0.000000e+00 : f32
    %broadcast_in_dim3A_1183 = vector.broadcast %jit3A_1182 : f32 to vector<16xf32>
    %select_n3A_1184 = arith.select %eq3A_1180, %get3A_1087, %broadcast_in_dim3A_1183 : vector<16xi1>, vector<16xf32>
    %gather3A_1185 = tpu.vector_load_idx %arg8[%select_n3A_1181] : memref<65664xf32, #tpu.memory_space<vmem>>[vector<16xi32>], vector<16xf32>,
    %add3A_1186 = arith.addf %gather3A_1185, %select_n3A_1184 : vector<16xf32>
    tpu.vector_store_idx %arg8[%select_n3A_1181], %add3A_1186 : memref<65664xf32, #tpu.memory_space<vmem>>[vector<16xi32>], vector<16xf32>,
    %eq3A_1187 = arith.constant 11 : i32
    %eq3A_1188 = vector.broadcast %eq3A_1187 : i32 to vector<16xi32>
    %eq3A_1189 = arith.cmpi eq, %iota3A, %eq3A_1188 : vector<16xi32>
    %select_n3A_1190 = arith.select %eq3A_1189, %get3A_1085, %add3A_52 : vector<16xi1>, vector<16xi32>
    %jit3A_1191 = arith.constant 0.000000e+00 : f32
    %broadcast_in_dim3A_1192 = vector.broadcast %jit3A_1191 : f32 to vector<16xf32>
    %select_n3A_1193 = arith.select %eq3A_1189, %get3A_1087, %broadcast_in_dim3A_1192 : vector<16xi1>, vector<16xf32>
    %gather3A_1194 = tpu.vector_load_idx %arg8[%select_n3A_1190] : memref<65664xf32, #tpu.memory_space<vmem>>[vector<16xi32>], vector<16xf32>,
    %add3A_1195 = arith.addf %gather3A_1194, %select_n3A_1193 : vector<16xf32>
    tpu.vector_store_idx %arg8[%select_n3A_1190], %add3A_1195 : memref<65664xf32, #tpu.memory_space<vmem>>[vector<16xi32>], vector<16xf32>,
    %eq3A_1196 = arith.constant 12 : i32
    %eq3A_1197 = vector.broadcast %eq3A_1196 : i32 to vector<16xi32>
    %eq3A_1198 = arith.cmpi eq, %iota3A, %eq3A_1197 : vector<16xi32>
    %select_n3A_1199 = arith.select %eq3A_1198, %get3A_1085, %add3A_52 : vector<16xi1>, vector<16xi32>
    %jit3A_1200 = arith.constant 0.000000e+00 : f32
    %broadcast_in_dim3A_1201 = vector.broadcast %jit3A_1200 : f32 to vector<16xf32>
    %select_n3A_1202 = arith.select %eq3A_1198, %get3A_1087, %broadcast_in_dim3A_1201 : vector<16xi1>, vector<16xf32>
    %gather3A_1203 = tpu.vector_load_idx %arg8[%select_n3A_1199] : memref<65664xf32, #tpu.memory_space<vmem>>[vector<16xi32>], vector<16xf32>,
    %add3A_1204 = arith.addf %gather3A_1203, %select_n3A_1202 : vector<16xf32>
    tpu.vector_store_idx %arg8[%select_n3A_1199], %add3A_1204 : memref<65664xf32, #tpu.memory_space<vmem>>[vector<16xi32>], vector<16xf32>,
    %eq3A_1205 = arith.constant 13 : i32
    %eq3A_1206 = vector.broadcast %eq3A_1205 : i32 to vector<16xi32>
    %eq3A_1207 = arith.cmpi eq, %iota3A, %eq3A_1206 : vector<16xi32>
    %select_n3A_1208 = arith.select %eq3A_1207, %get3A_1085, %add3A_52 : vector<16xi1>, vector<16xi32>
    %jit3A_1209 = arith.constant 0.000000e+00 : f32
    %broadcast_in_dim3A_1210 = vector.broadcast %jit3A_1209 : f32 to vector<16xf32>
    %select_n3A_1211 = arith.select %eq3A_1207, %get3A_1087, %broadcast_in_dim3A_1210 : vector<16xi1>, vector<16xf32>
    %gather3A_1212 = tpu.vector_load_idx %arg8[%select_n3A_1208] : memref<65664xf32, #tpu.memory_space<vmem>>[vector<16xi32>], vector<16xf32>,
    %add3A_1213 = arith.addf %gather3A_1212, %select_n3A_1211 : vector<16xf32>
    tpu.vector_store_idx %arg8[%select_n3A_1208], %add3A_1213 : memref<65664xf32, #tpu.memory_space<vmem>>[vector<16xi32>], vector<16xf32>,
    %eq3A_1214 = arith.constant 14 : i32
    %eq3A_1215 = vector.broadcast %eq3A_1214 : i32 to vector<16xi32>
    %eq3A_1216 = arith.cmpi eq, %iota3A, %eq3A_1215 : vector<16xi32>
    %select_n3A_1217 = arith.select %eq3A_1216, %get3A_1085, %add3A_52 : vector<16xi1>, vector<16xi32>
    %jit3A_1218 = arith.constant 0.000000e+00 : f32
    %broadcast_in_dim3A_1219 = vector.broadcast %jit3A_1218 : f32 to vector<16xf32>
    %select_n3A_1220 = arith.select %eq3A_1216, %get3A_1087, %broadcast_in_dim3A_1219 : vector<16xi1>, vector<16xf32>
    %gather3A_1221 = tpu.vector_load_idx %arg8[%select_n3A_1217] : memref<65664xf32, #tpu.memory_space<vmem>>[vector<16xi32>], vector<16xf32>,
    %add3A_1222 = arith.addf %gather3A_1221, %select_n3A_1220 : vector<16xf32>
    tpu.vector_store_idx %arg8[%select_n3A_1217], %add3A_1222 : memref<65664xf32, #tpu.memory_space<vmem>>[vector<16xi32>], vector<16xf32>,
    %eq3A_1223 = arith.constant 15 : i32
    %eq3A_1224 = vector.broadcast %eq3A_1223 : i32 to vector<16xi32>
    %eq3A_1225 = arith.cmpi eq, %iota3A, %eq3A_1224 : vector<16xi32>
    %select_n3A_1226 = arith.select %eq3A_1225, %get3A_1085, %add3A_52 : vector<16xi1>, vector<16xi32>
    %jit3A_1227 = arith.constant 0.000000e+00 : f32
    %broadcast_in_dim3A_1228 = vector.broadcast %jit3A_1227 : f32 to vector<16xf32>
    %select_n3A_1229 = arith.select %eq3A_1225, %get3A_1087, %broadcast_in_dim3A_1228 : vector<16xi1>, vector<16xf32>
    %gather3A_1230 = tpu.vector_load_idx %arg8[%select_n3A_1226] : memref<65664xf32, #tpu.memory_space<vmem>>[vector<16xi32>], vector<16xf32>,
    %add3A_1231 = arith.addf %gather3A_1230, %select_n3A_1229 : vector<16xf32>
    tpu.vector_store_idx %arg8[%select_n3A_1226], %add3A_1231 : memref<65664xf32, #tpu.memory_space<vmem>>[vector<16xi32>], vector<16xf32>,
    %broadcast_in_dim3A_1232 = arith.constant 0xFF800000 : f32
    %broadcast_in_dim3A_1233 = vector.broadcast %broadcast_in_dim3A_1232 : f32 to vector<16xf32>
    %broadcast_in_dim3A_1234 = arith.constant 0 : i32
    %broadcast_in_dim3A_1235 = vector.broadcast %broadcast_in_dim3A_1234 : i32 to vector<16xi32>
    %scan3A_1236 = arith.constant 0 : i32
    %scan3A_1237 = arith.constant 16 : i32
    %scan3A_1238 = arith.addi %scan3A_1236, %scan3A_1237 : i32
    %scan3A_1239 = arith.constant 1 : i32
    %scan3A_1240:2 = scf.for %scan3A_1249 = %scan3A_1236 to %scan3A_1238 step %scan3A_1239 iter_args(%scan3A_1250 = %broadcast_in_dim3A_1233, %scan3A_1251 = %broadcast_in_dim3A_1235) -> (vector<16xf32>, vector<16xi32>)  : i32 {
      %rem3A = arith.constant 3 : i32
      %rem3A_1252 = arith.remsi %scan3A_1249, %rem3A : i32
      %add3A_1253 = arith.constant 2 : i32
      %add3A_1254 = arith.addi %scan3A_1249, %add3A_1253 : i32
      %rem3A_1255 = arith.constant 3 : i32
      %rem3A_1256 = arith.remsi %add3A_1254, %rem3A_1255 : i32
      %mul3A_1257 = arith.constant 8320 : i32
      %mul3A_1258 = arith.muli %scan3A_1249, %mul3A_1257 : i32
      %add3A_1259 = arith.addi %mul3A_5, %mul3A_1258 : i32
      %multiple_of3A_1260 = tpu.assume_multiple %add3A_1259, 8 : i32
      %add3A_1261 = arith.constant 2 : i32
      %add3A_1262 = arith.addi %scan3A_1249, %add3A_1261 : i32
      %mul3A_1263 = arith.constant 8320 : i32
      %mul3A_1264 = arith.muli %add3A_1262, %mul3A_1263 : i32
      %add3A_1265 = arith.addi %mul3A_5, %mul3A_1264 : i32
      %multiple_of3A_1266 = tpu.assume_multiple %add3A_1265, 8 : i32
      %eq3A_1267 = arith.constant 0 : i32
      %eq3A_1268 = arith.cmpi eq, %rem3A_1252, %eq3A_1267 : i32
      %convert_element_type3A = arith.extui %eq3A_1268 : i1 to i32
      %cond3A = arith.constant 0 : i32
      %cond3A_1269 = arith.cmpi ne, %convert_element_type3A, %cond3A : i32
      scf.if %cond3A_1269 {
        %dma_wait3A = arith.constant 0 : i32
        %dma_wait3A_1310 = tpu.memref_slice %arg9[%dma_wait3A] : memref<24960xi32, #tpu.memory_space<vmem>> -> memref<8320xi32, #tpu.memory_space<vmem>>
        %dma_wait3A_1311 = tpu.memref_slice %arg4[%multiple_of3A_1260] : memref<4259840xi32, #tpu.memory_space<hbm>> -> memref<8320xi32, #tpu.memory_space<hbm>>
        %dma_wait3A_1312 = arith.constant 0 : i32
        %dma_wait3A_1313 = tpu.memref_slice %arg9[%dma_wait3A_1312] : memref<24960xi32, #tpu.memory_space<vmem>> -> memref<8320xi32, #tpu.memory_space<vmem>>
        %dma_wait3A_1314 = tpu.memref_slice %arg4[%multiple_of3A_1260] : memref<4259840xi32, #tpu.memory_space<hbm>> -> memref<8320xi32, #tpu.memory_space<hbm>>
        tpu.wait_dma2 semaphore(%arg15 : memref<!tpu.dma_semaphore, #tpu.memory_space<semaphore_mem>>) src(%dma_wait3A_1314 : memref<8320xi32, #tpu.memory_space<hbm>>) dst(%dma_wait3A_1313 : memref<8320xi32, #tpu.memory_space<vmem>>)
        %dma_wait3A_1315 = arith.constant 0 : i32
        %dma_wait3A_1316 = tpu.memref_slice %arg10[%dma_wait3A_1315] : memref<24960xf32, #tpu.memory_space<vmem>> -> memref<8320xf32, #tpu.memory_space<vmem>>
        %dma_wait3A_1317 = tpu.memref_slice %arg5[%multiple_of3A_1260] : memref<4259840xf32, #tpu.memory_space<hbm>> -> memref<8320xf32, #tpu.memory_space<hbm>>
        %dma_wait3A_1318 = arith.constant 0 : i32
        %dma_wait3A_1319 = tpu.memref_slice %arg10[%dma_wait3A_1318] : memref<24960xf32, #tpu.memory_space<vmem>> -> memref<8320xf32, #tpu.memory_space<vmem>>
        %dma_wait3A_1320 = tpu.memref_slice %arg5[%multiple_of3A_1260] : memref<4259840xf32, #tpu.memory_space<hbm>> -> memref<8320xf32, #tpu.memory_space<hbm>>
        tpu.wait_dma2 semaphore(%arg15 : memref<!tpu.dma_semaphore, #tpu.memory_space<semaphore_mem>>) src(%dma_wait3A_1320 : memref<8320xf32, #tpu.memory_space<hbm>>) dst(%dma_wait3A_1319 : memref<8320xf32, #tpu.memory_space<vmem>>)
      } else {
      }
      %lt3A = arith.constant 14 : i32
      %lt3A_1270 = arith.cmpi slt, %scan3A_1249, %lt3A : i32
      %eq3A_1271 = arith.constant 0 : i32
      %eq3A_1272 = arith.cmpi eq, %rem3A_1256, %eq3A_1271 : i32
      %and3A = arith.andi %lt3A_1270, %eq3A_1272 : i1
      %convert_element_type3A_1273 = arith.extui %and3A : i1 to i32
      %cond3A_1274 = arith.constant 0 : i32
      %cond3A_1275 = arith.cmpi ne, %convert_element_type3A_1273, %cond3A_1274 : i32
      scf.if %cond3A_1275 {
        %dma_start3A_1310 = arith.constant 0 : i32
        %dma_start3A_1311 = tpu.memref_slice %arg9[%dma_start3A_1310] : memref<24960xi32, #tpu.memory_space<vmem>> -> memref<8320xi32, #tpu.memory_space<vmem>>
        %dma_start3A_1312 = tpu.memref_slice %arg4[%multiple_of3A_1266] : memref<4259840xi32, #tpu.memory_space<hbm>> -> memref<8320xi32, #tpu.memory_space<hbm>>
        %dma_start3A_1313 = arith.constant 0 : i32
        %dma_start3A_1314 = tpu.memref_slice %arg9[%dma_start3A_1313] : memref<24960xi32, #tpu.memory_space<vmem>> -> memref<8320xi32, #tpu.memory_space<vmem>>
        %dma_start3A_1315 = tpu.memref_slice %arg4[%multiple_of3A_1266] : memref<4259840xi32, #tpu.memory_space<hbm>> -> memref<8320xi32, #tpu.memory_space<hbm>>
        tpu.enqueue_dma source(%dma_start3A_1315 : memref<8320xi32, #tpu.memory_space<hbm>>) target(%dma_start3A_1314 : memref<8320xi32, #tpu.memory_space<vmem>>) target_semaphore(%arg15 : memref<!tpu.dma_semaphore, #tpu.memory_space<semaphore_mem>>)
        %dma_start3A_1316 = arith.constant 0 : i32
        %dma_start3A_1317 = tpu.memref_slice %arg10[%dma_start3A_1316] : memref<24960xf32, #tpu.memory_space<vmem>> -> memref<8320xf32, #tpu.memory_space<vmem>>
        %dma_start3A_1318 = tpu.memref_slice %arg5[%multiple_of3A_1266] : memref<4259840xf32, #tpu.memory_space<hbm>> -> memref<8320xf32, #tpu.memory_space<hbm>>
        %dma_start3A_1319 = arith.constant 0 : i32
        %dma_start3A_1320 = tpu.memref_slice %arg10[%dma_start3A_1319] : memref<24960xf32, #tpu.memory_space<vmem>> -> memref<8320xf32, #tpu.memory_space<vmem>>
        %dma_start3A_1321 = tpu.memref_slice %arg5[%multiple_of3A_1266] : memref<4259840xf32, #tpu.memory_space<hbm>> -> memref<8320xf32, #tpu.memory_space<hbm>>
        tpu.enqueue_dma source(%dma_start3A_1321 : memref<8320xf32, #tpu.memory_space<hbm>>) target(%dma_start3A_1320 : memref<8320xf32, #tpu.memory_space<vmem>>) target_semaphore(%arg15 : memref<!tpu.dma_semaphore, #tpu.memory_space<semaphore_mem>>)
      } else {
      }
      %eq3A_1276 = arith.constant 1 : i32
      %eq3A_1277 = arith.cmpi eq, %rem3A_1252, %eq3A_1276 : i32
      %convert_element_type3A_1278 = arith.extui %eq3A_1277 : i1 to i32
      %cond3A_1279 = arith.constant 0 : i32
      %cond3A_1280 = arith.cmpi ne, %convert_element_type3A_1278, %cond3A_1279 : i32
      scf.if %cond3A_1280 {
        %dma_wait3A = arith.constant 8320 : i32
        %dma_wait3A_1310 = tpu.memref_slice %arg9[%dma_wait3A] : memref<24960xi32, #tpu.memory_space<vmem>> -> memref<8320xi32, #tpu.memory_space<vmem>>
        %dma_wait3A_1311 = tpu.memref_slice %arg4[%multiple_of3A_1260] : memref<4259840xi32, #tpu.memory_space<hbm>> -> memref<8320xi32, #tpu.memory_space<hbm>>
        %dma_wait3A_1312 = arith.constant 8320 : i32
        %dma_wait3A_1313 = tpu.memref_slice %arg9[%dma_wait3A_1312] : memref<24960xi32, #tpu.memory_space<vmem>> -> memref<8320xi32, #tpu.memory_space<vmem>>
        %dma_wait3A_1314 = tpu.memref_slice %arg4[%multiple_of3A_1260] : memref<4259840xi32, #tpu.memory_space<hbm>> -> memref<8320xi32, #tpu.memory_space<hbm>>
        tpu.wait_dma2 semaphore(%arg16 : memref<!tpu.dma_semaphore, #tpu.memory_space<semaphore_mem>>) src(%dma_wait3A_1314 : memref<8320xi32, #tpu.memory_space<hbm>>) dst(%dma_wait3A_1313 : memref<8320xi32, #tpu.memory_space<vmem>>)
        %dma_wait3A_1315 = arith.constant 8320 : i32
        %dma_wait3A_1316 = tpu.memref_slice %arg10[%dma_wait3A_1315] : memref<24960xf32, #tpu.memory_space<vmem>> -> memref<8320xf32, #tpu.memory_space<vmem>>
        %dma_wait3A_1317 = tpu.memref_slice %arg5[%multiple_of3A_1260] : memref<4259840xf32, #tpu.memory_space<hbm>> -> memref<8320xf32, #tpu.memory_space<hbm>>
        %dma_wait3A_1318 = arith.constant 8320 : i32
        %dma_wait3A_1319 = tpu.memref_slice %arg10[%dma_wait3A_1318] : memref<24960xf32, #tpu.memory_space<vmem>> -> memref<8320xf32, #tpu.memory_space<vmem>>
        %dma_wait3A_1320 = tpu.memref_slice %arg5[%multiple_of3A_1260] : memref<4259840xf32, #tpu.memory_space<hbm>> -> memref<8320xf32, #tpu.memory_space<hbm>>
        tpu.wait_dma2 semaphore(%arg16 : memref<!tpu.dma_semaphore, #tpu.memory_space<semaphore_mem>>) src(%dma_wait3A_1320 : memref<8320xf32, #tpu.memory_space<hbm>>) dst(%dma_wait3A_1319 : memref<8320xf32, #tpu.memory_space<vmem>>)
      } else {
      }
      %lt3A_1281 = arith.constant 14 : i32
      %lt3A_1282 = arith.cmpi slt, %scan3A_1249, %lt3A_1281 : i32
      %eq3A_1283 = arith.constant 1 : i32
      %eq3A_1284 = arith.cmpi eq, %rem3A_1256, %eq3A_1283 : i32
      %and3A_1285 = arith.andi %lt3A_1282, %eq3A_1284 : i1
      %convert_element_type3A_1286 = arith.extui %and3A_1285 : i1 to i32
      %cond3A_1287 = arith.constant 0 : i32
      %cond3A_1288 = arith.cmpi ne, %convert_element_type3A_1286, %cond3A_1287 : i32
      scf.if %cond3A_1288 {
        %dma_start3A_1310 = arith.constant 8320 : i32
        %dma_start3A_1311 = tpu.memref_slice %arg9[%dma_start3A_1310] : memref<24960xi32, #tpu.memory_space<vmem>> -> memref<8320xi32, #tpu.memory_space<vmem>>
        %dma_start3A_1312 = tpu.memref_slice %arg4[%multiple_of3A_1266] : memref<4259840xi32, #tpu.memory_space<hbm>> -> memref<8320xi32, #tpu.memory_space<hbm>>
        %dma_start3A_1313 = arith.constant 8320 : i32
        %dma_start3A_1314 = tpu.memref_slice %arg9[%dma_start3A_1313] : memref<24960xi32, #tpu.memory_space<vmem>> -> memref<8320xi32, #tpu.memory_space<vmem>>
        %dma_start3A_1315 = tpu.memref_slice %arg4[%multiple_of3A_1266] : memref<4259840xi32, #tpu.memory_space<hbm>> -> memref<8320xi32, #tpu.memory_space<hbm>>
        tpu.enqueue_dma source(%dma_start3A_1315 : memref<8320xi32, #tpu.memory_space<hbm>>) target(%dma_start3A_1314 : memref<8320xi32, #tpu.memory_space<vmem>>) target_semaphore(%arg16 : memref<!tpu.dma_semaphore, #tpu.memory_space<semaphore_mem>>)
        %dma_start3A_1316 = arith.constant 8320 : i32
        %dma_start3A_1317 = tpu.memref_slice %arg10[%dma_start3A_1316] : memref<24960xf32, #tpu.memory_space<vmem>> -> memref<8320xf32, #tpu.memory_space<vmem>>
        %dma_start3A_1318 = tpu.memref_slice %arg5[%multiple_of3A_1266] : memref<4259840xf32, #tpu.memory_space<hbm>> -> memref<8320xf32, #tpu.memory_space<hbm>>
        %dma_start3A_1319 = arith.constant 8320 : i32
        %dma_start3A_1320 = tpu.memref_slice %arg10[%dma_start3A_1319] : memref<24960xf32, #tpu.memory_space<vmem>> -> memref<8320xf32, #tpu.memory_space<vmem>>
        %dma_start3A_1321 = tpu.memref_slice %arg5[%multiple_of3A_1266] : memref<4259840xf32, #tpu.memory_space<hbm>> -> memref<8320xf32, #tpu.memory_space<hbm>>
        tpu.enqueue_dma source(%dma_start3A_1321 : memref<8320xf32, #tpu.memory_space<hbm>>) target(%dma_start3A_1320 : memref<8320xf32, #tpu.memory_space<vmem>>) target_semaphore(%arg16 : memref<!tpu.dma_semaphore, #tpu.memory_space<semaphore_mem>>)
      } else {
      }
      %eq3A_1289 = arith.constant 2 : i32
      %eq3A_1290 = arith.cmpi eq, %rem3A_1252, %eq3A_1289 : i32
      %convert_element_type3A_1291 = arith.extui %eq3A_1290 : i1 to i32
      %cond3A_1292 = arith.constant 0 : i32
      %cond3A_1293 = arith.cmpi ne, %convert_element_type3A_1291, %cond3A_1292 : i32
      scf.if %cond3A_1293 {
        %dma_wait3A = arith.constant 16640 : i32
        %dma_wait3A_1310 = tpu.memref_slice %arg9[%dma_wait3A] : memref<24960xi32, #tpu.memory_space<vmem>> -> memref<8320xi32, #tpu.memory_space<vmem>>
        %dma_wait3A_1311 = tpu.memref_slice %arg4[%multiple_of3A_1260] : memref<4259840xi32, #tpu.memory_space<hbm>> -> memref<8320xi32, #tpu.memory_space<hbm>>
        %dma_wait3A_1312 = arith.constant 16640 : i32
        %dma_wait3A_1313 = tpu.memref_slice %arg9[%dma_wait3A_1312] : memref<24960xi32, #tpu.memory_space<vmem>> -> memref<8320xi32, #tpu.memory_space<vmem>>
        %dma_wait3A_1314 = tpu.memref_slice %arg4[%multiple_of3A_1260] : memref<4259840xi32, #tpu.memory_space<hbm>> -> memref<8320xi32, #tpu.memory_space<hbm>>
        tpu.wait_dma2 semaphore(%arg17 : memref<!tpu.dma_semaphore, #tpu.memory_space<semaphore_mem>>) src(%dma_wait3A_1314 : memref<8320xi32, #tpu.memory_space<hbm>>) dst(%dma_wait3A_1313 : memref<8320xi32, #tpu.memory_space<vmem>>)
        %dma_wait3A_1315 = arith.constant 16640 : i32
        %dma_wait3A_1316 = tpu.memref_slice %arg10[%dma_wait3A_1315] : memref<24960xf32, #tpu.memory_space<vmem>> -> memref<8320xf32, #tpu.memory_space<vmem>>
        %dma_wait3A_1317 = tpu.memref_slice %arg5[%multiple_of3A_1260] : memref<4259840xf32, #tpu.memory_space<hbm>> -> memref<8320xf32, #tpu.memory_space<hbm>>
        %dma_wait3A_1318 = arith.constant 16640 : i32
        %dma_wait3A_1319 = tpu.memref_slice %arg10[%dma_wait3A_1318] : memref<24960xf32, #tpu.memory_space<vmem>> -> memref<8320xf32, #tpu.memory_space<vmem>>
        %dma_wait3A_1320 = tpu.memref_slice %arg5[%multiple_of3A_1260] : memref<4259840xf32, #tpu.memory_space<hbm>> -> memref<8320xf32, #tpu.memory_space<hbm>>
        tpu.wait_dma2 semaphore(%arg17 : memref<!tpu.dma_semaphore, #tpu.memory_space<semaphore_mem>>) src(%dma_wait3A_1320 : memref<8320xf32, #tpu.memory_space<hbm>>) dst(%dma_wait3A_1319 : memref<8320xf32, #tpu.memory_space<vmem>>)
      } else {
      }
      %lt3A_1294 = arith.constant 14 : i32
      %lt3A_1295 = arith.cmpi slt, %scan3A_1249, %lt3A_1294 : i32
      %eq3A_1296 = arith.constant 2 : i32
      %eq3A_1297 = arith.cmpi eq, %rem3A_1256, %eq3A_1296 : i32
      %and3A_1298 = arith.andi %lt3A_1295, %eq3A_1297 : i1
      %convert_element_type3A_1299 = arith.extui %and3A_1298 : i1 to i32
      %cond3A_1300 = arith.constant 0 : i32
      %cond3A_1301 = arith.cmpi ne, %convert_element_type3A_1299, %cond3A_1300 : i32
      scf.if %cond3A_1301 {
        %dma_start3A_1310 = arith.constant 16640 : i32
        %dma_start3A_1311 = tpu.memref_slice %arg9[%dma_start3A_1310] : memref<24960xi32, #tpu.memory_space<vmem>> -> memref<8320xi32, #tpu.memory_space<vmem>>
        %dma_start3A_1312 = tpu.memref_slice %arg4[%multiple_of3A_1266] : memref<4259840xi32, #tpu.memory_space<hbm>> -> memref<8320xi32, #tpu.memory_space<hbm>>
        %dma_start3A_1313 = arith.constant 16640 : i32
        %dma_start3A_1314 = tpu.memref_slice %arg9[%dma_start3A_1313] : memref<24960xi32, #tpu.memory_space<vmem>> -> memref<8320xi32, #tpu.memory_space<vmem>>
        %dma_start3A_1315 = tpu.memref_slice %arg4[%multiple_of3A_1266] : memref<4259840xi32, #tpu.memory_space<hbm>> -> memref<8320xi32, #tpu.memory_space<hbm>>
        tpu.enqueue_dma source(%dma_start3A_1315 : memref<8320xi32, #tpu.memory_space<hbm>>) target(%dma_start3A_1314 : memref<8320xi32, #tpu.memory_space<vmem>>) target_semaphore(%arg17 : memref<!tpu.dma_semaphore, #tpu.memory_space<semaphore_mem>>)
        %dma_start3A_1316 = arith.constant 16640 : i32
        %dma_start3A_1317 = tpu.memref_slice %arg10[%dma_start3A_1316] : memref<24960xf32, #tpu.memory_space<vmem>> -> memref<8320xf32, #tpu.memory_space<vmem>>
        %dma_start3A_1318 = tpu.memref_slice %arg5[%multiple_of3A_1266] : memref<4259840xf32, #tpu.memory_space<hbm>> -> memref<8320xf32, #tpu.memory_space<hbm>>
        %dma_start3A_1319 = arith.constant 16640 : i32
        %dma_start3A_1320 = tpu.memref_slice %arg10[%dma_start3A_1319] : memref<24960xf32, #tpu.memory_space<vmem>> -> memref<8320xf32, #tpu.memory_space<vmem>>
        %dma_start3A_1321 = tpu.memref_slice %arg5[%multiple_of3A_1266] : memref<4259840xf32, #tpu.memory_space<hbm>> -> memref<8320xf32, #tpu.memory_space<hbm>>
        tpu.enqueue_dma source(%dma_start3A_1321 : memref<8320xf32, #tpu.memory_space<hbm>>) target(%dma_start3A_1320 : memref<8320xf32, #tpu.memory_space<vmem>>) target_semaphore(%arg17 : memref<!tpu.dma_semaphore, #tpu.memory_space<semaphore_mem>>)
      } else {
      }
      %mul3A_1302 = arith.constant 8320 : i32
      %mul3A_1303 = arith.muli %rem3A_1252, %mul3A_1302 : i32
      %scan3A_1304 = arith.constant 0 : i32
      %scan3A_1305 = arith.constant 8 : i32
      %scan3A_1306 = arith.addi %scan3A_1304, %scan3A_1305 : i32
      %scan3A_1307 = arith.constant 1 : i32
      %scan3A_1308:2 = scf.for %scan3A_1310 = %scan3A_1304 to %scan3A_1306 step %scan3A_1307 iter_args(%scan3A_1311 = %scan3A_1250, %scan3A_1312 = %scan3A_1251) -> (vector<16xf32>, vector<16xi32>)  : i32 {
        %mul3A_1313 = arith.constant 1040 : i32
        %mul3A_1314 = arith.muli %scan3A_1310, %mul3A_1313 : i32
        %add3A_1315 = arith.addi %mul3A_1303, %mul3A_1314 : i32
        %add3A_1316 = vector.broadcast %add3A_1315 : i32 to vector<16xi32>
        %add3A_1317 = arith.addi %mul3A_3, %add3A_1316 : vector<16xi32>
        %broadcast_in_dim3A_1318 = arith.constant 0.000000e+00 : f32
        %broadcast_in_dim3A_1319 = vector.broadcast %broadcast_in_dim3A_1318 : f32 to vector<16xf32>
        %broadcast_in_dim3A_1320 = arith.constant 0.000000e+00 : f32
        %broadcast_in_dim3A_1321 = vector.broadcast %broadcast_in_dim3A_1320 : f32 to vector<16xf32>
        %broadcast_in_dim3A_1322 = arith.constant 0.000000e+00 : f32
        %broadcast_in_dim3A_1323 = vector.broadcast %broadcast_in_dim3A_1322 : f32 to vector<16xf32>
        %broadcast_in_dim3A_1324 = arith.constant 0.000000e+00 : f32
        %broadcast_in_dim3A_1325 = vector.broadcast %broadcast_in_dim3A_1324 : f32 to vector<16xf32>
        %broadcast_in_dim3A_1326 = arith.constant 0.000000e+00 : f32
        %broadcast_in_dim3A_1327 = vector.broadcast %broadcast_in_dim3A_1326 : f32 to vector<16xf32>
        %scan3A_1328 = arith.constant 0 : i32
        %scan3A_1329 = arith.constant 13 : i32
        %scan3A_1330 = arith.addi %scan3A_1328, %scan3A_1329 : i32
        %scan3A_1331 = arith.constant 1 : i32
        %scan3A_1332:5 = scf.for %scan3A_1364 = %scan3A_1328 to %scan3A_1330 step %scan3A_1331 iter_args(%scan3A_1365 = %broadcast_in_dim3A_1319, %scan3A_1366 = %broadcast_in_dim3A_1321, %scan3A_1367 = %broadcast_in_dim3A_1323, %scan3A_1368 = %broadcast_in_dim3A_1325, %scan3A_1369 = %broadcast_in_dim3A_1327) -> (vector<16xf32>, vector<16xf32>, vector<16xf32>, vector<16xf32>, vector<16xf32>)  : i32 {
          %mul3A_1370 = arith.constant 5 : i32
          %mul3A_1371 = arith.muli %scan3A_1364, %mul3A_1370 : i32
          %add3A_1372 = vector.broadcast %mul3A_1371 : i32 to vector<16xi32>
          %add3A_1373 = arith.addi %add3A_1317, %add3A_1372 : vector<16xi32>
          %add3A_1374 = arith.constant 0 : i32
          %add3A_1375 = vector.broadcast %add3A_1374 : i32 to vector<16xi32>
          %add3A_1376 = arith.addi %add3A_1373, %add3A_1375 : vector<16xi32>
          %add3A_1377 = arith.constant 1 : i32
          %add3A_1378 = vector.broadcast %add3A_1377 : i32 to vector<16xi32>
          %add3A_1379 = arith.addi %add3A_1373, %add3A_1378 : vector<16xi32>
          %add3A_1380 = arith.constant 2 : i32
          %add3A_1381 = vector.broadcast %add3A_1380 : i32 to vector<16xi32>
          %add3A_1382 = arith.addi %add3A_1373, %add3A_1381 : vector<16xi32>
          %add3A_1383 = arith.constant 3 : i32
          %add3A_1384 = vector.broadcast %add3A_1383 : i32 to vector<16xi32>
          %add3A_1385 = arith.addi %add3A_1373, %add3A_1384 : vector<16xi32>
          %add3A_1386 = arith.constant 4 : i32
          %add3A_1387 = vector.broadcast %add3A_1386 : i32 to vector<16xi32>
          %add3A_1388 = arith.addi %add3A_1373, %add3A_1387 : vector<16xi32>
          %gather3A_1389 = tpu.vector_load_idx %arg9[%add3A_1376] : memref<24960xi32, #tpu.memory_space<vmem>>[vector<16xi32>], vector<16xi32>,
          %gather3A_1390 = tpu.vector_load_idx %arg9[%add3A_1379] : memref<24960xi32, #tpu.memory_space<vmem>>[vector<16xi32>], vector<16xi32>,
          %gather3A_1391 = tpu.vector_load_idx %arg9[%add3A_1382] : memref<24960xi32, #tpu.memory_space<vmem>>[vector<16xi32>], vector<16xi32>,
          %gather3A_1392 = tpu.vector_load_idx %arg9[%add3A_1385] : memref<24960xi32, #tpu.memory_space<vmem>>[vector<16xi32>], vector<16xi32>,
          %gather3A_1393 = tpu.vector_load_idx %arg9[%add3A_1388] : memref<24960xi32, #tpu.memory_space<vmem>>[vector<16xi32>], vector<16xi32>,
          %gather3A_1394 = tpu.vector_load_idx %arg10[%add3A_1376] : memref<24960xf32, #tpu.memory_space<vmem>>[vector<16xi32>], vector<16xf32>,
          %gather3A_1395 = tpu.vector_load_idx %arg10[%add3A_1379] : memref<24960xf32, #tpu.memory_space<vmem>>[vector<16xi32>], vector<16xf32>,
          %gather3A_1396 = tpu.vector_load_idx %arg10[%add3A_1382] : memref<24960xf32, #tpu.memory_space<vmem>>[vector<16xi32>], vector<16xf32>,
          %gather3A_1397 = tpu.vector_load_idx %arg10[%add3A_1385] : memref<24960xf32, #tpu.memory_space<vmem>>[vector<16xi32>], vector<16xf32>,
          %gather3A_1398 = tpu.vector_load_idx %arg10[%add3A_1388] : memref<24960xf32, #tpu.memory_space<vmem>>[vector<16xi32>], vector<16xf32>,
          %gather3A_1399 = tpu.vector_load_idx %arg8[%gather3A_1389] : memref<65664xf32, #tpu.memory_space<vmem>>[vector<16xi32>], vector<16xf32>,
          %gather3A_1400 = tpu.vector_load_idx %arg8[%gather3A_1390] : memref<65664xf32, #tpu.memory_space<vmem>>[vector<16xi32>], vector<16xf32>,
          %gather3A_1401 = tpu.vector_load_idx %arg8[%gather3A_1391] : memref<65664xf32, #tpu.memory_space<vmem>>[vector<16xi32>], vector<16xf32>,
          %gather3A_1402 = tpu.vector_load_idx %arg8[%gather3A_1392] : memref<65664xf32, #tpu.memory_space<vmem>>[vector<16xi32>], vector<16xf32>,
          %gather3A_1403 = tpu.vector_load_idx %arg8[%gather3A_1393] : memref<65664xf32, #tpu.memory_space<vmem>>[vector<16xi32>], vector<16xf32>,
          %mul3A_1404 = arith.mulf %gather3A_1394, %gather3A_1399 : vector<16xf32>
          %add3A_1405 = arith.addf %scan3A_1365, %mul3A_1404 : vector<16xf32>
          %mul3A_1406 = arith.mulf %gather3A_1395, %gather3A_1400 : vector<16xf32>
          %add3A_1407 = arith.addf %scan3A_1366, %mul3A_1406 : vector<16xf32>
          %mul3A_1408 = arith.mulf %gather3A_1396, %gather3A_1401 : vector<16xf32>
          %add3A_1409 = arith.addf %scan3A_1367, %mul3A_1408 : vector<16xf32>
          %mul3A_1410 = arith.mulf %gather3A_1397, %gather3A_1402 : vector<16xf32>
          %add3A_1411 = arith.addf %scan3A_1368, %mul3A_1410 : vector<16xf32>
          %mul3A_1412 = arith.mulf %gather3A_1398, %gather3A_1403 : vector<16xf32>
          %add3A_1413 = arith.addf %scan3A_1369, %mul3A_1412 : vector<16xf32>
          scf.yield %add3A_1405, %add3A_1407, %add3A_1409, %add3A_1411, %add3A_1413 : vector<16xf32>, vector<16xf32>, vector<16xf32>, vector<16xf32>, vector<16xf32>
        }
        %scan3A_1333 = arith.constant 13 : i32
        %add3A_1334 = arith.addf %scan3A_1332#0, %scan3A_1332#1 : vector<16xf32>
        %add3A_1335 = arith.addf %scan3A_1332#2, %scan3A_1332#3 : vector<16xf32>
        %add3A_1336 = arith.addf %add3A_1334, %add3A_1335 : vector<16xf32>
        %add3A_1337 = arith.addf %add3A_1336, %scan3A_1332#4 : vector<16xf32>
        %mul3A_1338 = arith.constant 128 : i32
        %mul3A_1339 = arith.muli %scan3A_1249, %mul3A_1338 : i32
        %add3A_1340 = arith.addi %mul3A_7, %mul3A_1339 : i32
        %mul3A_1341 = arith.constant 16 : i32
        %mul3A_1342 = arith.muli %scan3A_1310, %mul3A_1341 : i32
        %add3A_1343 = arith.addi %add3A_1340, %mul3A_1342 : i32
        %add3A_1344 = vector.broadcast %add3A_1343 : i32 to vector<16xi32>
        %add3A_1345 = arith.addi %add3A_1344, %iota3A : vector<16xi32>
        %masked_sort3A = arith.constant dense<true> : vector<16xi1>
        %masked_sort3A_1346, %masked_sort3A_1347, %masked_sort3A_1348 = tpu.sort %add3A_1337, %add3A_1345 masked %masked_sort3A {descending = true} : (vector<16xf32>, vector<16xi32>, vector<16xi1>) -> (vector<16xi1>, vector<16xf32>, vector<16xi32>)
        %rev3A = arith.constant 15 : i32
        %rev3A_1349 = vector.broadcast %rev3A : i32 to vector<16xi32>
        %rev3A_1350 = tpu.iota {dimensions = array<i32: 0>} : vector<16xi32>
        %rev3A_1351 = arith.subi %rev3A_1349, %rev3A_1350 : vector<16xi32>
        %rev3A_1352 = tpu.dynamic_gather %masked_sort3A_1347[%rev3A_1351] in [0] : vector<16xf32>, vector<16xi32> -> vector<16xf32>
        %rev3A_1353 = arith.constant 15 : i32
        %rev3A_1354 = vector.broadcast %rev3A_1353 : i32 to vector<16xi32>
        %rev3A_1355 = tpu.iota {dimensions = array<i32: 0>} : vector<16xi32>
        %rev3A_1356 = arith.subi %rev3A_1354, %rev3A_1355 : vector<16xi32>
        %rev3A_1357 = tpu.dynamic_gather %masked_sort3A_1348[%rev3A_1356] in [0] : vector<16xi32>, vector<16xi32> -> vector<16xi32>
        %ge3A = arith.cmpf oge, %scan3A_1311, %rev3A_1352 : vector<16xf32>
        %select_n3A_1358 = arith.select %ge3A, %scan3A_1311, %rev3A_1352 : vector<16xi1>, vector<16xf32>
        %select_n3A_1359 = arith.select %ge3A, %scan3A_1312, %rev3A_1357 : vector<16xi1>, vector<16xi32>
        %masked_sort3A_1360 = arith.constant dense<true> : vector<16xi1>
        %masked_sort3A_1361, %masked_sort3A_1362, %masked_sort3A_1363 = tpu.sort %select_n3A_1358, %select_n3A_1359 masked %masked_sort3A_1360 {descending = true} : (vector<16xf32>, vector<16xi32>, vector<16xi1>) -> (vector<16xi1>, vector<16xf32>, vector<16xi32>)
        scf.yield %masked_sort3A_1362, %masked_sort3A_1363 : vector<16xf32>, vector<16xi32>
      }
      %scan3A_1309 = arith.constant 8 : i32
      scf.yield %scan3A_1308#0, %scan3A_1308#1 : vector<16xf32>, vector<16xi32>
    }
    %scan3A_1241 = arith.constant 16 : i32
    %swap3A = arith.constant 0 : index
    %swap3A_1242 = tpu.vector_load %arg13[%swap3A] {strides = array<i32>} : memref<16xf32, #tpu.memory_space<vmem>>, vector<16xf32>,
    tpu.vector_store %arg13[%swap3A], %scan3A_1240#0 {strides = array<i32>} : memref<16xf32, #tpu.memory_space<vmem>>, vector<16xf32>,
    %swap3A_1243 = arith.constant 0 : index
    %swap3A_1244 = tpu.vector_load %arg14[%swap3A_1243] {strides = array<i32>} : memref<16xi32, #tpu.memory_space<vmem>>, vector<16xi32>,
    tpu.vector_store %arg14[%swap3A_1243], %scan3A_1240#1 {strides = array<i32>} : memref<16xi32, #tpu.memory_space<vmem>>, vector<16xi32>,
    %mul3A_1245 = arith.constant 16 : i32
    %mul3A_1246 = arith.muli %add3A, %mul3A_1245 : i32
    "tpu.region"() ({
      %run_scoped3A_1249 = tpu.sem_alloc : memref<!tpu.dma_semaphore, #tpu.memory_space<semaphore_mem>>
      %dma_start3A_1250 = tpu.memref_slice %arg6[%mul3A_1246] : memref<512xf32, #tpu.memory_space<hbm>> -> memref<16xf32, #tpu.memory_space<hbm>>
      %dma_start3A_1251 = tpu.memref_slice %arg6[%mul3A_1246] : memref<512xf32, #tpu.memory_space<hbm>> -> memref<16xf32, #tpu.memory_space<hbm>>
      tpu.enqueue_dma source(%arg13 : memref<16xf32, #tpu.memory_space<vmem>>) target(%dma_start3A_1251 : memref<16xf32, #tpu.memory_space<hbm>>) target_semaphore(%run_scoped3A_1249 : memref<!tpu.dma_semaphore, #tpu.memory_space<semaphore_mem>>)
      %dma_wait3A = tpu.memref_slice %arg6[%mul3A_1246] : memref<512xf32, #tpu.memory_space<hbm>> -> memref<16xf32, #tpu.memory_space<hbm>>
      %dma_wait3A_1252 = tpu.memref_slice %arg6[%mul3A_1246] : memref<512xf32, #tpu.memory_space<hbm>> -> memref<16xf32, #tpu.memory_space<hbm>>
      tpu.wait_dma2 semaphore(%run_scoped3A_1249 : memref<!tpu.dma_semaphore, #tpu.memory_space<semaphore_mem>>) src(%arg13 : memref<16xf32, #tpu.memory_space<vmem>>) dst(%dma_wait3A_1252 : memref<16xf32, #tpu.memory_space<hbm>>)
      tpu.yield
    }) : () -> ()
    %mul3A_1247 = arith.constant 16 : i32
    %mul3A_1248 = arith.muli %add3A, %mul3A_1247 : i32
    "tpu.region"() ({
      %run_scoped3A_1249 = tpu.sem_alloc : memref<!tpu.dma_semaphore, #tpu.memory_space<semaphore_mem>>
      %dma_start3A_1250 = tpu.memref_slice %arg7[%mul3A_1248] : memref<512xi32, #tpu.memory_space<hbm>> -> memref<16xi32, #tpu.memory_space<hbm>>
      %dma_start3A_1251 = tpu.memref_slice %arg7[%mul3A_1248] : memref<512xi32, #tpu.memory_space<hbm>> -> memref<16xi32, #tpu.memory_space<hbm>>
      tpu.enqueue_dma source(%arg14 : memref<16xi32, #tpu.memory_space<vmem>>) target(%dma_start3A_1251 : memref<16xi32, #tpu.memory_space<hbm>>) target_semaphore(%run_scoped3A_1249 : memref<!tpu.dma_semaphore, #tpu.memory_space<semaphore_mem>>)
      %dma_wait3A = tpu.memref_slice %arg7[%mul3A_1248] : memref<512xi32, #tpu.memory_space<hbm>> -> memref<16xi32, #tpu.memory_space<hbm>>
      %dma_wait3A_1252 = tpu.memref_slice %arg7[%mul3A_1248] : memref<512xi32, #tpu.memory_space<hbm>> -> memref<16xi32, #tpu.memory_space<hbm>>
      tpu.wait_dma2 semaphore(%run_scoped3A_1249 : memref<!tpu.dma_semaphore, #tpu.memory_space<semaphore_mem>>) src(%arg14 : memref<16xi32, #tpu.memory_space<vmem>>) dst(%dma_wait3A_1252 : memref<16xi32, #tpu.memory_space<hbm>>)
      tpu.yield
    }) : () -> ()
    return
  }
}

module attributes {stable_mosaic.version = 14 : i64} {
  func.func @_tc_merge_body(%arg0: memref<512xf32, #tpu.memory_space<vmem>>, %arg1: memref<512xi32, #tpu.memory_space<vmem>>, %arg2: memref<10xf32, #tpu.memory_space<vmem>>, %arg3: memref<10xi32, #tpu.memory_space<vmem>>) attributes {dimension_semantics = [], scalar_prefetch = 0 : i64, scratch_operands = 0 : i64, tpu.core_type = #tpu.core_type<tc>} {
    %get3A = arith.constant 0 : index
    %get3A_0 = vector.load %arg0[%get3A] : memref<512xf32, #tpu.memory_space<vmem>>, vector<512xf32>
    %reshape3A = vector.shape_cast %get3A_0 : vector<512xf32> to vector<1x512xf32>
    %get3A_1 = arith.constant 0 : index
    %get3A_2 = vector.load %arg1[%get3A_1] : memref<512xi32, #tpu.memory_space<vmem>>, vector<512xi32>
    %reshape3A_3 = vector.shape_cast %get3A_2 : vector<512xi32> to vector<1x512xi32>
    %iota3A = tpu.iota {dimensions = array<i32: 1>} : vector<1x512xi32>
    %mul3A = arith.constant 131072 : i32
    %mul3A_4 = vector.broadcast %mul3A : i32 to vector<1x512xi32>
    %mul3A_5 = arith.muli %iota3A, %mul3A_4 : vector<1x512xi32>
    %add3A = arith.addi %mul3A_5, %reshape3A_3 : vector<1x512xi32>
    %iota3A_6 = tpu.iota {dimensions = array<i32: 1>} : vector<1x128xi32>
    %broadcast_in_dim3A = arith.constant 0.000000e+00 : f32
    %broadcast_in_dim3A_7 = vector.broadcast %broadcast_in_dim3A : f32 to vector<1x128xf32>
    %broadcast_in_dim3A_8 = arith.constant 0 : i32
    %broadcast_in_dim3A_9 = vector.broadcast %broadcast_in_dim3A_8 : i32 to vector<1x128xi32>
    %reduce_max3A = vector.shape_cast %reshape3A : vector<1x512xf32> to vector<1x1x512xf32>
    %reduce_max3A_10 = arith.constant dense<0xFF800000> : vector<1xf32>
    %reduce_max3A_11 = vector.multi_reduction <maximumf>, %reduce_max3A, %reduce_max3A_10 [1, 2] : vector<1x1x512xf32> to vector<1xf32>
    %reduce_max3A_12 = vector.shape_cast %reduce_max3A_11 : vector<1xf32> to vector<1x1x1xf32>
    %reduce_max3A_13 = vector.extract %reduce_max3A_12[0, 0, 0] : f32 from vector<1x1x1xf32>
    %eq3A = vector.broadcast %reduce_max3A_13 : f32 to vector<1x512xf32>
    %eq3A_14 = arith.cmpf oeq, %reshape3A, %eq3A : vector<1x512xf32>
    %jit3A = arith.constant 1073741824 : i32
    %broadcast_in_dim3A_15 = vector.broadcast %jit3A : i32 to vector<1x512xi32>
    %select_n3A = arith.select %eq3A_14, %add3A, %broadcast_in_dim3A_15 : vector<1x512xi1>, vector<1x512xi32>
    %reduce_min3A = vector.shape_cast %select_n3A : vector<1x512xi32> to vector<1x1x512xi32>
    %reduce_min3A_16 = arith.constant dense<2147483647> : vector<1xi32>
    %reduce_min3A_17 = vector.multi_reduction <minsi>, %reduce_min3A, %reduce_min3A_16 [1, 2] : vector<1x1x512xi32> to vector<1xi32>
    %reduce_min3A_18 = vector.shape_cast %reduce_min3A_17 : vector<1xi32> to vector<1x1x1xi32>
    %reduce_min3A_19 = vector.extract %reduce_min3A_18[0, 0, 0] : i32 from vector<1x1x1xi32>
    %and3A = arith.constant 131071 : i32
    %and3A_20 = arith.andi %reduce_min3A_19, %and3A : i32
    %eq3A_21 = vector.broadcast %reduce_min3A_19 : i32 to vector<1x512xi32>
    %eq3A_22 = arith.cmpi eq, %add3A, %eq3A_21 : vector<1x512xi32>
    %eq3A_23 = arith.constant 0 : i32
    %eq3A_24 = vector.broadcast %eq3A_23 : i32 to vector<1x128xi32>
    %eq3A_25 = arith.cmpi eq, %iota3A_6, %eq3A_24 : vector<1x128xi32>
    %broadcast_in_dim3A_26 = vector.broadcast %reduce_max3A_13 : f32 to vector<1x128xf32>
    %select_n3A_27 = arith.select %eq3A_25, %broadcast_in_dim3A_26, %broadcast_in_dim3A_7 : vector<1x128xi1>, vector<1x128xf32>
    %eq3A_28 = arith.constant 0 : i32
    %eq3A_29 = vector.broadcast %eq3A_28 : i32 to vector<1x128xi32>
    %eq3A_30 = arith.cmpi eq, %iota3A_6, %eq3A_29 : vector<1x128xi32>
    %broadcast_in_dim3A_31 = vector.broadcast %and3A_20 : i32 to vector<1x128xi32>
    %select_n3A_32 = arith.select %eq3A_30, %broadcast_in_dim3A_31, %broadcast_in_dim3A_9 : vector<1x128xi1>, vector<1x128xi32>
    %jit3A_33 = arith.constant 0xFF800000 : f32
    %broadcast_in_dim3A_34 = vector.broadcast %jit3A_33 : f32 to vector<1x512xf32>
    %select_n3A_35 = arith.select %eq3A_22, %broadcast_in_dim3A_34, %reshape3A : vector<1x512xi1>, vector<1x512xf32>
    %reduce_max3A_36 = vector.shape_cast %select_n3A_35 : vector<1x512xf32> to vector<1x1x512xf32>
    %reduce_max3A_37 = arith.constant dense<0xFF800000> : vector<1xf32>
    %reduce_max3A_38 = vector.multi_reduction <maximumf>, %reduce_max3A_36, %reduce_max3A_37 [1, 2] : vector<1x1x512xf32> to vector<1xf32>
    %reduce_max3A_39 = vector.shape_cast %reduce_max3A_38 : vector<1xf32> to vector<1x1x1xf32>
    %reduce_max3A_40 = vector.extract %reduce_max3A_39[0, 0, 0] : f32 from vector<1x1x1xf32>
    %eq3A_41 = vector.broadcast %reduce_max3A_40 : f32 to vector<1x512xf32>
    %eq3A_42 = arith.cmpf oeq, %select_n3A_35, %eq3A_41 : vector<1x512xf32>
    %jit3A_43 = arith.constant 1073741824 : i32
    %broadcast_in_dim3A_44 = vector.broadcast %jit3A_43 : i32 to vector<1x512xi32>
    %select_n3A_45 = arith.select %eq3A_42, %add3A, %broadcast_in_dim3A_44 : vector<1x512xi1>, vector<1x512xi32>
    %reduce_min3A_46 = vector.shape_cast %select_n3A_45 : vector<1x512xi32> to vector<1x1x512xi32>
    %reduce_min3A_47 = arith.constant dense<2147483647> : vector<1xi32>
    %reduce_min3A_48 = vector.multi_reduction <minsi>, %reduce_min3A_46, %reduce_min3A_47 [1, 2] : vector<1x1x512xi32> to vector<1xi32>
    %reduce_min3A_49 = vector.shape_cast %reduce_min3A_48 : vector<1xi32> to vector<1x1x1xi32>
    %reduce_min3A_50 = vector.extract %reduce_min3A_49[0, 0, 0] : i32 from vector<1x1x1xi32>
    %and3A_51 = arith.constant 131071 : i32
    %and3A_52 = arith.andi %reduce_min3A_50, %and3A_51 : i32
    %eq3A_53 = vector.broadcast %reduce_min3A_50 : i32 to vector<1x512xi32>
    %eq3A_54 = arith.cmpi eq, %add3A, %eq3A_53 : vector<1x512xi32>
    %eq3A_55 = arith.constant 1 : i32
    %eq3A_56 = vector.broadcast %eq3A_55 : i32 to vector<1x128xi32>
    %eq3A_57 = arith.cmpi eq, %iota3A_6, %eq3A_56 : vector<1x128xi32>
    %broadcast_in_dim3A_58 = vector.broadcast %reduce_max3A_40 : f32 to vector<1x128xf32>
    %select_n3A_59 = arith.select %eq3A_57, %broadcast_in_dim3A_58, %select_n3A_27 : vector<1x128xi1>, vector<1x128xf32>
    %eq3A_60 = arith.constant 1 : i32
    %eq3A_61 = vector.broadcast %eq3A_60 : i32 to vector<1x128xi32>
    %eq3A_62 = arith.cmpi eq, %iota3A_6, %eq3A_61 : vector<1x128xi32>
    %broadcast_in_dim3A_63 = vector.broadcast %and3A_52 : i32 to vector<1x128xi32>
    %select_n3A_64 = arith.select %eq3A_62, %broadcast_in_dim3A_63, %select_n3A_32 : vector<1x128xi1>, vector<1x128xi32>
    %jit3A_65 = arith.constant 0xFF800000 : f32
    %broadcast_in_dim3A_66 = vector.broadcast %jit3A_65 : f32 to vector<1x512xf32>
    %select_n3A_67 = arith.select %eq3A_54, %broadcast_in_dim3A_66, %select_n3A_35 : vector<1x512xi1>, vector<1x512xf32>
    %reduce_max3A_68 = vector.shape_cast %select_n3A_67 : vector<1x512xf32> to vector<1x1x512xf32>
    %reduce_max3A_69 = arith.constant dense<0xFF800000> : vector<1xf32>
    %reduce_max3A_70 = vector.multi_reduction <maximumf>, %reduce_max3A_68, %reduce_max3A_69 [1, 2] : vector<1x1x512xf32> to vector<1xf32>
    %reduce_max3A_71 = vector.shape_cast %reduce_max3A_70 : vector<1xf32> to vector<1x1x1xf32>
    %reduce_max3A_72 = vector.extract %reduce_max3A_71[0, 0, 0] : f32 from vector<1x1x1xf32>
    %eq3A_73 = vector.broadcast %reduce_max3A_72 : f32 to vector<1x512xf32>
    %eq3A_74 = arith.cmpf oeq, %select_n3A_67, %eq3A_73 : vector<1x512xf32>
    %jit3A_75 = arith.constant 1073741824 : i32
    %broadcast_in_dim3A_76 = vector.broadcast %jit3A_75 : i32 to vector<1x512xi32>
    %select_n3A_77 = arith.select %eq3A_74, %add3A, %broadcast_in_dim3A_76 : vector<1x512xi1>, vector<1x512xi32>
    %reduce_min3A_78 = vector.shape_cast %select_n3A_77 : vector<1x512xi32> to vector<1x1x512xi32>
    %reduce_min3A_79 = arith.constant dense<2147483647> : vector<1xi32>
    %reduce_min3A_80 = vector.multi_reduction <minsi>, %reduce_min3A_78, %reduce_min3A_79 [1, 2] : vector<1x1x512xi32> to vector<1xi32>
    %reduce_min3A_81 = vector.shape_cast %reduce_min3A_80 : vector<1xi32> to vector<1x1x1xi32>
    %reduce_min3A_82 = vector.extract %reduce_min3A_81[0, 0, 0] : i32 from vector<1x1x1xi32>
    %and3A_83 = arith.constant 131071 : i32
    %and3A_84 = arith.andi %reduce_min3A_82, %and3A_83 : i32
    %eq3A_85 = vector.broadcast %reduce_min3A_82 : i32 to vector<1x512xi32>
    %eq3A_86 = arith.cmpi eq, %add3A, %eq3A_85 : vector<1x512xi32>
    %eq3A_87 = arith.constant 2 : i32
    %eq3A_88 = vector.broadcast %eq3A_87 : i32 to vector<1x128xi32>
    %eq3A_89 = arith.cmpi eq, %iota3A_6, %eq3A_88 : vector<1x128xi32>
    %broadcast_in_dim3A_90 = vector.broadcast %reduce_max3A_72 : f32 to vector<1x128xf32>
    %select_n3A_91 = arith.select %eq3A_89, %broadcast_in_dim3A_90, %select_n3A_59 : vector<1x128xi1>, vector<1x128xf32>
    %eq3A_92 = arith.constant 2 : i32
    %eq3A_93 = vector.broadcast %eq3A_92 : i32 to vector<1x128xi32>
    %eq3A_94 = arith.cmpi eq, %iota3A_6, %eq3A_93 : vector<1x128xi32>
    %broadcast_in_dim3A_95 = vector.broadcast %and3A_84 : i32 to vector<1x128xi32>
    %select_n3A_96 = arith.select %eq3A_94, %broadcast_in_dim3A_95, %select_n3A_64 : vector<1x128xi1>, vector<1x128xi32>
    %jit3A_97 = arith.constant 0xFF800000 : f32
    %broadcast_in_dim3A_98 = vector.broadcast %jit3A_97 : f32 to vector<1x512xf32>
    %select_n3A_99 = arith.select %eq3A_86, %broadcast_in_dim3A_98, %select_n3A_67 : vector<1x512xi1>, vector<1x512xf32>
    %reduce_max3A_100 = vector.shape_cast %select_n3A_99 : vector<1x512xf32> to vector<1x1x512xf32>
    %reduce_max3A_101 = arith.constant dense<0xFF800000> : vector<1xf32>
    %reduce_max3A_102 = vector.multi_reduction <maximumf>, %reduce_max3A_100, %reduce_max3A_101 [1, 2] : vector<1x1x512xf32> to vector<1xf32>
    %reduce_max3A_103 = vector.shape_cast %reduce_max3A_102 : vector<1xf32> to vector<1x1x1xf32>
    %reduce_max3A_104 = vector.extract %reduce_max3A_103[0, 0, 0] : f32 from vector<1x1x1xf32>
    %eq3A_105 = vector.broadcast %reduce_max3A_104 : f32 to vector<1x512xf32>
    %eq3A_106 = arith.cmpf oeq, %select_n3A_99, %eq3A_105 : vector<1x512xf32>
    %jit3A_107 = arith.constant 1073741824 : i32
    %broadcast_in_dim3A_108 = vector.broadcast %jit3A_107 : i32 to vector<1x512xi32>
    %select_n3A_109 = arith.select %eq3A_106, %add3A, %broadcast_in_dim3A_108 : vector<1x512xi1>, vector<1x512xi32>
    %reduce_min3A_110 = vector.shape_cast %select_n3A_109 : vector<1x512xi32> to vector<1x1x512xi32>
    %reduce_min3A_111 = arith.constant dense<2147483647> : vector<1xi32>
    %reduce_min3A_112 = vector.multi_reduction <minsi>, %reduce_min3A_110, %reduce_min3A_111 [1, 2] : vector<1x1x512xi32> to vector<1xi32>
    %reduce_min3A_113 = vector.shape_cast %reduce_min3A_112 : vector<1xi32> to vector<1x1x1xi32>
    %reduce_min3A_114 = vector.extract %reduce_min3A_113[0, 0, 0] : i32 from vector<1x1x1xi32>
    %and3A_115 = arith.constant 131071 : i32
    %and3A_116 = arith.andi %reduce_min3A_114, %and3A_115 : i32
    %eq3A_117 = vector.broadcast %reduce_min3A_114 : i32 to vector<1x512xi32>
    %eq3A_118 = arith.cmpi eq, %add3A, %eq3A_117 : vector<1x512xi32>
    %eq3A_119 = arith.constant 3 : i32
    %eq3A_120 = vector.broadcast %eq3A_119 : i32 to vector<1x128xi32>
    %eq3A_121 = arith.cmpi eq, %iota3A_6, %eq3A_120 : vector<1x128xi32>
    %broadcast_in_dim3A_122 = vector.broadcast %reduce_max3A_104 : f32 to vector<1x128xf32>
    %select_n3A_123 = arith.select %eq3A_121, %broadcast_in_dim3A_122, %select_n3A_91 : vector<1x128xi1>, vector<1x128xf32>
    %eq3A_124 = arith.constant 3 : i32
    %eq3A_125 = vector.broadcast %eq3A_124 : i32 to vector<1x128xi32>
    %eq3A_126 = arith.cmpi eq, %iota3A_6, %eq3A_125 : vector<1x128xi32>
    %broadcast_in_dim3A_127 = vector.broadcast %and3A_116 : i32 to vector<1x128xi32>
    %select_n3A_128 = arith.select %eq3A_126, %broadcast_in_dim3A_127, %select_n3A_96 : vector<1x128xi1>, vector<1x128xi32>
    %jit3A_129 = arith.constant 0xFF800000 : f32
    %broadcast_in_dim3A_130 = vector.broadcast %jit3A_129 : f32 to vector<1x512xf32>
    %select_n3A_131 = arith.select %eq3A_118, %broadcast_in_dim3A_130, %select_n3A_99 : vector<1x512xi1>, vector<1x512xf32>
    %reduce_max3A_132 = vector.shape_cast %select_n3A_131 : vector<1x512xf32> to vector<1x1x512xf32>
    %reduce_max3A_133 = arith.constant dense<0xFF800000> : vector<1xf32>
    %reduce_max3A_134 = vector.multi_reduction <maximumf>, %reduce_max3A_132, %reduce_max3A_133 [1, 2] : vector<1x1x512xf32> to vector<1xf32>
    %reduce_max3A_135 = vector.shape_cast %reduce_max3A_134 : vector<1xf32> to vector<1x1x1xf32>
    %reduce_max3A_136 = vector.extract %reduce_max3A_135[0, 0, 0] : f32 from vector<1x1x1xf32>
    %eq3A_137 = vector.broadcast %reduce_max3A_136 : f32 to vector<1x512xf32>
    %eq3A_138 = arith.cmpf oeq, %select_n3A_131, %eq3A_137 : vector<1x512xf32>
    %jit3A_139 = arith.constant 1073741824 : i32
    %broadcast_in_dim3A_140 = vector.broadcast %jit3A_139 : i32 to vector<1x512xi32>
    %select_n3A_141 = arith.select %eq3A_138, %add3A, %broadcast_in_dim3A_140 : vector<1x512xi1>, vector<1x512xi32>
    %reduce_min3A_142 = vector.shape_cast %select_n3A_141 : vector<1x512xi32> to vector<1x1x512xi32>
    %reduce_min3A_143 = arith.constant dense<2147483647> : vector<1xi32>
    %reduce_min3A_144 = vector.multi_reduction <minsi>, %reduce_min3A_142, %reduce_min3A_143 [1, 2] : vector<1x1x512xi32> to vector<1xi32>
    %reduce_min3A_145 = vector.shape_cast %reduce_min3A_144 : vector<1xi32> to vector<1x1x1xi32>
    %reduce_min3A_146 = vector.extract %reduce_min3A_145[0, 0, 0] : i32 from vector<1x1x1xi32>
    %and3A_147 = arith.constant 131071 : i32
    %and3A_148 = arith.andi %reduce_min3A_146, %and3A_147 : i32
    %eq3A_149 = vector.broadcast %reduce_min3A_146 : i32 to vector<1x512xi32>
    %eq3A_150 = arith.cmpi eq, %add3A, %eq3A_149 : vector<1x512xi32>
    %eq3A_151 = arith.constant 4 : i32
    %eq3A_152 = vector.broadcast %eq3A_151 : i32 to vector<1x128xi32>
    %eq3A_153 = arith.cmpi eq, %iota3A_6, %eq3A_152 : vector<1x128xi32>
    %broadcast_in_dim3A_154 = vector.broadcast %reduce_max3A_136 : f32 to vector<1x128xf32>
    %select_n3A_155 = arith.select %eq3A_153, %broadcast_in_dim3A_154, %select_n3A_123 : vector<1x128xi1>, vector<1x128xf32>
    %eq3A_156 = arith.constant 4 : i32
    %eq3A_157 = vector.broadcast %eq3A_156 : i32 to vector<1x128xi32>
    %eq3A_158 = arith.cmpi eq, %iota3A_6, %eq3A_157 : vector<1x128xi32>
    %broadcast_in_dim3A_159 = vector.broadcast %and3A_148 : i32 to vector<1x128xi32>
    %select_n3A_160 = arith.select %eq3A_158, %broadcast_in_dim3A_159, %select_n3A_128 : vector<1x128xi1>, vector<1x128xi32>
    %jit3A_161 = arith.constant 0xFF800000 : f32
    %broadcast_in_dim3A_162 = vector.broadcast %jit3A_161 : f32 to vector<1x512xf32>
    %select_n3A_163 = arith.select %eq3A_150, %broadcast_in_dim3A_162, %select_n3A_131 : vector<1x512xi1>, vector<1x512xf32>
    %reduce_max3A_164 = vector.shape_cast %select_n3A_163 : vector<1x512xf32> to vector<1x1x512xf32>
    %reduce_max3A_165 = arith.constant dense<0xFF800000> : vector<1xf32>
    %reduce_max3A_166 = vector.multi_reduction <maximumf>, %reduce_max3A_164, %reduce_max3A_165 [1, 2] : vector<1x1x512xf32> to vector<1xf32>
    %reduce_max3A_167 = vector.shape_cast %reduce_max3A_166 : vector<1xf32> to vector<1x1x1xf32>
    %reduce_max3A_168 = vector.extract %reduce_max3A_167[0, 0, 0] : f32 from vector<1x1x1xf32>
    %eq3A_169 = vector.broadcast %reduce_max3A_168 : f32 to vector<1x512xf32>
    %eq3A_170 = arith.cmpf oeq, %select_n3A_163, %eq3A_169 : vector<1x512xf32>
    %jit3A_171 = arith.constant 1073741824 : i32
    %broadcast_in_dim3A_172 = vector.broadcast %jit3A_171 : i32 to vector<1x512xi32>
    %select_n3A_173 = arith.select %eq3A_170, %add3A, %broadcast_in_dim3A_172 : vector<1x512xi1>, vector<1x512xi32>
    %reduce_min3A_174 = vector.shape_cast %select_n3A_173 : vector<1x512xi32> to vector<1x1x512xi32>
    %reduce_min3A_175 = arith.constant dense<2147483647> : vector<1xi32>
    %reduce_min3A_176 = vector.multi_reduction <minsi>, %reduce_min3A_174, %reduce_min3A_175 [1, 2] : vector<1x1x512xi32> to vector<1xi32>
    %reduce_min3A_177 = vector.shape_cast %reduce_min3A_176 : vector<1xi32> to vector<1x1x1xi32>
    %reduce_min3A_178 = vector.extract %reduce_min3A_177[0, 0, 0] : i32 from vector<1x1x1xi32>
    %and3A_179 = arith.constant 131071 : i32
    %and3A_180 = arith.andi %reduce_min3A_178, %and3A_179 : i32
    %eq3A_181 = vector.broadcast %reduce_min3A_178 : i32 to vector<1x512xi32>
    %eq3A_182 = arith.cmpi eq, %add3A, %eq3A_181 : vector<1x512xi32>
    %eq3A_183 = arith.constant 5 : i32
    %eq3A_184 = vector.broadcast %eq3A_183 : i32 to vector<1x128xi32>
    %eq3A_185 = arith.cmpi eq, %iota3A_6, %eq3A_184 : vector<1x128xi32>
    %broadcast_in_dim3A_186 = vector.broadcast %reduce_max3A_168 : f32 to vector<1x128xf32>
    %select_n3A_187 = arith.select %eq3A_185, %broadcast_in_dim3A_186, %select_n3A_155 : vector<1x128xi1>, vector<1x128xf32>
    %eq3A_188 = arith.constant 5 : i32
    %eq3A_189 = vector.broadcast %eq3A_188 : i32 to vector<1x128xi32>
    %eq3A_190 = arith.cmpi eq, %iota3A_6, %eq3A_189 : vector<1x128xi32>
    %broadcast_in_dim3A_191 = vector.broadcast %and3A_180 : i32 to vector<1x128xi32>
    %select_n3A_192 = arith.select %eq3A_190, %broadcast_in_dim3A_191, %select_n3A_160 : vector<1x128xi1>, vector<1x128xi32>
    %jit3A_193 = arith.constant 0xFF800000 : f32
    %broadcast_in_dim3A_194 = vector.broadcast %jit3A_193 : f32 to vector<1x512xf32>
    %select_n3A_195 = arith.select %eq3A_182, %broadcast_in_dim3A_194, %select_n3A_163 : vector<1x512xi1>, vector<1x512xf32>
    %reduce_max3A_196 = vector.shape_cast %select_n3A_195 : vector<1x512xf32> to vector<1x1x512xf32>
    %reduce_max3A_197 = arith.constant dense<0xFF800000> : vector<1xf32>
    %reduce_max3A_198 = vector.multi_reduction <maximumf>, %reduce_max3A_196, %reduce_max3A_197 [1, 2] : vector<1x1x512xf32> to vector<1xf32>
    %reduce_max3A_199 = vector.shape_cast %reduce_max3A_198 : vector<1xf32> to vector<1x1x1xf32>
    %reduce_max3A_200 = vector.extract %reduce_max3A_199[0, 0, 0] : f32 from vector<1x1x1xf32>
    %eq3A_201 = vector.broadcast %reduce_max3A_200 : f32 to vector<1x512xf32>
    %eq3A_202 = arith.cmpf oeq, %select_n3A_195, %eq3A_201 : vector<1x512xf32>
    %jit3A_203 = arith.constant 1073741824 : i32
    %broadcast_in_dim3A_204 = vector.broadcast %jit3A_203 : i32 to vector<1x512xi32>
    %select_n3A_205 = arith.select %eq3A_202, %add3A, %broadcast_in_dim3A_204 : vector<1x512xi1>, vector<1x512xi32>
    %reduce_min3A_206 = vector.shape_cast %select_n3A_205 : vector<1x512xi32> to vector<1x1x512xi32>
    %reduce_min3A_207 = arith.constant dense<2147483647> : vector<1xi32>
    %reduce_min3A_208 = vector.multi_reduction <minsi>, %reduce_min3A_206, %reduce_min3A_207 [1, 2] : vector<1x1x512xi32> to vector<1xi32>
    %reduce_min3A_209 = vector.shape_cast %reduce_min3A_208 : vector<1xi32> to vector<1x1x1xi32>
    %reduce_min3A_210 = vector.extract %reduce_min3A_209[0, 0, 0] : i32 from vector<1x1x1xi32>
    %and3A_211 = arith.constant 131071 : i32
    %and3A_212 = arith.andi %reduce_min3A_210, %and3A_211 : i32
    %eq3A_213 = vector.broadcast %reduce_min3A_210 : i32 to vector<1x512xi32>
    %eq3A_214 = arith.cmpi eq, %add3A, %eq3A_213 : vector<1x512xi32>
    %eq3A_215 = arith.constant 6 : i32
    %eq3A_216 = vector.broadcast %eq3A_215 : i32 to vector<1x128xi32>
    %eq3A_217 = arith.cmpi eq, %iota3A_6, %eq3A_216 : vector<1x128xi32>
    %broadcast_in_dim3A_218 = vector.broadcast %reduce_max3A_200 : f32 to vector<1x128xf32>
    %select_n3A_219 = arith.select %eq3A_217, %broadcast_in_dim3A_218, %select_n3A_187 : vector<1x128xi1>, vector<1x128xf32>
    %eq3A_220 = arith.constant 6 : i32
    %eq3A_221 = vector.broadcast %eq3A_220 : i32 to vector<1x128xi32>
    %eq3A_222 = arith.cmpi eq, %iota3A_6, %eq3A_221 : vector<1x128xi32>
    %broadcast_in_dim3A_223 = vector.broadcast %and3A_212 : i32 to vector<1x128xi32>
    %select_n3A_224 = arith.select %eq3A_222, %broadcast_in_dim3A_223, %select_n3A_192 : vector<1x128xi1>, vector<1x128xi32>
    %jit3A_225 = arith.constant 0xFF800000 : f32
    %broadcast_in_dim3A_226 = vector.broadcast %jit3A_225 : f32 to vector<1x512xf32>
    %select_n3A_227 = arith.select %eq3A_214, %broadcast_in_dim3A_226, %select_n3A_195 : vector<1x512xi1>, vector<1x512xf32>
    %reduce_max3A_228 = vector.shape_cast %select_n3A_227 : vector<1x512xf32> to vector<1x1x512xf32>
    %reduce_max3A_229 = arith.constant dense<0xFF800000> : vector<1xf32>
    %reduce_max3A_230 = vector.multi_reduction <maximumf>, %reduce_max3A_228, %reduce_max3A_229 [1, 2] : vector<1x1x512xf32> to vector<1xf32>
    %reduce_max3A_231 = vector.shape_cast %reduce_max3A_230 : vector<1xf32> to vector<1x1x1xf32>
    %reduce_max3A_232 = vector.extract %reduce_max3A_231[0, 0, 0] : f32 from vector<1x1x1xf32>
    %eq3A_233 = vector.broadcast %reduce_max3A_232 : f32 to vector<1x512xf32>
    %eq3A_234 = arith.cmpf oeq, %select_n3A_227, %eq3A_233 : vector<1x512xf32>
    %jit3A_235 = arith.constant 1073741824 : i32
    %broadcast_in_dim3A_236 = vector.broadcast %jit3A_235 : i32 to vector<1x512xi32>
    %select_n3A_237 = arith.select %eq3A_234, %add3A, %broadcast_in_dim3A_236 : vector<1x512xi1>, vector<1x512xi32>
    %reduce_min3A_238 = vector.shape_cast %select_n3A_237 : vector<1x512xi32> to vector<1x1x512xi32>
    %reduce_min3A_239 = arith.constant dense<2147483647> : vector<1xi32>
    %reduce_min3A_240 = vector.multi_reduction <minsi>, %reduce_min3A_238, %reduce_min3A_239 [1, 2] : vector<1x1x512xi32> to vector<1xi32>
    %reduce_min3A_241 = vector.shape_cast %reduce_min3A_240 : vector<1xi32> to vector<1x1x1xi32>
    %reduce_min3A_242 = vector.extract %reduce_min3A_241[0, 0, 0] : i32 from vector<1x1x1xi32>
    %and3A_243 = arith.constant 131071 : i32
    %and3A_244 = arith.andi %reduce_min3A_242, %and3A_243 : i32
    %eq3A_245 = vector.broadcast %reduce_min3A_242 : i32 to vector<1x512xi32>
    %eq3A_246 = arith.cmpi eq, %add3A, %eq3A_245 : vector<1x512xi32>
    %eq3A_247 = arith.constant 7 : i32
    %eq3A_248 = vector.broadcast %eq3A_247 : i32 to vector<1x128xi32>
    %eq3A_249 = arith.cmpi eq, %iota3A_6, %eq3A_248 : vector<1x128xi32>
    %broadcast_in_dim3A_250 = vector.broadcast %reduce_max3A_232 : f32 to vector<1x128xf32>
    %select_n3A_251 = arith.select %eq3A_249, %broadcast_in_dim3A_250, %select_n3A_219 : vector<1x128xi1>, vector<1x128xf32>
    %eq3A_252 = arith.constant 7 : i32
    %eq3A_253 = vector.broadcast %eq3A_252 : i32 to vector<1x128xi32>
    %eq3A_254 = arith.cmpi eq, %iota3A_6, %eq3A_253 : vector<1x128xi32>
    %broadcast_in_dim3A_255 = vector.broadcast %and3A_244 : i32 to vector<1x128xi32>
    %select_n3A_256 = arith.select %eq3A_254, %broadcast_in_dim3A_255, %select_n3A_224 : vector<1x128xi1>, vector<1x128xi32>
    %jit3A_257 = arith.constant 0xFF800000 : f32
    %broadcast_in_dim3A_258 = vector.broadcast %jit3A_257 : f32 to vector<1x512xf32>
    %select_n3A_259 = arith.select %eq3A_246, %broadcast_in_dim3A_258, %select_n3A_227 : vector<1x512xi1>, vector<1x512xf32>
    %reduce_max3A_260 = vector.shape_cast %select_n3A_259 : vector<1x512xf32> to vector<1x1x512xf32>
    %reduce_max3A_261 = arith.constant dense<0xFF800000> : vector<1xf32>
    %reduce_max3A_262 = vector.multi_reduction <maximumf>, %reduce_max3A_260, %reduce_max3A_261 [1, 2] : vector<1x1x512xf32> to vector<1xf32>
    %reduce_max3A_263 = vector.shape_cast %reduce_max3A_262 : vector<1xf32> to vector<1x1x1xf32>
    %reduce_max3A_264 = vector.extract %reduce_max3A_263[0, 0, 0] : f32 from vector<1x1x1xf32>
    %eq3A_265 = vector.broadcast %reduce_max3A_264 : f32 to vector<1x512xf32>
    %eq3A_266 = arith.cmpf oeq, %select_n3A_259, %eq3A_265 : vector<1x512xf32>
    %jit3A_267 = arith.constant 1073741824 : i32
    %broadcast_in_dim3A_268 = vector.broadcast %jit3A_267 : i32 to vector<1x512xi32>
    %select_n3A_269 = arith.select %eq3A_266, %add3A, %broadcast_in_dim3A_268 : vector<1x512xi1>, vector<1x512xi32>
    %reduce_min3A_270 = vector.shape_cast %select_n3A_269 : vector<1x512xi32> to vector<1x1x512xi32>
    %reduce_min3A_271 = arith.constant dense<2147483647> : vector<1xi32>
    %reduce_min3A_272 = vector.multi_reduction <minsi>, %reduce_min3A_270, %reduce_min3A_271 [1, 2] : vector<1x1x512xi32> to vector<1xi32>
    %reduce_min3A_273 = vector.shape_cast %reduce_min3A_272 : vector<1xi32> to vector<1x1x1xi32>
    %reduce_min3A_274 = vector.extract %reduce_min3A_273[0, 0, 0] : i32 from vector<1x1x1xi32>
    %and3A_275 = arith.constant 131071 : i32
    %and3A_276 = arith.andi %reduce_min3A_274, %and3A_275 : i32
    %eq3A_277 = vector.broadcast %reduce_min3A_274 : i32 to vector<1x512xi32>
    %eq3A_278 = arith.cmpi eq, %add3A, %eq3A_277 : vector<1x512xi32>
    %eq3A_279 = arith.constant 8 : i32
    %eq3A_280 = vector.broadcast %eq3A_279 : i32 to vector<1x128xi32>
    %eq3A_281 = arith.cmpi eq, %iota3A_6, %eq3A_280 : vector<1x128xi32>
    %broadcast_in_dim3A_282 = vector.broadcast %reduce_max3A_264 : f32 to vector<1x128xf32>
    %select_n3A_283 = arith.select %eq3A_281, %broadcast_in_dim3A_282, %select_n3A_251 : vector<1x128xi1>, vector<1x128xf32>
    %eq3A_284 = arith.constant 8 : i32
    %eq3A_285 = vector.broadcast %eq3A_284 : i32 to vector<1x128xi32>
    %eq3A_286 = arith.cmpi eq, %iota3A_6, %eq3A_285 : vector<1x128xi32>
    %broadcast_in_dim3A_287 = vector.broadcast %and3A_276 : i32 to vector<1x128xi32>
    %select_n3A_288 = arith.select %eq3A_286, %broadcast_in_dim3A_287, %select_n3A_256 : vector<1x128xi1>, vector<1x128xi32>
    %jit3A_289 = arith.constant 0xFF800000 : f32
    %broadcast_in_dim3A_290 = vector.broadcast %jit3A_289 : f32 to vector<1x512xf32>
    %select_n3A_291 = arith.select %eq3A_278, %broadcast_in_dim3A_290, %select_n3A_259 : vector<1x512xi1>, vector<1x512xf32>
    %reduce_max3A_292 = vector.shape_cast %select_n3A_291 : vector<1x512xf32> to vector<1x1x512xf32>
    %reduce_max3A_293 = arith.constant dense<0xFF800000> : vector<1xf32>
    %reduce_max3A_294 = vector.multi_reduction <maximumf>, %reduce_max3A_292, %reduce_max3A_293 [1, 2] : vector<1x1x512xf32> to vector<1xf32>
    %reduce_max3A_295 = vector.shape_cast %reduce_max3A_294 : vector<1xf32> to vector<1x1x1xf32>
    %reduce_max3A_296 = vector.extract %reduce_max3A_295[0, 0, 0] : f32 from vector<1x1x1xf32>
    %eq3A_297 = vector.broadcast %reduce_max3A_296 : f32 to vector<1x512xf32>
    %eq3A_298 = arith.cmpf oeq, %select_n3A_291, %eq3A_297 : vector<1x512xf32>
    %jit3A_299 = arith.constant 1073741824 : i32
    %broadcast_in_dim3A_300 = vector.broadcast %jit3A_299 : i32 to vector<1x512xi32>
    %select_n3A_301 = arith.select %eq3A_298, %add3A, %broadcast_in_dim3A_300 : vector<1x512xi1>, vector<1x512xi32>
    %reduce_min3A_302 = vector.shape_cast %select_n3A_301 : vector<1x512xi32> to vector<1x1x512xi32>
    %reduce_min3A_303 = arith.constant dense<2147483647> : vector<1xi32>
    %reduce_min3A_304 = vector.multi_reduction <minsi>, %reduce_min3A_302, %reduce_min3A_303 [1, 2] : vector<1x1x512xi32> to vector<1xi32>
    %reduce_min3A_305 = vector.shape_cast %reduce_min3A_304 : vector<1xi32> to vector<1x1x1xi32>
    %reduce_min3A_306 = vector.extract %reduce_min3A_305[0, 0, 0] : i32 from vector<1x1x1xi32>
    %and3A_307 = arith.constant 131071 : i32
    %and3A_308 = arith.andi %reduce_min3A_306, %and3A_307 : i32
    %eq3A_309 = arith.constant 9 : i32
    %eq3A_310 = vector.broadcast %eq3A_309 : i32 to vector<1x128xi32>
    %eq3A_311 = arith.cmpi eq, %iota3A_6, %eq3A_310 : vector<1x128xi32>
    %broadcast_in_dim3A_312 = vector.broadcast %reduce_max3A_296 : f32 to vector<1x128xf32>
    %select_n3A_313 = arith.select %eq3A_311, %broadcast_in_dim3A_312, %select_n3A_283 : vector<1x128xi1>, vector<1x128xf32>
    %eq3A_314 = arith.constant 9 : i32
    %eq3A_315 = vector.broadcast %eq3A_314 : i32 to vector<1x128xi32>
    %eq3A_316 = arith.cmpi eq, %iota3A_6, %eq3A_315 : vector<1x128xi32>
    %broadcast_in_dim3A_317 = vector.broadcast %and3A_308 : i32 to vector<1x128xi32>
    %select_n3A_318 = arith.select %eq3A_316, %broadcast_in_dim3A_317, %select_n3A_288 : vector<1x128xi1>, vector<1x128xi32>
    %slice3A = vector.extract_strided_slice %select_n3A_313 {offsets = [0, 0], sizes = [1, 10], strides = [1, 1]} : vector<1x128xf32> to vector<1x10xf32>
    %squeeze3A = vector.shape_cast %slice3A : vector<1x10xf32> to vector<10xf32>
    %swap3A = arith.constant 0 : index
    %swap3A_319 = vector.load %arg2[%swap3A] : memref<10xf32, #tpu.memory_space<vmem>>, vector<10xf32>
    tpu.vector_store %arg2[%swap3A], %squeeze3A {strides = array<i32>} : memref<10xf32, #tpu.memory_space<vmem>>, vector<10xf32>,
    %slice3A_320 = vector.extract_strided_slice %select_n3A_318 {offsets = [0, 0], sizes = [1, 10], strides = [1, 1]} : vector<1x128xi32> to vector<1x10xi32>
    %squeeze3A_321 = vector.shape_cast %slice3A_320 : vector<1x10xi32> to vector<10xi32>
    %swap3A_322 = arith.constant 0 : index
    %swap3A_323 = vector.load %arg3[%swap3A_322] : memref<10xi32, #tpu.memory_space<vmem>>, vector<10xi32>
    tpu.vector_store %arg3[%swap3A_322], %squeeze3A_321 {strides = array<i32>} : memref<10xi32, #tpu.memory_space<vmem>>, vector<10xi32>,
    return
  }
}

</mosaic_0001>

<sc_bundles>
// kernel: kernel.4.cloned.1.call-start
scs
__scs_entry_jumppad:
0x0: {  	(pc) =	sbr.rel $0x88, $3  }
0x1: {  	(tag) =	ssettag $0x0;
	lr =	simm.s32 $0x1  }
0x2: {  	[smem:$0x3F9D] =	sst lr;
	_ =	strace $0xD0000000  }
0x3: {  	_ = 	snop  }
0x4: {  	_ = 	snop  }
0x5: {  	_ = 	snop  }
0x6: {  	_ = 	snop  }
0x7: {  	_ = 	snop  }
__scs_overlays_trampoline_lowered:
0x8: {  	[smem:$0x3FAC] =	sst s0  }
0x9: {  	[smem:$0x3FAD] =	sst s1  }
0xa: {  	[smem:$0x3FAE] =	sst s2  }
0xb: {  	[smem:$0x3FAF] =	sst s3  }
0xc: {  	[smem:$0x3FB0] =	sst s4  }
0xd: {  	[smem:$0x3FB1] =	sst s5  }
0xe: {  	[smem:$0x3FB2] =	sst s6  }
0xf: {  	[smem:$0x3FB3] =	sst s7  }
0x10: {  	[smem:$0x3FB4] =	sst s8  }
0x11: {  	[smem:$0x3FB5] =	sst s9;
	s0 =	simm.s32 @!p0 $0x0  }
0x12: {  	s1 =	sld [smem:$0x3F9B];
	s0 =	simm.s32 @p0 $0x1  }
0x13: {  	[smem:$0x3FB6] =	sst s0;
	s0 =	simm.s32 @!p1 $0x0  }
0x14: {  	s2 =	sld [smem:$0x3F9A];
	s0 =	simm.s32 @p1 $0x1  }
0x15: {  	[smem:$0x3FB7] =	sst s0;
	s0 =	simm.s32 @!p2 $0x0  }
0x16: {  	s3 =	sld [smem:$0x3FDB];
	s0 =	simm.s32 @p2 $0x1  }
0x17: {  	s4 =	simm.s32 $0x1BF5;
	[smem:$0x3FB9] =	sst s0  }
0x18: {  	s0 =	sld [smem:$0x3F9C];
	_ =	swait.ge [sflag:s4], $0x0  }
0x19: {  	s7 =	sld [smem:$0x3F9D]  }
0x1a: {  	s8 =	sadd.s32 $0xFFFFE003, lr  }
0x1b: {  	s9 =	sadd.s32 $0xFFFFFEF7, lr;
	s5 =	simm.s32 $0xFFFFFFFF;
	p2 =	slt.u32 s8, $0xFFFFF086  }
0x1c: {  	p1 =	slt.u32 s9, $0xF7A;
	s5 =	simm.s32 @!p2 $0x0  }
0x1d: {  	s5 =	simm.s32 @p1 $0x1;
	p0 =	seq.s32 s7, s2  }
0x1e: {  	s7 =	smul.u32 @!p0 $0xF7A, s2;
	p2 =	seq.s32 @!p0 s5, $0x0  }
0x1f: {  	s9 =	smul.u32 $0xF7A, s1;
	s8 =	simm.s32 @!p0 $0x1BF5;
	p2 =	por !p2, p0  }
0x20: {  	[sflag:s8] =	ssyncset.s32 @!p0 $0xFFFFF086;
	s6 =	sadd.s32 @!p0 s3, s7;
	s7 =	simm.s32 @!p0 $0x108  }
0x21: {  	s3 =	sadd.s32 s3, s9;
	s6 =	sadd.s32 @!p0 $0x88, s6;
	s7 =	simm.s32 @p2 $0x1082  }
0x22: {  	[simem:s7], [sflag:s8] =	dma.local @!p0 [hbm:s6], $0xF7A  }
0x23: {  	s9 =	sor.u32 $0xD0000000, s2;
	s6 =	simm.s32 $0x108;
	_ =	swait.ge @!p0 [sflag:s8], $0x0  }
0x24: {  	s3 =	sadd.s32 $0x88, s3;
	s6 =	simm.s32 @!p1 $0x1082;
	[sflag:s4] =	ssyncset.s32 $0xFFFFF086  }
0x25: {  	[simem:s6], [sflag:s4] =	dma.local [hbm:s3], $0xF7A  }
0x26: {  	[smem:$0x3F9D] =	sst s1;
	(tag) =	ssettag s2;
	_ =	strace s9  }
0x27: {  	s1 =	sld [smem:$0x3FAD]  }
0x28: {  	s2 =	sld [smem:$0x3FAE]  }
0x29: {  	s4 =	sld [smem:$0x3FB0]  }
0x2a: {  	p0 =	seq.s32 s5, $0x0;
	s5 =	sld [smem:$0x3FB1]  }
0x2b: {  	s6 =	sld [smem:$0x3FB2]  }
0x2c: {  	s7 =	sld [smem:$0x3FB3]  }
0x2d: {  	s3 =	simm.s32 $0x108;
	s8 =	sld [smem:$0x3FB4]  }
0x2e: {  	s3 =	simm.s32 @!p0 $0x1082;
	s9 =	sld [smem:$0x3FB5]  }
0x2f: {  	lr =	sadd.s32 s0, s3;
	s0 =	sld [smem:$0x3FAC]  }
0x30: {  	s3 =	sld [smem:$0x3FAF]  }
0x31: {  	[smem:$0x3FB8] =	sst s10  }
0x32: {  	s10 =	sld [smem:$0x3FB6];
	_ =	sdelay $0x3  }
0x33: {  	p0 =	seq.s32 s10, $0x1;
	s10 =	sld [smem:$0x3FB8];
	_ =	sdelay $0x3  }
0x34: {  	[smem:$0x3FB8] =	sst s10  }
0x35: {  	s10 =	sld [smem:$0x3FB7];
	_ =	sdelay $0x3  }
0x36: {  	p1 =	seq.s32 s10, $0x1;
	s10 =	sld [smem:$0x3FB8];
	_ =	sdelay $0x3  }
0x37: {  	[smem:$0x3FB8] =	sst s10  }
0x38: {  	s10 =	sld [smem:$0x3FB9]  }
0x39: {  	_ = 	snop;
	(pc) =	sbr.ind lr, $3  }
0x3a: {  	_ = 	snop  }
0x3b: {  	_ = 	snop  }
0x3c: {  	p2 =	seq.s32 s10, $0x1;
	s10 =	sld [smem:$0x3FB8]  }
0x3d: {  	_ =	shalt  }
0x3e: {  	_ =	shalt  }
0x3f: {  	_ =	shalt  }
0x40: {  	_ =	shalt  }
0x41: {  	_ =	shalt  }
0x42: {  	_ =	shalt  }
0x43: {  	_ =	shalt  }
0x44: {  	_ =	shalt  }
0x45: {  	_ =	shalt  }
0x46: {  	_ =	shalt  }
0x47: {  	_ =	shalt  }
0x48: {  	_ =	shalt  }
0x49: {  	_ =	shalt  }
0x4a: {  	_ =	shalt  }
0x4b: {  	_ =	shalt  }
0x4c: {  	_ =	shalt  }
0x4d: {  	_ =	shalt  }
0x4e: {  	_ =	shalt  }
0x4f: {  	_ =	shalt  }
0x50: {  	_ =	shalt  }
0x51: {  	_ =	shalt  }
0x52: {  	_ =	shalt  }
0x53: {  	_ =	shalt  }
0x54: {  	_ =	shalt  }
0x55: {  	_ =	shalt  }
0x56: {  	_ =	shalt  }
0x57: {  	_ =	shalt  }
0x58: {  	_ =	shalt  }
0x59: {  	_ =	shalt  }
0x5a: {  	_ =	shalt  }
0x5b: {  	_ =	shalt  }
0x5c: {  	_ =	shalt  }
0x5d: {  	_ =	shalt  }
0x5e: {  	_ =	shalt  }
0x5f: {  	_ =	shalt  }
0x60: {  	_ =	shalt  }
0x61: {  	_ =	shalt  }
0x62: {  	_ =	shalt  }
0x63: {  	_ =	shalt  }
0x64: {  	_ =	shalt  }
0x65: {  	_ =	shalt  }
0x66: {  	_ =	shalt  }
0x67: {  	_ =	shalt  }
0x68: {  	_ =	shalt  }
0x69: {  	_ =	shalt  }
0x6a: {  	_ =	shalt  }
0x6b: {  	_ =	shalt  }
0x6c: {  	_ =	shalt  }
0x6d: {  	_ =	shalt  }
0x6e: {  	_ =	shalt  }
0x6f: {  	_ =	shalt  }
0x70: {  	_ =	shalt  }
0x71: {  	_ =	shalt  }
0x72: {  	_ =	shalt  }
0x73: {  	_ =	shalt  }
0x74: {  	_ =	shalt  }
0x75: {  	_ =	shalt  }
0x76: {  	_ =	shalt  }
0x77: {  	_ =	shalt  }
0x78: {  	_ =	shalt  }
0x79: {  	_ =	shalt  }
0x7a: {  	_ =	shalt  }
0x7b: {  	_ =	shalt  }
0x7c: {  	_ =	shalt  }
0x7d: {  	_ =	shalt  }
0x7e: {  	_ =	shalt  }
0x7f: {  	_ =	shalt  }
0x80: {  	_ =	shalt  }
0x81: {  	_ =	shalt  }
0x82: {  	_ =	shalt  }
0x83: {  	_ =	shalt  }
0x84: {  	_ =	shalt  }
0x85: {  	_ =	shalt  }
0x86: {  	_ =	shalt  }
0x87: {  	_ =	shalt  }
.Lfunc_end0:
.L_simem_size_0:
called_computation_lowered:
.L_overlay_start_0:
0x88: {  	s2 =	sld [smem:$0x3FD9]  }
0x89: {  	s3 =	sld [smem:$0x3FFE];
	_ =	sdelay $0x1  }
0x8a: {  	s1 =	srdreg.scid  }
0x8b: {  	s0 =	sand.u32 $0x1, s1  }
0x8c: {  	s17 =	sshll.u32 s0, $0xA;
	s2 =	sadd.s32 s3, s2  }
0x8d: {  	s2 =	sadd.s32 s2, s17  }
0x8e: {  	[smem:$0x3FC4] =	sst s2  }
0x8f: {  	_ = 	snop  }
0x90: {  	s2 =	sld [smem:$0x3FC9]  }
0x91: {  	s18 =	sld [smem:$0x3FC8]  }
0x92: {  	s4 =	sld [smem:$0x3FC7]  }
0x93: {  	s5 =	sld [smem:$0x3FC6];
	(tm) =	ssettm $0x1  }
0x94: {  	s6 =	sld [smem:$0x3FFB];
	_ =	sdelay $0x3  }
0x95: {  	_ =	strace s6  }
0x96: {  	s6 =	sld [smem:$0x3FFC];
	_ =	sdelay $0x3  }
0x97: {  	_ =	strace s6  }
0x98: {  	s6 =	sld [smem:$0x3FFD];
	_ =	sdelay $0x3  }
0x99: {  	_ =	strace s6  }
0x9a: {  	_ =	strace $0x8FFFFFFF  }
0x9b: {  	s19 =	sld [smem:$0x3FDB];
	_ =	sdelay $0x1  }
0x9c: {  	s7 =	simm.s32 $_scs_section_size  }
0x9d: {  	s8 =	simm.s32 $_size__tile_overlayer_lowered;
	s9 =	simm.s32 $_tile_overlayer_lowered  }
0x9e: {  	s22 =	simm.s32 $0x1BFF;
	s21 =	sshll.u32 s9, $0x1;
	s6 =	sadd.s32 s7, s19  }
0x9f: {  	s10 =	simm.s32 $0x0;
	s20 =	sshll.u32 s8, $0x1;
	s8 =	sadd.s32 s21, s6  }
0xa0: {  	[timem:s10], [sflag:s22] =	dma.local [hbm:s8], s20  }
0xa1: {  	_ =	swait.ge [sflag:s22], s20  }
0xa2: {  	s7 =	ssub.s32 $0x0, s20;
	[sflag:s22] =	ssyncset.done $0x0  }
0xa3: {  	[sflag:s22] =	ssyncadd.s32 s7;
	_ =	sdelay $0x1  }
0xa4: {  	s23 =	simm.s32 $0x1B8B  }
0xa5: {  	_ =	swait.ge [sflag:s23], $0x1  }
0xa6: {  	[sflag:s23] =	ssyncset.done $0x0  }
0xa7: {  	s25 =	simm.s32 $0x1B8E;
	s24 =	sld [smem:$0x3FFE];
	[sflag:s23] =	ssyncadd.s32 $0xFFFFFFFF  }
0xa8: {  	s26 =	simm.s32 $execute0_lowered;
	[smem:$0x3FD2] =	sst s25  }
0xa9: {  	s8 =	sshll.u32 s26, $0x1;
	_ =	strace $0x80000046;
	[dreg:$0x1] =	wrdreg $0xFFFFFFFF  }
0xaa: {  	s28 =	simm.s32 $_size_execute0_lowered;
	s6 =	sadd.s32 s6, s8;
	[dreg:$0x0] =	wrdreg $0x0  }
0xab: {  	s8 =	sshll.u32 s28, $0x1;
	[dreg:$0x2] =	wrdreg s6  }
0xac: {  	[dreg:$0x3] =	wrdreg s8  }
0xad: {  	[dreg:$0x4] =	wrdreg $0xC0  }
0xae: {  	_ =	task [dreg:s10], $0x5FFFF  }
0xaf: {  	[dreg:$0x1] =	wrdreg $0xFFFFFFFF  }
0xb0: {  	[dreg:$0x0] =	wrdreg $0x60  }
0xb1: {  	[dreg:$0x2] =	wrdreg s2  }
0xb2: {  	[dreg:$0x3] =	wrdreg s18  }
0xb3: {  	[dreg:$0x4] =	wrdreg s4  }
0xb4: {  	[dreg:$0x5] =	wrdreg s5  }
0xb5: {  	[dreg:$0x6] =	wrdreg s24  }
0xb6: {  	[dreg:$0x7] =	wrdreg $0x9  }
0xb7: {  	_ =	task.clear_ibuf [dreg:s10], $0x8FFFF;
	_ =	strace $0x90000046  }
0xb8: {  	s29 =	simm.s32 $0x9;
	_ =	strace $0x80000048  }
0xb9: {  	_ =	swait.ge [sflag:s29], $0x1  }
0xba: {  	[sflag:s29] =	ssyncadd.s32 $0xFFFFFFFF  }
0xbb: {  	_ =	strace $0x90000048  }
0xbc: {  	_ =	sfence  }
0xbd: {  	s30 =	sld [smem:$0x0];
	_ =	sdelay $0x2  }
0xbe: {  	s31 =	sshll.u32 s1, $0xD;
	s1 =	sshrl.u32 s1, $0x2  }
0xbf: {  	s3 =	sand.u32 $0x4000, s31;
	s1 =	sadd.s32 s1, s30  }
0xc0: {  	s0 =	sor.u32 s3, s0;
	s1 =	sshll.u32 s1, $0x11  }
0xc1: {  	s0 =	sor.u32 s1, s0  }
0xc2: {  	s0 =	sadd.s32 $0x8F2B, s0  }
0xc3: {  	[sflag:s0] =	ssyncadd.remote.s32 $0x1  }
0xc4: {  	_ =	sfence.sel $0xFFFF  }
0xc5: {  	[dreg:$0x0] =	wrdreg $0xFFFFFFFF;
	(pc) =	sbr.abs _section_cstart, $3  }
0xc6: {  	[dreg:$0x1] =	wrdreg $0xFFFFFFFF  }
0xc7: {  	_ =	task.clear_ibuf [dreg:s10], $0x2FFFF;
	_ =	strace $0x9FFFFFFF  }
0xc8: {  	(tm) =	ssettm $0x7FFFFFFF  }
0xc9: {  	_ =	shalt  }
tec
execute0_lowered:
.L_overlay_start_1:
0x0: {  	(tag) =	ssettag $0x1  }
0x1: {  	v0 =	vimm.f32 $0.0e+00;
	vm0 =	vcmask $0x704  }
0x2: {  	v1 =	vimm.s32 $0x1000F;
	vm1 =	vcmask $0x300;
	vm2 =	vcmask $0xF0C  }
0x3: {  	vm3 =	vcmask $0x3B38;
	vm4 =	vcmask $0xF14;
	vm5 =	vcmask $0x1318  }
0x4: {  	vm6 =	vcmask $0x171C;
	vm7 =	vcmask $0x1B20;
	vm8 =	vcmask $0x1F24  }
0x5: {  	vm9 =	vcmask $0x2328;
	vm10 =	vcmask $0x272C;
	vm11 =	vcmask $0x2B30  }
0x6: {  	vm12 =	vcmask $0x2F34;
	vm13 =	vcmask $0x3338;
	vm14 =	vcmask $0x373C  }
0x7: {  	s1 =	rddreg [dreg:$0x1];
	vm15 =	vmmov $0x7fff;
	v2 =	vsel vm0, $0x10001, v1;
	vm0 =	vcmask $0xB08  }
0x8: {  	s2 =	rddreg [dreg:$0x2];
	v1 =	vsel vm1, $0x10000, v1;
	vm1 =	vcmask $0x1310;
	v2 =	vsel vm0, $0x10002, v2  }
0x9: {  	s3 =	rddreg [dreg:$0x3];
	v1 =	vsel vm0, $0x10002, v1;
	vm0 =	vcmask $0x1714;
	v2 =	vsel vm2, $0x10003, v2  }
0xa: {  	s4 =	rddreg [dreg:$0x4];
	s5 =	srdreg.scid;
	v1 =	vsel vm2, $0x10003, v1;
	vm2 =	vcmask $0x1B18;
	v2 =	vsel vm1, $0x10004, v2  }
0xb: {  	s0 =	stileid.u32;
	s6 =	simm.s32 $0x0;
	s16 =	simm.s32 $0x10080;
	v1 =	vsel vm1, $0x10004, v1;
	vm1 =	vcmask $0x1F1C;
	v2 =	vsel vm0, $0x10005, v2  }
0xc: {  	s17 =	simm.s32 $0x16200;
	s18 =	simm.s32 $0x12100;
	s19 =	simm.s32 $0x18280;
	v1 =	vsel vm0, $0x10005, v1;
	vm0 =	vcmask $0x2320;
	v2 =	vsel vm2, $0x10006, v2  }
0xd: {  	s20 =	simm.s32 $0x1C380;
	s21 =	simm.s32 $0x4;
	s22 =	simm.s32 $0x1C400;
	v1 =	vsel vm2, $0x10006, v1;
	vm2 =	vcmask $0x2724;
	v2 =	vsel vm1, $0x10007, v2  }
0xe: {  	s23 =	simm.s32 $0x1C480;
	s24 =	simm.s32 $0x1C500;
	s25 =	simm.s32 $0x0;
	v1 =	vsel vm1, $0x10007, v1;
	vm1 =	vcmask $0x2B28;
	v2 =	vsel vm0, $0x10008, v2  }
0xf: {  	s5 =	sand.u32 $0x1, s5;
	s7 =	sshll.u32 s0, $0x1;
	[smem:$0x7FF] =	sst s6;
	v1 =	vsel vm0, $0x10008, v1;
	vm0 =	vcmask $0x2F2C;
	v2 =	vsel vm2, $0x10009, v2  }
0x10: {  	s8 =	sor.u32 s5, s7;
	s5 =	ssub.s32 $0x2, s5;
	_ =	strace $0x80000047;
	v1 =	vsel vm2, $0x10009, v1;
	vm2 =	vcmask $0x3330;
	v2 =	vsel vm1, $0x1000A, v2  }
0x11: {  	s9 =	sshll.u32 s8, $0x1;
	s7 =	smul.u32 $0x20800, s8;
	s31 =	sshrl.u32 s5, $0x1;
	v1 =	vsel vm1, $0x1000A, v1;
	vm1 =	vcmask $0x3734;
	v2 =	vsel vm0, $0x1000B, v2  }
0x12: {  	s8 =	sshll.u32 s8, $0xB;
	s4 =	sadd.s32 s9, s4;
	s5 =	ssub.s32 s5, s31;
	v1 =	vsel vm0, $0x1000B, v1;
	vm0 =	vmmov $0x1;
	v2 =	vsel vm2, $0x1000C, v2  }
0x13: {  	s11 =	sshrl.u32 s7, $0x3;
	s13 =	sadd.s32 $0xC00, s4;
	s14 =	sadd.s32 $0xE00, s4;
	v3 =	vsel vm2, $0x1000C, v1;
	vm2 =	vcmask $0x70C;
	v2 =	vsel vm1, $0x1000D, v2  }
0x14: {  	s15 =	smax.u32 s5, $0x1;
	s9 =	sadd.s32 s2, s11;
	s12 =	sadd.s32 $0x410, s11;
	v1 =	vsel vm3, $0x1000E, v2;
	v2 =	vsel vm1, $0x1000D, v3;
	v3 =	vlaneseq.u32  }
0x15: {  	s10 =	sadd.s32 s3, s11;
	s11 =	sadd.s32 s2, s12;
	s12 =	sadd.s32 s3, s12;
	v2 =	vsel vm3, $0x1000E, v2;
	v4 =	vor.u32 $0x10000, v3;
	vm3 =	vcmask $0xB10  }
.LBB2_1:
0x16: {  	[tilespmem:s16], [sflag:$0x1] =	stream.linear.gather [hbm4b:s9+s6], $0x2080, $0x38;
	[tilespmem:$0x1C580] =	vst v63  }
0x17: {  	_ = 	snop  }
0x18: {  	[tilespmem:s17], [sflag:$0x1] =	stream.linear.gather [hbm4b:s10+s6], $0x2080, $0x38;
	[tilespmem:$0x1C580] =	vst v63  }
0x19: {  	_ = 	snop  }
0x1a: {  	[tilespmem:s18], [sflag:$0x2] =	stream.linear.gather [hbm4b:s11+s6], $0x2080, $0x38;
	[tilespmem:$0x1C580] =	vst v63  }
0x1b: {  	_ = 	snop  }
0x1c: {  	[tilespmem:s19], [sflag:$0x2] =	stream.linear.gather [hbm4b:s12+s6], $0x2080, $0x38;
	[tilespmem:$0x1C580] =	vst v63  }
0x1d: {  	s0 =	rddreg [dreg:$0x0]  }
0x1e: {  	[tilespmem:s20], [sflag:$0x4] =	stream.linear.gather [hbm4b:s0+s6], $0x80, $0x38;
	[tilespmem:$0x1C580] =	vst v63  }
0x1f: {  	_ =	swait.ge [sflag:s21], $0x80  }
0x20: {  	[sflag:s21] =	ssyncset.done $0x0  }
0x21: {  	[sflag:s21] =	ssyncadd.s32 $0xFFFFFF80  }
0x22: {  	[tilespmem:s22], [sflag:$0x4] =	stream.linear.gather [hbm4b:s1+s6], $0x80, $0x38;
	[tilespmem:$0x1C580] =	vst v63  }
0x23: {  	_ =	swait.ge [sflag:s21], $0x80  }
0x24: {  	[sflag:s21] =	ssyncset.done $0x0  }
0x25: {  	s4 =	simm.s32 $0x0;
	s5 =	simm.s32 $0x200;
	[sflag:s21] =	ssyncadd.s32 $0xFFFFFF80  }
.LBB2_2:
0x26: {  	p0 =	sne.s32 s5, $0x40000;
	[tilespmem:s4+$0x70] =	vst v0  }
0x27: {  	[tilespmem:s4+$0x0] =	vst v0  }
0x28: {  	[tilespmem:s4+$0x10] =	vst v0  }
.Ltmp0:
0x29: {  	[tilespmem:s4+$0x20] =	vst v0;
	(pc) =	sbr.rel @p0 .LBB2_2-.Ltmp0, $4  }
0x2a: {  	[tilespmem:s4+$0x30] =	vst v0  }
0x2b: {  	[tilespmem:s4+$0x40] =	vst v0  }
0x2c: {  	[tilespmem:s4+$0x50] =	vst v0  }
0x2d: {  	[tilespmem:s4+$0x60] =	vst v0;
	s4 =	sshra.s32 s5, $0x2;
	s5 =	sadd.s32 $0x200, s5  }
0x2e: {  	[tilespmem:s4+$0x70] =	vst v0  }
0x2f: {  	[tilespmem:s4+$0x0] =	vst v0  }
0x30: {  	[tilespmem:s4+$0x10] =	vst v0  }
0x31: {  	[tilespmem:s4+$0x20] =	vst v0  }
0x32: {  	[tilespmem:s4+$0x30] =	vst v0  }
0x33: {  	[tilespmem:s4+$0x40] =	vst v0  }
0x34: {  	[tilespmem:s4+$0x50] =	vst v0  }
0x35: {  	[tilespmem:s4+$0x60] =	vst v0  }
0x36: {  	v5 =	vld [tilespmem:$0x1C380];
	_ =	sdelay $0x4  }
0x37: {  	v6 =	vsel vm0, v5, v1;
	_ =	sdelay $0x3  }
0x38: {  	s26 =	simm.s32 $0x0;
	v7 =	vld [tilespmem:$0x1C400]  }
0x39: {  	v8 =	vld.idx.msk [tilespmem:v6+s26+$0x0], $0xffff;
	_ =	sdelay $0x1  }
0x3a: {  	vm1 =	vcmask $0x308  }
0x3b: {  	v9 =	vsel vm1, v2, v5  }
0x3c: {  	v10 =	vnsel vm0, $0x0, v7  }
0x3d: {  	v8 =	vadd.f32 v10, v8;
	_ =	sdelay $0x1  }
0x3e: {  	[tilespmem:v6+s26+$0x0] =	vst.idx.msk $0xffff, v8  }
0x3f: {  	v6 =	vld.idx.msk [tilespmem:v9+s26+$0x0], $0xffff;
	_ =	sdelay $0x2  }
0x40: {  	v8 =	vsel vm2, v4, v5  }
0x41: {  	v46 =	vsel vm1, $0x0, v7  }
0x42: {  	v6 =	vadd.f32 v6, v46;
	_ =	sdelay $0x1  }
0x43: {  	[tilespmem:v9+s26+$0x0] =	vst.idx.msk $0xffff, v6  }
0x44: {  	v6 =	vld.idx.msk [tilespmem:v8+s26+$0x0], $0xffff;
	_ =	sdelay $0x2  }
0x45: {  	v47 =	vsel vm3, v4, v5  }
0x46: {  	v48 =	vsel vm2, $0x0, v7  }
0x47: {  	v6 =	vadd.f32 v6, v48;
	_ =	sdelay $0x1  }
0x48: {  	[tilespmem:v8+s26+$0x0] =	vst.idx.msk $0xffff, v6  }
0x49: {  	v6 =	vld.idx.msk [tilespmem:v47+s26+$0x0], $0xffff;
	_ =	sdelay $0x2  }
0x4a: {  	v8 =	vsel vm4, v4, v5  }
0x4b: {  	v49 =	vsel vm3, $0x0, v7  }
0x4c: {  	v6 =	vadd.f32 v6, v49;
	_ =	sdelay $0x1  }
0x4d: {  	[tilespmem:v47+s26+$0x0] =	vst.idx.msk $0xffff, v6  }
0x4e: {  	v6 =	vld.idx.msk [tilespmem:v8+s26+$0x0], $0xffff;
	_ =	sdelay $0x2  }
0x4f: {  	v50 =	vsel vm5, v4, v5  }
0x50: {  	v51 =	vsel vm4, $0x0, v7  }
0x51: {  	v6 =	vadd.f32 v6, v51;
	_ =	sdelay $0x1  }
0x52: {  	[tilespmem:v8+s26+$0x0] =	vst.idx.msk $0xffff, v6  }
0x53: {  	v6 =	vld.idx.msk [tilespmem:v50+s26+$0x0], $0xffff;
	_ =	sdelay $0x2  }
0x54: {  	v8 =	vsel vm6, v4, v5  }
0x55: {  	v52 =	vsel vm5, $0x0, v7  }
0x56: {  	v6 =	vadd.f32 v6, v52;
	_ =	sdelay $0x1  }
0x57: {  	[tilespmem:v50+s26+$0x0] =	vst.idx.msk $0xffff, v6  }
0x58: {  	v6 =	vld.idx.msk [tilespmem:v8+s26+$0x0], $0xffff;
	_ =	sdelay $0x2  }
0x59: {  	v53 =	vsel vm7, v4, v5  }
0x5a: {  	v54 =	vsel vm6, $0x0, v7  }
0x5b: {  	v6 =	vadd.f32 v6, v54;
	_ =	sdelay $0x1  }
0x5c: {  	[tilespmem:v8+s26+$0x0] =	vst.idx.msk $0xffff, v6  }
0x5d: {  	v6 =	vld.idx.msk [tilespmem:v53+s26+$0x0], $0xffff;
	_ =	sdelay $0x2  }
0x5e: {  	v8 =	vsel vm8, v4, v5  }
0x5f: {  	v55 =	vsel vm7, $0x0, v7  }
0x60: {  	v6 =	vadd.f32 v6, v55;
	_ =	sdelay $0x1  }
0x61: {  	[tilespmem:v53+s26+$0x0] =	vst.idx.msk $0xffff, v6  }
0x62: {  	v6 =	vld.idx.msk [tilespmem:v8+s26+$0x0], $0xffff;
	_ =	sdelay $0x2  }
0x63: {  	v56 =	vsel vm9, v4, v5  }
0x64: {  	v57 =	vsel vm8, $0x0, v7  }
0x65: {  	v6 =	vadd.f32 v6, v57;
	_ =	sdelay $0x1  }
0x66: {  	[tilespmem:v8+s26+$0x0] =	vst.idx.msk $0xffff, v6  }
0x67: {  	v6 =	vld.idx.msk [tilespmem:v56+s26+$0x0], $0xffff;
	_ =	sdelay $0x2  }
0x68: {  	v8 =	vsel vm10, v4, v5  }
0x69: {  	v58 =	vsel vm9, $0x0, v7  }
0x6a: {  	v6 =	vadd.f32 v6, v58;
	_ =	sdelay $0x1  }
0x6b: {  	[tilespmem:v56+s26+$0x0] =	vst.idx.msk $0xffff, v6  }
0x6c: {  	v6 =	vld.idx.msk [tilespmem:v8+s26+$0x0], $0xffff;
	_ =	sdelay $0x2  }
0x6d: {  	v59 =	vsel vm11, v4, v5  }
0x6e: {  	v60 =	vsel vm10, $0x0, v7  }
0x6f: {  	v6 =	vadd.f32 v6, v60;
	_ =	sdelay $0x1  }
0x70: {  	[tilespmem:v8+s26+$0x0] =	vst.idx.msk $0xffff, v6  }
0x71: {  	v6 =	vld.idx.msk [tilespmem:v59+s26+$0x0], $0xffff;
	_ =	sdelay $0x2  }
0x72: {  	v8 =	vsel vm12, v4, v5  }
0x73: {  	v61 =	vsel vm11, $0x0, v7  }
0x74: {  	v6 =	vadd.f32 v6, v61;
	_ =	sdelay $0x1  }
0x75: {  	[tilespmem:v59+s26+$0x0] =	vst.idx.msk $0xffff, v6  }
0x76: {  	v6 =	vld.idx.msk [tilespmem:v8+s26+$0x0], $0xffff;
	_ =	sdelay $0x2  }
0x77: {  	v62 =	vsel vm13, v4, v5  }
0x78: {  	v63 =	vsel vm12, $0x0, v7  }
0x79: {  	v6 =	vadd.f32 v6, v63;
	_ =	sdelay $0x1  }
0x7a: {  	[tilespmem:v8+s26+$0x0] =	vst.idx.msk $0xffff, v6  }
0x7b: {  	v6 =	vld.idx.msk [tilespmem:v62+s26+$0x0], $0xffff;
	_ =	sdelay $0x2  }
0x7c: {  	v8 =	vsel vm14, v4, v5  }
0x7d: {  	v12 =	vsel vm13, $0x0, v7  }
0x7e: {  	v6 =	vadd.f32 v6, v12;
	_ =	sdelay $0x1  }
0x7f: {  	[tilespmem:v62+s26+$0x0] =	vst.idx.msk $0xffff, v6  }
0x80: {  	v6 =	vld.idx.msk [tilespmem:v8+s26+$0x0], $0xffff;
	_ =	sdelay $0x2  }
0x81: {  	v5 =	vsel vm15, v4, v5  }
0x82: {  	v13 =	vsel vm14, $0x0, v7  }
0x83: {  	v6 =	vadd.f32 v6, v13;
	_ =	sdelay $0x1  }
0x84: {  	[tilespmem:v8+s26+$0x0] =	vst.idx.msk $0xffff, v6  }
0x85: {  	v6 =	vld.idx.msk [tilespmem:v5+s26+$0x0], $0xffff;
	_ =	sdelay $0x3  }
0x86: {  	v7 =	vsel vm15, $0x0, v7  }
0x87: {  	v6 =	vadd.f32 v6, v7;
	_ =	sdelay $0x1  }
0x88: {  	[tilespmem:v5+s26+$0x0] =	vst.idx.msk $0xffff, v6  }
0x89: {  	v5 =	vld [tilespmem:$0x1C390];
	_ =	sdelay $0x4  }
0x8a: {  	v6 =	vsel vm0, v5, v1;
	_ =	sdelay $0x3  }
0x8b: {  	v7 =	vld [tilespmem:$0x1C410]  }
0x8c: {  	v8 =	vld.idx.msk [tilespmem:v6+s26+$0x0], $0xffff;
	_ =	sdelay $0x2  }
0x8d: {  	v14 =	vsel vm1, v2, v5  }
0x8e: {  	v15 =	vnsel vm0, $0x0, v7  }
0x8f: {  	v8 =	vadd.f32 v15, v8;
	_ =	sdelay $0x1  }
0x90: {  	[tilespmem:v6+s26+$0x0] =	vst.idx.msk $0xffff, v8  }
0x91: {  	v6 =	vld.idx.msk [tilespmem:v14+s26+$0x0], $0xffff;
	_ =	sdelay $0x2  }
0x92: {  	v8 =	vsel vm2, v4, v5  }
0x93: {  	v16 =	vsel vm1, $0x0, v7  }
0x94: {  	v6 =	vadd.f32 v6, v16;
	_ =	sdelay $0x1  }
0x95: {  	[tilespmem:v14+s26+$0x0] =	vst.idx.msk $0xffff, v6  }
0x96: {  	v6 =	vld.idx.msk [tilespmem:v8+s26+$0x0], $0xffff;
	_ =	sdelay $0x2  }
0x97: {  	v17 =	vsel vm3, v4, v5  }
0x98: {  	v18 =	vsel vm2, $0x0, v7  }
0x99: {  	v6 =	vadd.f32 v6, v18;
	_ =	sdelay $0x1  }
0x9a: {  	[tilespmem:v8+s26+$0x0] =	vst.idx.msk $0xffff, v6  }
0x9b: {  	v6 =	vld.idx.msk [tilespmem:v17+s26+$0x0], $0xffff;
	_ =	sdelay $0x2  }
0x9c: {  	v8 =	vsel vm4, v4, v5  }
0x9d: {  	v19 =	vsel vm3, $0x0, v7  }
0x9e: {  	v6 =	vadd.f32 v6, v19;
	_ =	sdelay $0x1  }
0x9f: {  	[tilespmem:v17+s26+$0x0] =	vst.idx.msk $0xffff, v6  }
0xa0: {  	v6 =	vld.idx.msk [tilespmem:v8+s26+$0x0], $0xffff;
	_ =	sdelay $0x2  }
0xa1: {  	v20 =	vsel vm5, v4, v5  }
0xa2: {  	v21 =	vsel vm4, $0x0, v7  }
0xa3: {  	v6 =	vadd.f32 v6, v21;
	_ =	sdelay $0x1  }
0xa4: {  	[tilespmem:v8+s26+$0x0] =	vst.idx.msk $0xffff, v6  }
0xa5: {  	v6 =	vld.idx.msk [tilespmem:v20+s26+$0x0], $0xffff;
	_ =	sdelay $0x2  }
0xa6: {  	v8 =	vsel vm6, v4, v5  }
0xa7: {  	v22 =	vsel vm5, $0x0, v7  }
0xa8: {  	v6 =	vadd.f32 v6, v22;
	_ =	sdelay $0x1  }
0xa9: {  	[tilespmem:v20+s26+$0x0] =	vst.idx.msk $0xffff, v6  }
0xaa: {  	v6 =	vld.idx.msk [tilespmem:v8+s26+$0x0], $0xffff;
	_ =	sdelay $0x2  }
0xab: {  	v23 =	vsel vm7, v4, v5  }
0xac: {  	v24 =	vsel vm6, $0x0, v7  }
0xad: {  	v6 =	vadd.f32 v6, v24;
	_ =	sdelay $0x1  }
0xae: {  	[tilespmem:v8+s26+$0x0] =	vst.idx.msk $0xffff, v6  }
0xaf: {  	v6 =	vld.idx.msk [tilespmem:v23+s26+$0x0], $0xffff;
	_ =	sdelay $0x2  }
0xb0: {  	v8 =	vsel vm8, v4, v5  }
0xb1: {  	v25 =	vsel vm7, $0x0, v7  }
0xb2: {  	v6 =	vadd.f32 v6, v25;
	_ =	sdelay $0x1  }
0xb3: {  	[tilespmem:v23+s26+$0x0] =	vst.idx.msk $0xffff, v6  }
0xb4: {  	v6 =	vld.idx.msk [tilespmem:v8+s26+$0x0], $0xffff;
	_ =	sdelay $0x2  }
0xb5: {  	v26 =	vsel vm9, v4, v5  }
0xb6: {  	v27 =	vsel vm8, $0x0, v7  }
0xb7: {  	v6 =	vadd.f32 v6, v27;
	_ =	sdelay $0x1  }
0xb8: {  	[tilespmem:v8+s26+$0x0] =	vst.idx.msk $0xffff, v6  }
0xb9: {  	v6 =	vld.idx.msk [tilespmem:v26+s26+$0x0], $0xffff;
	_ =	sdelay $0x2  }
0xba: {  	v8 =	vsel vm10, v4, v5  }
0xbb: {  	v28 =	vsel vm9, $0x0, v7  }
0xbc: {  	v6 =	vadd.f32 v6, v28;
	_ =	sdelay $0x1  }
0xbd: {  	[tilespmem:v26+s26+$0x0] =	vst.idx.msk $0xffff, v6  }
0xbe: {  	v6 =	vld.idx.msk [tilespmem:v8+s26+$0x0], $0xffff;
	_ =	sdelay $0x2  }
0xbf: {  	v29 =	vsel vm11, v4, v5  }
0xc0: {  	v30 =	vsel vm10, $0x0, v7  }
0xc1: {  	v6 =	vadd.f32 v6, v30;
	_ =	sdelay $0x1  }
0xc2: {  	[tilespmem:v8+s26+$0x0] =	vst.idx.msk $0xffff, v6  }
0xc3: {  	v6 =	vld.idx.msk [tilespmem:v29+s26+$0x0], $0xffff;
	_ =	sdelay $0x2  }
0xc4: {  	v8 =	vsel vm12, v4, v5  }
0xc5: {  	v31 =	vsel vm11, $0x0, v7  }
0xc6: {  	v6 =	vadd.f32 v6, v31;
	_ =	sdelay $0x1  }
0xc7: {  	[tilespmem:v29+s26+$0x0] =	vst.idx.msk $0xffff, v6  }
0xc8: {  	v6 =	vld.idx.msk [tilespmem:v8+s26+$0x0], $0xffff;
	_ =	sdelay $0x2  }
0xc9: {  	v32 =	vsel vm13, v4, v5  }
0xca: {  	v33 =	vsel vm12, $0x0, v7  }
0xcb: {  	v6 =	vadd.f32 v6, v33;
	_ =	sdelay $0x1  }
0xcc: {  	[tilespmem:v8+s26+$0x0] =	vst.idx.msk $0xffff, v6  }
0xcd: {  	v6 =	vld.idx.msk [tilespmem:v32+s26+$0x0], $0xffff;
	_ =	sdelay $0x2  }
0xce: {  	v8 =	vsel vm14, v4, v5  }
0xcf: {  	v34 =	vsel vm13, $0x0, v7  }
0xd0: {  	v6 =	vadd.f32 v6, v34;
	_ =	sdelay $0x1  }
0xd1: {  	[tilespmem:v32+s26+$0x0] =	vst.idx.msk $0xffff, v6  }
0xd2: {  	v6 =	vld.idx.msk [tilespmem:v8+s26+$0x0], $0xffff;
	_ =	sdelay $0x2  }
0xd3: {  	v5 =	vsel vm15, v4, v5  }
0xd4: {  	v35 =	vsel vm14, $0x0, v7  }
0xd5: {  	v6 =	vadd.f32 v6, v35;
	_ =	sdelay $0x1  }
0xd6: {  	[tilespmem:v8+s26+$0x0] =	vst.idx.msk $0xffff, v6  }
0xd7: {  	v6 =	vld.idx.msk [tilespmem:v5+s26+$0x0], $0xffff;
	_ =	sdelay $0x3  }
0xd8: {  	v7 =	vsel vm15, $0x0, v7  }
0xd9: {  	v6 =	vadd.f32 v6, v7;
	_ =	sdelay $0x1  }
0xda: {  	[tilespmem:v5+s26+$0x0] =	vst.idx.msk $0xffff, v6  }
0xdb: {  	v5 =	vld [tilespmem:$0x1C3A0];
	_ =	sdelay $0x4  }
0xdc: {  	v6 =	vsel vm0, v5, v1;
	_ =	sdelay $0x3  }
0xdd: {  	v7 =	vld [tilespmem:$0x1C420]  }
0xde: {  	v8 =	vld.idx.msk [tilespmem:v6+s26+$0x0], $0xffff;
	_ =	sdelay $0x2  }
0xdf: {  	v36 =	vsel vm1, v2, v5  }
0xe0: {  	v37 =	vnsel vm0, $0x0, v7  }
0xe1: {  	v8 =	vadd.f32 v37, v8;
	_ =	sdelay $0x1  }
0xe2: {  	[tilespmem:v6+s26+$0x0] =	vst.idx.msk $0xffff, v8  }
0xe3: {  	v6 =	vld.idx.msk [tilespmem:v36+s26+$0x0], $0xffff;
	_ =	sdelay $0x2  }
0xe4: {  	v8 =	vsel vm2, v4, v5  }
0xe5: {  	v38 =	vsel vm1, $0x0, v7  }
0xe6: {  	v6 =	vadd.f32 v6, v38;
	_ =	sdelay $0x1  }
0xe7: {  	[tilespmem:v36+s26+$0x0] =	vst.idx.msk $0xffff, v6  }
0xe8: {  	v6 =	vld.idx.msk [tilespmem:v8+s26+$0x0], $0xffff;
	_ =	sdelay $0x2  }
0xe9: {  	v39 =	vsel vm3, v4, v5  }
0xea: {  	v40 =	vsel vm2, $0x0, v7  }
0xeb: {  	v6 =	vadd.f32 v6, v40;
	_ =	sdelay $0x1  }
0xec: {  	[tilespmem:v8+s26+$0x0] =	vst.idx.msk $0xffff, v6  }
0xed: {  	v6 =	vld.idx.msk [tilespmem:v39+s26+$0x0], $0xffff;
	_ =	sdelay $0x2  }
0xee: {  	v8 =	vsel vm4, v4, v5  }
0xef: {  	v41 =	vsel vm3, $0x0, v7  }
0xf0: {  	v6 =	vadd.f32 v6, v41;
	_ =	sdelay $0x1  }
0xf1: {  	[tilespmem:v39+s26+$0x0] =	vst.idx.msk $0xffff, v6  }
0xf2: {  	v6 =	vld.idx.msk [tilespmem:v8+s26+$0x0], $0xffff;
	_ =	sdelay $0x2  }
0xf3: {  	v42 =	vsel vm5, v4, v5  }
0xf4: {  	v43 =	vsel vm4, $0x0, v7  }
0xf5: {  	v6 =	vadd.f32 v6, v43;
	_ =	sdelay $0x1  }
0xf6: {  	[tilespmem:v8+s26+$0x0] =	vst.idx.msk $0xffff, v6  }
0xf7: {  	v6 =	vld.idx.msk [tilespmem:v42+s26+$0x0], $0xffff;
	_ =	sdelay $0x2  }
0xf8: {  	v8 =	vsel vm6, v4, v5  }
0xf9: {  	v44 =	vsel vm5, $0x0, v7  }
0xfa: {  	v6 =	vadd.f32 v6, v44;
	_ =	sdelay $0x1  }
0xfb: {  	[tilespmem:v42+s26+$0x0] =	vst.idx.msk $0xffff, v6  }
0xfc: {  	v6 =	vld.idx.msk [tilespmem:v8+s26+$0x0], $0xffff;
	_ =	sdelay $0x2  }
0xfd: {  	v45 =	vsel vm7, v4, v5  }
0xfe: {  	v46 =	vsel vm6, $0x0, v7  }
0xff: {  	v6 =	vadd.f32 v6, v46;
	_ =	sdelay $0x1  }
0x100: {  	[tilespmem:v8+s26+$0x0] =	vst.idx.msk $0xffff, v6  }
0x101: {  	v6 =	vld.idx.msk [tilespmem:v45+s26+$0x0], $0xffff;
	_ =	sdelay $0x2  }
0x102: {  	v8 =	vsel vm8, v4, v5  }
0x103: {  	v47 =	vsel vm7, $0x0, v7  }
0x104: {  	v6 =	vadd.f32 v6, v47;
	_ =	sdelay $0x1  }
0x105: {  	[tilespmem:v45+s26+$0x0] =	vst.idx.msk $0xffff, v6  }
0x106: {  	v6 =	vld.idx.msk [tilespmem:v8+s26+$0x0], $0xffff;
	_ =	sdelay $0x2  }
0x107: {  	v48 =	vsel vm9, v4, v5  }
0x108: {  	v49 =	vsel vm8, $0x0, v7  }
0x109: {  	v6 =	vadd.f32 v6, v49;
	_ =	sdelay $0x1  }
0x10a: {  	[tilespmem:v8+s26+$0x0] =	vst.idx.msk $0xffff, v6  }
0x10b: {  	v6 =	vld.idx.msk [tilespmem:v48+s26+$0x0], $0xffff;
	_ =	sdelay $0x2  }
0x10c: {  	v8 =	vsel vm10, v4, v5  }
0x10d: {  	v50 =	vsel vm9, $0x0, v7  }
0x10e: {  	v6 =	vadd.f32 v6, v50;
	_ =	sdelay $0x1  }
0x10f: {  	[tilespmem:v48+s26+$0x0] =	vst.idx.msk $0xffff, v6  }
0x110: {  	v6 =	vld.idx.msk [tilespmem:v8+s26+$0x0], $0xffff;
	_ =	sdelay $0x2  }
0x111: {  	v51 =	vsel vm11, v4, v5  }
0x112: {  	v52 =	vsel vm10, $0x0, v7  }
0x113: {  	v6 =	vadd.f32 v6, v52;
	_ =	sdelay $0x1  }
0x114: {  	[tilespmem:v8+s26+$0x0] =	vst.idx.msk $0xffff, v6  }
0x115: {  	v6 =	vld.idx.msk [tilespmem:v51+s26+$0x0], $0xffff;
	_ =	sdelay $0x2  }
0x116: {  	v8 =	vsel vm12, v4, v5  }
0x117: {  	v53 =	vsel vm11, $0x0, v7  }
0x118: {  	v6 =	vadd.f32 v6, v53;
	_ =	sdelay $0x1  }
0x119: {  	[tilespmem:v51+s26+$0x0] =	vst.idx.msk $0xffff, v6  }
0x11a: {  	v6 =	vld.idx.msk [tilespmem:v8+s26+$0x0], $0xffff;
	_ =	sdelay $0x2  }
0x11b: {  	v54 =	vsel vm13, v4, v5  }
0x11c: {  	v55 =	vsel vm12, $0x0, v7  }
0x11d: {  	v6 =	vadd.f32 v6, v55;
	_ =	sdelay $0x1  }
0x11e: {  	[tilespmem:v8+s26+$0x0] =	vst.idx.msk $0xffff, v6  }
0x11f: {  	v6 =	vld.idx.msk [tilespmem:v54+s26+$0x0], $0xffff;
	_ =	sdelay $0x2  }
0x120: {  	v8 =	vsel vm14, v4, v5  }
0x121: {  	v56 =	vsel vm13, $0x0, v7  }
0x122: {  	v6 =	vadd.f32 v6, v56;
	_ =	sdelay $0x1  }
0x123: {  	[tilespmem:v54+s26+$0x0] =	vst.idx.msk $0xffff, v6  }
0x124: {  	v6 =	vld.idx.msk [tilespmem:v8+s26+$0x0], $0xffff;
	_ =	sdelay $0x2  }
0x125: {  	v5 =	vsel vm15, v4, v5  }
0x126: {  	v57 =	vsel vm14, $0x0, v7  }
0x127: {  	v6 =	vadd.f32 v6, v57;
	_ =	sdelay $0x1  }
0x128: {  	[tilespmem:v8+s26+$0x0] =	vst.idx.msk $0xffff, v6  }
0x129: {  	v6 =	vld.idx.msk [tilespmem:v5+s26+$0x0], $0xffff;
	_ =	sdelay $0x3  }
0x12a: {  	v7 =	vsel vm15, $0x0, v7  }
0x12b: {  	v6 =	vadd.f32 v6, v7;
	_ =	sdelay $0x1  }
0x12c: {  	[tilespmem:v5+s26+$0x0] =	vst.idx.msk $0xffff, v6  }
0x12d: {  	v5 =	vld [tilespmem:$0x1C3B0];
	_ =	sdelay $0x4  }
0x12e: {  	v6 =	vsel vm0, v5, v1;
	_ =	sdelay $0x3  }
0x12f: {  	v7 =	vld [tilespmem:$0x1C430]  }
0x130: {  	v8 =	vld.idx.msk [tilespmem:v6+s26+$0x0], $0xffff;
	_ =	sdelay $0x2  }
0x131: {  	v58 =	vsel vm1, v2, v5  }
0x132: {  	v59 =	vnsel vm0, $0x0, v7  }
0x133: {  	v8 =	vadd.f32 v59, v8;
	_ =	sdelay $0x1  }
0x134: {  	[tilespmem:v6+s26+$0x0] =	vst.idx.msk $0xffff, v8  }
0x135: {  	v6 =	vld.idx.msk [tilespmem:v58+s26+$0x0], $0xffff;
	_ =	sdelay $0x2  }
0x136: {  	v8 =	vsel vm2, v4, v5  }
0x137: {  	v60 =	vsel vm1, $0x0, v7  }
0x138: {  	v6 =	vadd.f32 v6, v60;
	_ =	sdelay $0x1  }
0x139: {  	[tilespmem:v58+s26+$0x0] =	vst.idx.msk $0xffff, v6  }
0x13a: {  	v6 =	vld.idx.msk [tilespmem:v8+s26+$0x0], $0xffff;
	_ =	sdelay $0x2  }
0x13b: {  	v61 =	vsel vm3, v4, v5  }
0x13c: {  	v62 =	vsel vm2, $0x0, v7  }
0x13d: {  	v6 =	vadd.f32 v6, v62;
	_ =	sdelay $0x1  }
0x13e: {  	[tilespmem:v8+s26+$0x0] =	vst.idx.msk $0xffff, v6  }
0x13f: {  	v6 =	vld.idx.msk [tilespmem:v61+s26+$0x0], $0xffff;
	_ =	sdelay $0x2  }
0x140: {  	v8 =	vsel vm4, v4, v5  }
0x141: {  	v63 =	vsel vm3, $0x0, v7  }
0x142: {  	v6 =	vadd.f32 v6, v63;
	_ =	sdelay $0x1  }
0x143: {  	[tilespmem:v61+s26+$0x0] =	vst.idx.msk $0xffff, v6  }
0x144: {  	v6 =	vld.idx.msk [tilespmem:v8+s26+$0x0], $0xffff;
	_ =	sdelay $0x2  }
0x145: {  	v12 =	vsel vm5, v4, v5  }
0x146: {  	v13 =	vsel vm4, $0x0, v7  }
0x147: {  	v6 =	vadd.f32 v6, v13;
	_ =	sdelay $0x1  }
0x148: {  	[tilespmem:v8+s26+$0x0] =	vst.idx.msk $0xffff, v6  }
0x149: {  	v6 =	vld.idx.msk [tilespmem:v12+s26+$0x0], $0xffff;
	_ =	sdelay $0x2  }
0x14a: {  	v8 =	vsel vm6, v4, v5  }
0x14b: {  	v14 =	vsel vm5, $0x0, v7  }
0x14c: {  	v6 =	vadd.f32 v6, v14;
	_ =	sdelay $0x1  }
0x14d: {  	[tilespmem:v12+s26+$0x0] =	vst.idx.msk $0xffff, v6  }
0x14e: {  	v6 =	vld.idx.msk [tilespmem:v8+s26+$0x0], $0xffff;
	_ =	sdelay $0x2  }
0x14f: {  	v15 =	vsel vm7, v4, v5  }
0x150: {  	v16 =	vsel vm6, $0x0, v7  }
0x151: {  	v6 =	vadd.f32 v6, v16;
	_ =	sdelay $0x1  }
0x152: {  	[tilespmem:v8+s26+$0x0] =	vst.idx.msk $0xffff, v6  }
0x153: {  	v6 =	vld.idx.msk [tilespmem:v15+s26+$0x0], $0xffff;
	_ =	sdelay $0x2  }
0x154: {  	v8 =	vsel vm8, v4, v5  }
0x155: {  	v17 =	vsel vm7, $0x0, v7  }
0x156: {  	v6 =	vadd.f32 v6, v17;
	_ =	sdelay $0x1  }
0x157: {  	[tilespmem:v15+s26+$0x0] =	vst.idx.msk $0xffff, v6  }
0x158: {  	v6 =	vld.idx.msk [tilespmem:v8+s26+$0x0], $0xffff;
	_ =	sdelay $0x2  }
0x159: {  	v18 =	vsel vm9, v4, v5  }
0x15a: {  	v19 =	vsel vm8, $0x0, v7  }
0x15b: {  	v6 =	vadd.f32 v6, v19;
	_ =	sdelay $0x1  }
0x15c: {  	[tilespmem:v8+s26+$0x0] =	vst.idx.msk $0xffff, v6  }
0x15d: {  	v6 =	vld.idx.msk [tilespmem:v18+s26+$0x0], $0xffff;
	_ =	sdelay $0x2  }
0x15e: {  	v8 =	vsel vm10, v4, v5  }
0x15f: {  	v20 =	vsel vm9, $0x0, v7  }
0x160: {  	v6 =	vadd.f32 v6, v20;
	_ =	sdelay $0x1  }
0x161: {  	[tilespmem:v18+s26+$0x0] =	vst.idx.msk $0xffff, v6  }
0x162: {  	v6 =	vld.idx.msk [tilespmem:v8+s26+$0x0], $0xffff;
	_ =	sdelay $0x2  }
0x163: {  	v21 =	vsel vm11, v4, v5  }
0x164: {  	v22 =	vsel vm10, $0x0, v7  }
0x165: {  	v6 =	vadd.f32 v6, v22;
	_ =	sdelay $0x1  }
0x166: {  	[tilespmem:v8+s26+$0x0] =	vst.idx.msk $0xffff, v6  }
0x167: {  	v6 =	vld.idx.msk [tilespmem:v21+s26+$0x0], $0xffff;
	_ =	sdelay $0x2  }
0x168: {  	v8 =	vsel vm12, v4, v5  }
0x169: {  	v23 =	vsel vm11, $0x0, v7  }
0x16a: {  	v6 =	vadd.f32 v6, v23;
	_ =	sdelay $0x1  }
0x16b: {  	[tilespmem:v21+s26+$0x0] =	vst.idx.msk $0xffff, v6  }
0x16c: {  	v6 =	vld.idx.msk [tilespmem:v8+s26+$0x0], $0xffff;
	_ =	sdelay $0x2  }
0x16d: {  	v24 =	vsel vm13, v4, v5  }
0x16e: {  	v25 =	vsel vm12, $0x0, v7  }
0x16f: {  	v6 =	vadd.f32 v6, v25;
	_ =	sdelay $0x1  }
0x170: {  	[tilespmem:v8+s26+$0x0] =	vst.idx.msk $0xffff, v6  }
0x171: {  	v6 =	vld.idx.msk [tilespmem:v24+s26+$0x0], $0xffff;
	_ =	sdelay $0x2  }
0x172: {  	v8 =	vsel vm14, v4, v5  }
0x173: {  	v26 =	vsel vm13, $0x0, v7  }
0x174: {  	v6 =	vadd.f32 v6, v26;
	_ =	sdelay $0x1  }
0x175: {  	[tilespmem:v24+s26+$0x0] =	vst.idx.msk $0xffff, v6  }
0x176: {  	v6 =	vld.idx.msk [tilespmem:v8+s26+$0x0], $0xffff;
	_ =	sdelay $0x2  }
0x177: {  	v5 =	vsel vm15, v4, v5  }
0x178: {  	v27 =	vsel vm14, $0x0, v7  }
0x179: {  	v6 =	vadd.f32 v6, v27;
	_ =	sdelay $0x1  }
0x17a: {  	[tilespmem:v8+s26+$0x0] =	vst.idx.msk $0xffff, v6  }
0x17b: {  	v6 =	vld.idx.msk [tilespmem:v5+s26+$0x0], $0xffff;
	_ =	sdelay $0x3  }
0x17c: {  	v7 =	vsel vm15, $0x0, v7  }
0x17d: {  	v6 =	vadd.f32 v6, v7;
	_ =	sdelay $0x1  }
0x17e: {  	[tilespmem:v5+s26+$0x0] =	vst.idx.msk $0xffff, v6  }
0x17f: {  	v5 =	vld [tilespmem:$0x1C3C0];
	_ =	sdelay $0x4  }
0x180: {  	v6 =	vsel vm0, v5, v1;
	_ =	sdelay $0x3  }
0x181: {  	v7 =	vld [tilespmem:$0x1C440]  }
0x182: {  	v8 =	vld.idx.msk [tilespmem:v6+s26+$0x0], $0xffff;
	_ =	sdelay $0x2  }
0x183: {  	v28 =	vsel vm1, v2, v5  }
0x184: {  	v29 =	vnsel vm0, $0x0, v7  }
0x185: {  	v8 =	vadd.f32 v29, v8;
	_ =	sdelay $0x1  }
0x186: {  	[tilespmem:v6+s26+$0x0] =	vst.idx.msk $0xffff, v8  }
0x187: {  	v6 =	vld.idx.msk [tilespmem:v28+s26+$0x0], $0xffff;
	_ =	sdelay $0x2  }
0x188: {  	v8 =	vsel vm2, v4, v5  }
0x189: {  	v30 =	vsel vm1, $0x0, v7  }
0x18a: {  	v6 =	vadd.f32 v6, v30;
	_ =	sdelay $0x1  }
0x18b: {  	[tilespmem:v28+s26+$0x0] =	vst.idx.msk $0xffff, v6  }
0x18c: {  	v6 =	vld.idx.msk [tilespmem:v8+s26+$0x0], $0xffff;
	_ =	sdelay $0x2  }
0x18d: {  	v31 =	vsel vm3, v4, v5  }
0x18e: {  	v32 =	vsel vm2, $0x0, v7  }
0x18f: {  	v6 =	vadd.f32 v6, v32;
	_ =	sdelay $0x1  }
0x190: {  	[tilespmem:v8+s26+$0x0] =	vst.idx.msk $0xffff, v6  }
0x191: {  	v6 =	vld.idx.msk [tilespmem:v31+s26+$0x0], $0xffff;
	_ =	sdelay $0x2  }
0x192: {  	v8 =	vsel vm4, v4, v5  }
0x193: {  	v33 =	vsel vm3, $0x0, v7  }
0x194: {  	v6 =	vadd.f32 v6, v33;
	_ =	sdelay $0x1  }
0x195: {  	[tilespmem:v31+s26+$0x0] =	vst.idx.msk $0xffff, v6  }
0x196: {  	v6 =	vld.idx.msk [tilespmem:v8+s26+$0x0], $0xffff;
	_ =	sdelay $0x2  }
0x197: {  	v34 =	vsel vm5, v4, v5  }
0x198: {  	v35 =	vsel vm4, $0x0, v7  }
0x199: {  	v6 =	vadd.f32 v6, v35;
	_ =	sdelay $0x1  }
0x19a: {  	[tilespmem:v8+s26+$0x0] =	vst.idx.msk $0xffff, v6  }
0x19b: {  	v6 =	vld.idx.msk [tilespmem:v34+s26+$0x0], $0xffff;
	_ =	sdelay $0x2  }
0x19c: {  	v8 =	vsel vm6, v4, v5  }
0x19d: {  	v36 =	vsel vm5, $0x0, v7  }
0x19e: {  	v6 =	vadd.f32 v6, v36;
	_ =	sdelay $0x1  }
0x19f: {  	[tilespmem:v34+s26+$0x0] =	vst.idx.msk $0xffff, v6  }
0x1a0: {  	v6 =	vld.idx.msk [tilespmem:v8+s26+$0x0], $0xffff;
	_ =	sdelay $0x2  }
0x1a1: {  	v37 =	vsel vm7, v4, v5  }
0x1a2: {  	v38 =	vsel vm6, $0x0, v7  }
0x1a3: {  	v6 =	vadd.f32 v6, v38;
	_ =	sdelay $0x1  }
0x1a4: {  	[tilespmem:v8+s26+$0x0] =	vst.idx.msk $0xffff, v6  }
0x1a5: {  	v6 =	vld.idx.msk [tilespmem:v37+s26+$0x0], $0xffff;
	_ =	sdelay $0x2  }
0x1a6: {  	v8 =	vsel vm8, v4, v5  }
0x1a7: {  	v39 =	vsel vm7, $0x0, v7  }
0x1a8: {  	v6 =	vadd.f32 v6, v39;
	_ =	sdelay $0x1  }
0x1a9: {  	[tilespmem:v37+s26+$0x0] =	vst.idx.msk $0xffff, v6  }
0x1aa: {  	v6 =	vld.idx.msk [tilespmem:v8+s26+$0x0], $0xffff;
	_ =	sdelay $0x2  }
0x1ab: {  	v40 =	vsel vm9, v4, v5  }
0x1ac: {  	v41 =	vsel vm8, $0x0, v7  }
0x1ad: {  	v6 =	vadd.f32 v6, v41;
	_ =	sdelay $0x1  }
0x1ae: {  	[tilespmem:v8+s26+$0x0] =	vst.idx.msk $0xffff, v6  }
0x1af: {  	v6 =	vld.idx.msk [tilespmem:v40+s26+$0x0], $0xffff;
	_ =	sdelay $0x2  }
0x1b0: {  	v8 =	vsel vm10, v4, v5  }
0x1b1: {  	v42 =	vsel vm9, $0x0, v7  }
0x1b2: {  	v6 =	vadd.f32 v6, v42;
	_ =	sdelay $0x1  }
0x1b3: {  	[tilespmem:v40+s26+$0x0] =	vst.idx.msk $0xffff, v6  }
0x1b4: {  	v6 =	vld.idx.msk [tilespmem:v8+s26+$0x0], $0xffff;
	_ =	sdelay $0x2  }
0x1b5: {  	v43 =	vsel vm11, v4, v5  }
0x1b6: {  	v44 =	vsel vm10, $0x0, v7  }
0x1b7: {  	v6 =	vadd.f32 v6, v44;
	_ =	sdelay $0x1  }
0x1b8: {  	[tilespmem:v8+s26+$0x0] =	vst.idx.msk $0xffff, v6  }
0x1b9: {  	v6 =	vld.idx.msk [tilespmem:v43+s26+$0x0], $0xffff;
	_ =	sdelay $0x2  }
0x1ba: {  	v8 =	vsel vm12, v4, v5  }
0x1bb: {  	v45 =	vsel vm11, $0x0, v7  }
0x1bc: {  	v6 =	vadd.f32 v6, v45;
	_ =	sdelay $0x1  }
0x1bd: {  	[tilespmem:v43+s26+$0x0] =	vst.idx.msk $0xffff, v6  }
0x1be: {  	v6 =	vld.idx.msk [tilespmem:v8+s26+$0x0], $0xffff;
	_ =	sdelay $0x2  }
0x1bf: {  	v46 =	vsel vm13, v4, v5  }
0x1c0: {  	v47 =	vsel vm12, $0x0, v7  }
0x1c1: {  	v6 =	vadd.f32 v6, v47;
	_ =	sdelay $0x1  }
0x1c2: {  	[tilespmem:v8+s26+$0x0] =	vst.idx.msk $0xffff, v6  }
0x1c3: {  	v6 =	vld.idx.msk [tilespmem:v46+s26+$0x0], $0xffff;
	_ =	sdelay $0x2  }
0x1c4: {  	v8 =	vsel vm14, v4, v5  }
0x1c5: {  	v48 =	vsel vm13, $0x0, v7  }
0x1c6: {  	v6 =	vadd.f32 v6, v48;
	_ =	sdelay $0x1  }
0x1c7: {  	[tilespmem:v46+s26+$0x0] =	vst.idx.msk $0xffff, v6  }
0x1c8: {  	v6 =	vld.idx.msk [tilespmem:v8+s26+$0x0], $0xffff;
	_ =	sdelay $0x2  }
0x1c9: {  	v5 =	vsel vm15, v4, v5  }
0x1ca: {  	v49 =	vsel vm14, $0x0, v7  }
0x1cb: {  	v6 =	vadd.f32 v6, v49;
	_ =	sdelay $0x1  }
0x1cc: {  	[tilespmem:v8+s26+$0x0] =	vst.idx.msk $0xffff, v6  }
0x1cd: {  	v6 =	vld.idx.msk [tilespmem:v5+s26+$0x0], $0xffff;
	_ =	sdelay $0x3  }
0x1ce: {  	v7 =	vsel vm15, $0x0, v7  }
0x1cf: {  	v6 =	vadd.f32 v6, v7;
	_ =	sdelay $0x1  }
0x1d0: {  	[tilespmem:v5+s26+$0x0] =	vst.idx.msk $0xffff, v6  }
0x1d1: {  	v5 =	vld [tilespmem:$0x1C3D0];
	_ =	sdelay $0x4  }
0x1d2: {  	v6 =	vsel vm0, v5, v1;
	_ =	sdelay $0x3  }
0x1d3: {  	v7 =	vld [tilespmem:$0x1C450]  }
0x1d4: {  	v8 =	vld.idx.msk [tilespmem:v6+s26+$0x0], $0xffff;
	_ =	sdelay $0x2  }
0x1d5: {  	v50 =	vsel vm1, v2, v5  }
0x1d6: {  	v51 =	vnsel vm0, $0x0, v7  }
0x1d7: {  	v8 =	vadd.f32 v51, v8;
	_ =	sdelay $0x1  }
0x1d8: {  	[tilespmem:v6+s26+$0x0] =	vst.idx.msk $0xffff, v8  }
0x1d9: {  	v6 =	vld.idx.msk [tilespmem:v50+s26+$0x0], $0xffff;
	_ =	sdelay $0x2  }
0x1da: {  	v8 =	vsel vm2, v4, v5  }
0x1db: {  	v52 =	vsel vm1, $0x0, v7  }
0x1dc: {  	v6 =	vadd.f32 v6, v52;
	_ =	sdelay $0x1  }
0x1dd: {  	[tilespmem:v50+s26+$0x0] =	vst.idx.msk $0xffff, v6  }
0x1de: {  	v6 =	vld.idx.msk [tilespmem:v8+s26+$0x0], $0xffff;
	_ =	sdelay $0x2  }
0x1df: {  	v53 =	vsel vm3, v4, v5  }
0x1e0: {  	v54 =	vsel vm2, $0x0, v7  }
0x1e1: {  	v6 =	vadd.f32 v6, v54;
	_ =	sdelay $0x1  }
0x1e2: {  	[tilespmem:v8+s26+$0x0] =	vst.idx.msk $0xffff, v6  }
0x1e3: {  	v6 =	vld.idx.msk [tilespmem:v53+s26+$0x0], $0xffff;
	_ =	sdelay $0x2  }
0x1e4: {  	v8 =	vsel vm4, v4, v5  }
0x1e5: {  	v55 =	vsel vm3, $0x0, v7  }
0x1e6: {  	v6 =	vadd.f32 v6, v55;
	_ =	sdelay $0x1  }
0x1e7: {  	[tilespmem:v53+s26+$0x0] =	vst.idx.msk $0xffff, v6  }
0x1e8: {  	v6 =	vld.idx.msk [tilespmem:v8+s26+$0x0], $0xffff;
	_ =	sdelay $0x2  }
0x1e9: {  	v56 =	vsel vm5, v4, v5  }
0x1ea: {  	v57 =	vsel vm4, $0x0, v7  }
0x1eb: {  	v6 =	vadd.f32 v6, v57;
	_ =	sdelay $0x1  }
0x1ec: {  	[tilespmem:v8+s26+$0x0] =	vst.idx.msk $0xffff, v6  }
0x1ed: {  	v6 =	vld.idx.msk [tilespmem:v56+s26+$0x0], $0xffff;
	_ =	sdelay $0x2  }
0x1ee: {  	v8 =	vsel vm6, v4, v5  }
0x1ef: {  	v58 =	vsel vm5, $0x0, v7  }
0x1f0: {  	v6 =	vadd.f32 v6, v58;
	_ =	sdelay $0x1  }
0x1f1: {  	[tilespmem:v56+s26+$0x0] =	vst.idx.msk $0xffff, v6  }
0x1f2: {  	v6 =	vld.idx.msk [tilespmem:v8+s26+$0x0], $0xffff;
	_ =	sdelay $0x2  }
0x1f3: {  	v59 =	vsel vm7, v4, v5  }
0x1f4: {  	v60 =	vsel vm6, $0x0, v7  }
0x1f5: {  	v6 =	vadd.f32 v6, v60;
	_ =	sdelay $0x1  }
0x1f6: {  	[tilespmem:v8+s26+$0x0] =	vst.idx.msk $0xffff, v6  }
0x1f7: {  	v6 =	vld.idx.msk [tilespmem:v59+s26+$0x0], $0xffff;
	_ =	sdelay $0x2  }
0x1f8: {  	v8 =	vsel vm8, v4, v5  }
0x1f9: {  	v61 =	vsel vm7, $0x0, v7  }
0x1fa: {  	v6 =	vadd.f32 v6, v61;
	_ =	sdelay $0x1  }
0x1fb: {  	[tilespmem:v59+s26+$0x0] =	vst.idx.msk $0xffff, v6  }
0x1fc: {  	v6 =	vld.idx.msk [tilespmem:v8+s26+$0x0], $0xffff;
	_ =	sdelay $0x2  }
0x1fd: {  	v62 =	vsel vm9, v4, v5  }
0x1fe: {  	v63 =	vsel vm8, $0x0, v7  }
0x1ff: {  	v6 =	vadd.f32 v6, v63;
	_ =	sdelay $0x1  }
0x200: {  	[tilespmem:v8+s26+$0x0] =	vst.idx.msk $0xffff, v6  }
0x201: {  	v6 =	vld.idx.msk [tilespmem:v62+s26+$0x0], $0xffff;
	_ =	sdelay $0x2  }
0x202: {  	v8 =	vsel vm10, v4, v5  }
0x203: {  	v12 =	vsel vm9, $0x0, v7  }
0x204: {  	v6 =	vadd.f32 v6, v12;
	_ =	sdelay $0x1  }
0x205: {  	[tilespmem:v62+s26+$0x0] =	vst.idx.msk $0xffff, v6  }
0x206: {  	v6 =	vld.idx.msk [tilespmem:v8+s26+$0x0], $0xffff;
	_ =	sdelay $0x2  }
0x207: {  	v13 =	vsel vm11, v4, v5  }
0x208: {  	v14 =	vsel vm10, $0x0, v7  }
0x209: {  	v6 =	vadd.f32 v6, v14;
	_ =	sdelay $0x1  }
0x20a: {  	[tilespmem:v8+s26+$0x0] =	vst.idx.msk $0xffff, v6  }
0x20b: {  	v6 =	vld.idx.msk [tilespmem:v13+s26+$0x0], $0xffff;
	_ =	sdelay $0x2  }
0x20c: {  	v8 =	vsel vm12, v4, v5  }
0x20d: {  	v15 =	vsel vm11, $0x0, v7  }
0x20e: {  	v6 =	vadd.f32 v6, v15;
	_ =	sdelay $0x1  }
0x20f: {  	[tilespmem:v13+s26+$0x0] =	vst.idx.msk $0xffff, v6  }
0x210: {  	v6 =	vld.idx.msk [tilespmem:v8+s26+$0x0], $0xffff;
	_ =	sdelay $0x2  }
0x211: {  	v16 =	vsel vm13, v4, v5  }
0x212: {  	v17 =	vsel vm12, $0x0, v7  }
0x213: {  	v6 =	vadd.f32 v6, v17;
	_ =	sdelay $0x1  }
0x214: {  	[tilespmem:v8+s26+$0x0] =	vst.idx.msk $0xffff, v6  }
0x215: {  	v6 =	vld.idx.msk [tilespmem:v16+s26+$0x0], $0xffff;
	_ =	sdelay $0x2  }
0x216: {  	v8 =	vsel vm14, v4, v5  }
0x217: {  	v18 =	vsel vm13, $0x0, v7  }
0x218: {  	v6 =	vadd.f32 v6, v18;
	_ =	sdelay $0x1  }
0x219: {  	[tilespmem:v16+s26+$0x0] =	vst.idx.msk $0xffff, v6  }
0x21a: {  	v6 =	vld.idx.msk [tilespmem:v8+s26+$0x0], $0xffff;
	_ =	sdelay $0x2  }
0x21b: {  	v5 =	vsel vm15, v4, v5  }
0x21c: {  	v19 =	vsel vm14, $0x0, v7  }
0x21d: {  	v6 =	vadd.f32 v6, v19;
	_ =	sdelay $0x1  }
0x21e: {  	[tilespmem:v8+s26+$0x0] =	vst.idx.msk $0xffff, v6  }
0x21f: {  	v6 =	vld.idx.msk [tilespmem:v5+s26+$0x0], $0xffff;
	_ =	sdelay $0x3  }
0x220: {  	v7 =	vsel vm15, $0x0, v7  }
0x221: {  	v6 =	vadd.f32 v6, v7;
	_ =	sdelay $0x1  }
0x222: {  	[tilespmem:v5+s26+$0x0] =	vst.idx.msk $0xffff, v6  }
0x223: {  	v5 =	vld [tilespmem:$0x1C3E0];
	_ =	sdelay $0x4  }
0x224: {  	v6 =	vsel vm0, v5, v1;
	_ =	sdelay $0x3  }
0x225: {  	v7 =	vld [tilespmem:$0x1C460]  }
0x226: {  	v8 =	vld.idx.msk [tilespmem:v6+s26+$0x0], $0xffff;
	_ =	sdelay $0x2  }
0x227: {  	v20 =	vsel vm1, v2, v5  }
0x228: {  	v21 =	vnsel vm0, $0x0, v7  }
0x229: {  	v8 =	vadd.f32 v21, v8;
	_ =	sdelay $0x1  }
0x22a: {  	[tilespmem:v6+s26+$0x0] =	vst.idx.msk $0xffff, v8  }
0x22b: {  	v6 =	vld.idx.msk [tilespmem:v20+s26+$0x0], $0xffff;
	_ =	sdelay $0x2  }
0x22c: {  	v8 =	vsel vm2, v4, v5  }
0x22d: {  	v22 =	vsel vm1, $0x0, v7  }
0x22e: {  	v6 =	vadd.f32 v6, v22;
	_ =	sdelay $0x1  }
0x22f: {  	[tilespmem:v20+s26+$0x0] =	vst.idx.msk $0xffff, v6  }
0x230: {  	v6 =	vld.idx.msk [tilespmem:v8+s26+$0x0], $0xffff;
	_ =	sdelay $0x2  }
0x231: {  	v23 =	vsel vm3, v4, v5  }
0x232: {  	v24 =	vsel vm2, $0x0, v7  }
0x233: {  	v6 =	vadd.f32 v6, v24;
	_ =	sdelay $0x1  }
0x234: {  	[tilespmem:v8+s26+$0x0] =	vst.idx.msk $0xffff, v6  }
0x235: {  	v6 =	vld.idx.msk [tilespmem:v23+s26+$0x0], $0xffff;
	_ =	sdelay $0x2  }
0x236: {  	v8 =	vsel vm4, v4, v5  }
0x237: {  	v25 =	vsel vm3, $0x0, v7  }
0x238: {  	v6 =	vadd.f32 v6, v25;
	_ =	sdelay $0x1  }
0x239: {  	[tilespmem:v23+s26+$0x0] =	vst.idx.msk $0xffff, v6  }
0x23a: {  	v6 =	vld.idx.msk [tilespmem:v8+s26+$0x0], $0xffff;
	_ =	sdelay $0x2  }
0x23b: {  	v26 =	vsel vm5, v4, v5  }
0x23c: {  	v27 =	vsel vm4, $0x0, v7  }
0x23d: {  	v6 =	vadd.f32 v6, v27;
	_ =	sdelay $0x1  }
0x23e: {  	[tilespmem:v8+s26+$0x0] =	vst.idx.msk $0xffff, v6  }
0x23f: {  	v6 =	vld.idx.msk [tilespmem:v26+s26+$0x0], $0xffff;
	_ =	sdelay $0x2  }
0x240: {  	v8 =	vsel vm6, v4, v5  }
0x241: {  	v28 =	vsel vm5, $0x0, v7  }
0x242: {  	v6 =	vadd.f32 v6, v28;
	_ =	sdelay $0x1  }
0x243: {  	[tilespmem:v26+s26+$0x0] =	vst.idx.msk $0xffff, v6  }
0x244: {  	v6 =	vld.idx.msk [tilespmem:v8+s26+$0x0], $0xffff;
	_ =	sdelay $0x2  }
0x245: {  	v29 =	vsel vm7, v4, v5  }
0x246: {  	v30 =	vsel vm6, $0x0, v7  }
0x247: {  	v6 =	vadd.f32 v6, v30;
	_ =	sdelay $0x1  }
0x248: {  	[tilespmem:v8+s26+$0x0] =	vst.idx.msk $0xffff, v6  }
0x249: {  	v6 =	vld.idx.msk [tilespmem:v29+s26+$0x0], $0xffff;
	_ =	sdelay $0x2  }
0x24a: {  	v8 =	vsel vm8, v4, v5  }
0x24b: {  	v31 =	vsel vm7, $0x0, v7  }
0x24c: {  	v6 =	vadd.f32 v6, v31;
	_ =	sdelay $0x1  }
0x24d: {  	[tilespmem:v29+s26+$0x0] =	vst.idx.msk $0xffff, v6  }
0x24e: {  	v6 =	vld.idx.msk [tilespmem:v8+s26+$0x0], $0xffff;
	_ =	sdelay $0x2  }
0x24f: {  	v32 =	vsel vm9, v4, v5  }
0x250: {  	v33 =	vsel vm8, $0x0, v7  }
0x251: {  	v6 =	vadd.f32 v6, v33;
	_ =	sdelay $0x1  }
0x252: {  	[tilespmem:v8+s26+$0x0] =	vst.idx.msk $0xffff, v6  }
0x253: {  	v6 =	vld.idx.msk [tilespmem:v32+s26+$0x0], $0xffff;
	_ =	sdelay $0x2  }
0x254: {  	v8 =	vsel vm10, v4, v5  }
0x255: {  	v34 =	vsel vm9, $0x0, v7  }
0x256: {  	v6 =	vadd.f32 v6, v34;
	_ =	sdelay $0x1  }
0x257: {  	[tilespmem:v32+s26+$0x0] =	vst.idx.msk $0xffff, v6  }
0x258: {  	v6 =	vld.idx.msk [tilespmem:v8+s26+$0x0], $0xffff;
	_ =	sdelay $0x2  }
0x259: {  	v35 =	vsel vm11, v4, v5  }
0x25a: {  	v36 =	vsel vm10, $0x0, v7  }
0x25b: {  	v6 =	vadd.f32 v6, v36;
	_ =	sdelay $0x1  }
0x25c: {  	[tilespmem:v8+s26+$0x0] =	vst.idx.msk $0xffff, v6  }
0x25d: {  	v6 =	vld.idx.msk [tilespmem:v35+s26+$0x0], $0xffff;
	_ =	sdelay $0x2  }
0x25e: {  	v8 =	vsel vm12, v4, v5  }
0x25f: {  	v37 =	vsel vm11, $0x0, v7  }
0x260: {  	v6 =	vadd.f32 v6, v37;
	_ =	sdelay $0x1  }
0x261: {  	[tilespmem:v35+s26+$0x0] =	vst.idx.msk $0xffff, v6  }
0x262: {  	v6 =	vld.idx.msk [tilespmem:v8+s26+$0x0], $0xffff;
	_ =	sdelay $0x2  }
0x263: {  	v38 =	vsel vm13, v4, v5  }
0x264: {  	v39 =	vsel vm12, $0x0, v7  }
0x265: {  	v6 =	vadd.f32 v6, v39;
	_ =	sdelay $0x1  }
0x266: {  	[tilespmem:v8+s26+$0x0] =	vst.idx.msk $0xffff, v6  }
0x267: {  	v6 =	vld.idx.msk [tilespmem:v38+s26+$0x0], $0xffff;
	_ =	sdelay $0x2  }
0x268: {  	v8 =	vsel vm14, v4, v5  }
0x269: {  	v40 =	vsel vm13, $0x0, v7  }
0x26a: {  	v6 =	vadd.f32 v6, v40;
	_ =	sdelay $0x1  }
0x26b: {  	[tilespmem:v38+s26+$0x0] =	vst.idx.msk $0xffff, v6  }
0x26c: {  	v6 =	vld.idx.msk [tilespmem:v8+s26+$0x0], $0xffff;
	_ =	sdelay $0x2  }
0x26d: {  	v5 =	vsel vm15, v4, v5  }
0x26e: {  	v41 =	vsel vm14, $0x0, v7  }
0x26f: {  	v6 =	vadd.f32 v6, v41;
	_ =	sdelay $0x1  }
0x270: {  	[tilespmem:v8+s26+$0x0] =	vst.idx.msk $0xffff, v6  }
0x271: {  	v6 =	vld.idx.msk [tilespmem:v5+s26+$0x0], $0xffff;
	_ =	sdelay $0x3  }
0x272: {  	v7 =	vsel vm15, $0x0, v7  }
0x273: {  	v6 =	vadd.f32 v6, v7;
	_ =	sdelay $0x1  }
0x274: {  	[tilespmem:v5+s26+$0x0] =	vst.idx.msk $0xffff, v6  }
0x275: {  	v5 =	vld [tilespmem:$0x1C3F0];
	_ =	sdelay $0x4  }
0x276: {  	v6 =	vsel vm0, v5, v1;
	_ =	sdelay $0x3  }
0x277: {  	v7 =	vld [tilespmem:$0x1C470]  }
0x278: {  	v8 =	vld.idx.msk [tilespmem:v6+s26+$0x0], $0xffff;
	_ =	sdelay $0x2  }
0x279: {  	v42 =	vsel vm1, v2, v5  }
0x27a: {  	v43 =	vnsel vm0, $0x0, v7  }
0x27b: {  	v8 =	vadd.f32 v43, v8;
	_ =	sdelay $0x1  }
0x27c: {  	[tilespmem:v6+s26+$0x0] =	vst.idx.msk $0xffff, v8  }
0x27d: {  	v6 =	vld.idx.msk [tilespmem:v42+s26+$0x0], $0xffff;
	_ =	sdelay $0x2  }
0x27e: {  	v8 =	vsel vm2, v4, v5  }
0x27f: {  	v44 =	vsel vm1, $0x0, v7  }
0x280: {  	v6 =	vadd.f32 v6, v44;
	_ =	sdelay $0x1  }
0x281: {  	[tilespmem:v42+s26+$0x0] =	vst.idx.msk $0xffff, v6  }
0x282: {  	v6 =	vld.idx.msk [tilespmem:v8+s26+$0x0], $0xffff;
	_ =	sdelay $0x2  }
0x283: {  	v45 =	vsel vm3, v4, v5  }
0x284: {  	v46 =	vsel vm2, $0x0, v7  }
0x285: {  	v6 =	vadd.f32 v6, v46;
	_ =	sdelay $0x1  }
0x286: {  	[tilespmem:v8+s26+$0x0] =	vst.idx.msk $0xffff, v6  }
0x287: {  	v6 =	vld.idx.msk [tilespmem:v45+s26+$0x0], $0xffff;
	_ =	sdelay $0x2  }
0x288: {  	v8 =	vsel vm4, v4, v5  }
0x289: {  	v47 =	vsel vm3, $0x0, v7  }
0x28a: {  	v6 =	vadd.f32 v6, v47;
	_ =	sdelay $0x1  }
0x28b: {  	[tilespmem:v45+s26+$0x0] =	vst.idx.msk $0xffff, v6  }
0x28c: {  	v6 =	vld.idx.msk [tilespmem:v8+s26+$0x0], $0xffff;
	_ =	sdelay $0x2  }
0x28d: {  	v48 =	vsel vm5, v4, v5  }
0x28e: {  	v49 =	vsel vm4, $0x0, v7  }
0x28f: {  	v6 =	vadd.f32 v6, v49;
	_ =	sdelay $0x1  }
0x290: {  	[tilespmem:v8+s26+$0x0] =	vst.idx.msk $0xffff, v6  }
0x291: {  	v6 =	vld.idx.msk [tilespmem:v48+s26+$0x0], $0xffff;
	_ =	sdelay $0x2  }
0x292: {  	v8 =	vsel vm6, v4, v5  }
0x293: {  	v50 =	vsel vm5, $0x0, v7  }
0x294: {  	v6 =	vadd.f32 v6, v50;
	_ =	sdelay $0x1  }
0x295: {  	[tilespmem:v48+s26+$0x0] =	vst.idx.msk $0xffff, v6  }
0x296: {  	v6 =	vld.idx.msk [tilespmem:v8+s26+$0x0], $0xffff;
	_ =	sdelay $0x2  }
0x297: {  	v51 =	vsel vm7, v4, v5  }
0x298: {  	v52 =	vsel vm6, $0x0, v7  }
0x299: {  	v6 =	vadd.f32 v6, v52;
	_ =	sdelay $0x1  }
0x29a: {  	[tilespmem:v8+s26+$0x0] =	vst.idx.msk $0xffff, v6  }
0x29b: {  	v6 =	vld.idx.msk [tilespmem:v51+s26+$0x0], $0xffff;
	_ =	sdelay $0x2  }
0x29c: {  	v8 =	vsel vm8, v4, v5  }
0x29d: {  	v53 =	vsel vm7, $0x0, v7  }
0x29e: {  	v6 =	vadd.f32 v6, v53;
	_ =	sdelay $0x1  }
0x29f: {  	[tilespmem:v51+s26+$0x0] =	vst.idx.msk $0xffff, v6  }
0x2a0: {  	v6 =	vld.idx.msk [tilespmem:v8+s26+$0x0], $0xffff;
	_ =	sdelay $0x2  }
0x2a1: {  	v54 =	vsel vm9, v4, v5  }
0x2a2: {  	v55 =	vsel vm8, $0x0, v7  }
0x2a3: {  	v6 =	vadd.f32 v6, v55;
	_ =	sdelay $0x1  }
0x2a4: {  	[tilespmem:v8+s26+$0x0] =	vst.idx.msk $0xffff, v6  }
0x2a5: {  	v6 =	vld.idx.msk [tilespmem:v54+s26+$0x0], $0xffff;
	_ =	sdelay $0x2  }
0x2a6: {  	v8 =	vsel vm10, v4, v5  }
0x2a7: {  	v56 =	vsel vm9, $0x0, v7  }
0x2a8: {  	v6 =	vadd.f32 v6, v56;
	_ =	sdelay $0x1  }
0x2a9: {  	[tilespmem:v54+s26+$0x0] =	vst.idx.msk $0xffff, v6  }
0x2aa: {  	v6 =	vld.idx.msk [tilespmem:v8+s26+$0x0], $0xffff;
	_ =	sdelay $0x2  }
0x2ab: {  	v57 =	vsel vm11, v4, v5  }
0x2ac: {  	v58 =	vsel vm10, $0x0, v7  }
0x2ad: {  	v6 =	vadd.f32 v6, v58;
	_ =	sdelay $0x1  }
0x2ae: {  	[tilespmem:v8+s26+$0x0] =	vst.idx.msk $0xffff, v6  }
0x2af: {  	v6 =	vld.idx.msk [tilespmem:v57+s26+$0x0], $0xffff;
	_ =	sdelay $0x2  }
0x2b0: {  	v8 =	vsel vm12, v4, v5  }
0x2b1: {  	v59 =	vsel vm11, $0x0, v7  }
0x2b2: {  	v6 =	vadd.f32 v6, v59;
	_ =	sdelay $0x1  }
0x2b3: {  	[tilespmem:v57+s26+$0x0] =	vst.idx.msk $0xffff, v6  }
0x2b4: {  	v6 =	vld.idx.msk [tilespmem:v8+s26+$0x0], $0xffff;
	_ =	sdelay $0x2  }
0x2b5: {  	v60 =	vsel vm13, v4, v5  }
0x2b6: {  	v61 =	vsel vm12, $0x0, v7  }
0x2b7: {  	v6 =	vadd.f32 v6, v61;
	_ =	sdelay $0x1  }
0x2b8: {  	[tilespmem:v8+s26+$0x0] =	vst.idx.msk $0xffff, v6  }
0x2b9: {  	v6 =	vld.idx.msk [tilespmem:v60+s26+$0x0], $0xffff;
	_ =	sdelay $0x2  }
0x2ba: {  	v8 =	vsel vm14, v4, v5  }
0x2bb: {  	v62 =	vsel vm13, $0x0, v7  }
0x2bc: {  	v6 =	vadd.f32 v6, v62;
	_ =	sdelay $0x1  }
0x2bd: {  	[tilespmem:v60+s26+$0x0] =	vst.idx.msk $0xffff, v6  }
0x2be: {  	v6 =	vld.idx.msk [tilespmem:v8+s26+$0x0], $0xffff;
	_ =	sdelay $0x2  }
0x2bf: {  	v5 =	vsel vm15, v4, v5  }
0x2c0: {  	v63 =	vsel vm14, $0x0, v7  }
0x2c1: {  	v6 =	vadd.f32 v6, v63;
	_ =	sdelay $0x1  }
0x2c2: {  	[tilespmem:v8+s26+$0x0] =	vst.idx.msk $0xffff, v6  }
0x2c3: {  	v6 =	vld.idx.msk [tilespmem:v5+s26+$0x0], $0xffff;
	_ =	sdelay $0x3  }
0x2c4: {  	v7 =	vsel vm15, $0x0, v7  }
0x2c5: {  	v6 =	vadd.f32 v6, v7;
	_ =	sdelay $0x1  }
0x2c6: {  	[tilespmem:v5+s26+$0x0] =	vst.idx.msk $0xffff, v6;
	v6 =	vimm.f32 $-Inf;
	v5 =	vimm.s32 $0x0  }
.LBB2_4:
0x2c7: {  	s4 =	smul.u32 $0xAB, s26;
	_ =	sdelay $0x1  }
0x2c8: {  	s5 =	sshrl.u32 s4, $0x9  }
0x2c9: {  	s5 =	sand.u32 $0x7F, s5  }
0x2ca: {  	s5 =	smul.u32 $0x3, s5;
	_ =	sdelay $0x1  }
0x2cb: {  	s4 =	sadd.s32 $0x156, s4;
	s5 =	ssub.s32 s26, s5  }
0x2cc: {  	s4 =	sshrl.u32 s4, $0x9;
	s28 =	sand.u32 $0xFF, s5  }
0x2cd: {  	s4 =	sand.u32 $0x7F, s4;
	p1 =	sne.s32 s28, $0x0  }
0x2ce: {  	s4 =	smul.u32 $0x3, s4;
	s5 =	simm.s32 @!p1 $0x1  }
0x2cf: {  	s29 =	sadd.s32 $0x2, s26;
	_ =	swait.ge @!p1 [sflag:s5], $0x2080  }
0x2d0: {  	p0 =	sgt.u32 s26, $0xD;
	s4 =	ssub.s32 s29, s4;
	[sflag:s5] =	ssyncset.done @!p1 $0x0  }
0x2d1: {  	s29 =	smul.u32 $0x2080, s29;
	s4 =	sand.u32 @!p0 $0xFF, s4;
	[sflag:s5] =	ssyncadd.s32 @!p1 $0xFFFFDF80  }
0x2d2: {  	p2 =	sne.s32 @!p0 s4, $0x0;
	_ =	swait.ge @!p1 [sflag:s5], $0x2080  }
0x2d3: {  	s29 =	sadd.s32 s7, s29;
	p2 =	por p2, p0;
	[sflag:s5] =	ssyncset.done @!p1 $0x0  }
0x2d4: {  	[sflag:s5] =	ssyncadd.s32 @!p1 $0xFFFFDF80;
	s5 =	sshrl.u32 @!p2 s29, $0x3  }
0x2d5: {  	s31 =	simm.s32 @!p2 $0x0;
	s0 =	simm.s32 @!p2 $0x10080;
	s30 =	sadd.s32 @!p2 s2, s5  }
0x2d6: {  	[tilespmem:s0], [sflag:$0x1] =	stream.linear.gather @!p2 [hbm4b:s30+s31], $0x2080, $0x38;
	[tilespmem:$0x1C580] =	vst v63  }
0x2d7: {  	p1 =	sne.s32 s28, $0x1;
	s0 =	sadd.s32 @!p2 s3, s5;
	s5 =	simm.s32 @!p2 $0x16200  }
0x2d8: {  	[tilespmem:s5], [sflag:$0x1] =	stream.linear.gather @!p2 [hbm4b:s0+s31], $0x2080, $0x38;
	[tilespmem:$0x1C580] =	vst v63  }
0x2d9: {  	s0 =	simm.s32 @!p1 $0x2  }
0x2da: {  	_ =	swait.ge @!p1 [sflag:s0], $0x2080  }
0x2db: {  	[sflag:s0] =	ssyncset.done @!p1 $0x0  }
0x2dc: {  	[sflag:s0] =	ssyncadd.s32 @!p1 $0xFFFFDF80  }
0x2dd: {  	p2 =	sne.s32 @!p0 s4, $0x1;
	_ =	swait.ge @!p1 [sflag:s0], $0x2080  }
0x2de: {  	p2 =	por p2, p0;
	[sflag:s0] =	ssyncset.done @!p1 $0x0  }
0x2df: {  	[sflag:s0] =	ssyncadd.s32 @!p1 $0xFFFFDF80;
	s0 =	sshrl.u32 @!p2 s29, $0x3  }
0x2e0: {  	s30 =	simm.s32 @!p2 $0x0;
	s31 =	simm.s32 @!p2 $0x12100;
	s5 =	sadd.s32 @!p2 s2, s0  }
0x2e1: {  	[tilespmem:s31], [sflag:$0x2] =	stream.linear.gather @!p2 [hbm4b:s5+s30], $0x2080, $0x38;
	[tilespmem:$0x1C580] =	vst v63  }
0x2e2: {  	p1 =	sne.s32 s28, $0x2;
	s0 =	sadd.s32 @!p2 s3, s0;
	s5 =	simm.s32 @!p2 $0x18280  }
0x2e3: {  	[tilespmem:s5], [sflag:$0x2] =	stream.linear.gather @!p2 [hbm4b:s0+s30], $0x2080, $0x38;
	[tilespmem:$0x1C580] =	vst v63  }
0x2e4: {  	s0 =	simm.s32 @!p1 $0x3  }
0x2e5: {  	_ =	swait.ge @!p1 [sflag:s0], $0x2080  }
0x2e6: {  	[sflag:s0] =	ssyncset.done @!p1 $0x0  }
0x2e7: {  	[sflag:s0] =	ssyncadd.s32 @!p1 $0xFFFFDF80  }
0x2e8: {  	s28 =	smul.u32 $0x2080, s28;
	p2 =	sne.s32 @!p0 s4, $0x2;
	_ =	swait.ge @!p1 [sflag:s0], $0x2080  }
0x2e9: {  	s31 =	sshll.u32 s26, $0x7;
	p0 =	por p2, p0;
	[sflag:s0] =	ssyncset.done @!p1 $0x0  }
0x2ea: {  	s30 =	simm.s32 $0x0;
	[sflag:s0] =	ssyncadd.s32 @!p1 $0xFFFFDF80;
	s0 =	sshrl.u32 @!p0 s29, $0x3  }
0x2eb: {  	s5 =	simm.s32 @!p0 $0x0;
	s29 =	simm.s32 @!p0 $0x14180;
	s4 =	sadd.s32 @!p0 s2, s0  }
0x2ec: {  	[tilespmem:s29], [sflag:$0x3] =	stream.linear.gather @!p0 [hbm4b:s4+s5], $0x2080, $0x38;
	[tilespmem:$0x1C580] =	vst v63  }
0x2ed: {  	s0 =	sadd.s32 @!p0 s3, s0;
	s4 =	simm.s32 @!p0 $0x1A300;
	s29 =	sadd.s32 s8, s31  }
0x2ee: {  	[tilespmem:s4], [sflag:$0x3] =	stream.linear.gather @!p0 [hbm4b:s0+s5], $0x2080, $0x38;
	[tilespmem:$0x1C580] =	vst v63  }
.LBB2_5:
0x2ef: {  	s0 =	smul.u32 $0x410, s30  }
0x2f0: {  	v12 =	vmul.u32 $0x41, v3  }
0x2f1: {  	s31 =	sadd.s32 s28, s0  }
0x2f2: {  	v11 =	vadd.s32 $0x4, v12;
	s0 =	sadd.s32 $0x0, s31  }
0x2f3: {  	v16 =	vadd.s32 $0x1, v12;
	v8 =	vadd.s32 s0, v11  }
0x2f4: {  	v17 =	vadd.s32 $0x2, v12;
	v7 =	vadd.s32 s0, v16  }
0x2f5: {  	v18 =	vadd.s32 $0x3, v12;
	v9 =	vadd.s32 s0, v17  }
0x2f6: {  	v15 =	vadd.s32 s0, v18  }
0x2f7: {  	v14 =	vadd.s32 s0, v12  }
0x2f8: {  	v22 =	vld.idx.msk [tilespmem:v8+s16+$0x0], $0xffff  }
0x2f9: {  	v26 =	vld.idx.msk [tilespmem:v7+s16+$0x0], $0xffff  }
0x2fa: {  	v25 =	vld.idx.msk [tilespmem:v9+s16+$0x0], $0xffff  }
0x2fb: {  	v23 =	vld.idx.msk [tilespmem:v15+s16+$0x0], $0xffff  }
0x2fc: {  	v24 =	vld.idx.msk [tilespmem:v14+s16+$0x0], $0xffff  }
0x2fd: {  	v19 =	vld.idx.msk [tilespmem:v7+s17+$0x0], $0xffff  }
0x2fe: {  	v13 =	vimm.f32 $0.0e+00;
	v10 =	vimm.f32 $0.0e+00;
	v20 =	vld.idx.msk [tilespmem:v9+s17+$0x0], $0xffff  }
0x2ff: {  	s5 =	simm.s32 $0x5;
	s4 =	simm.s32 $0xA;
	v7 =	vimm.f32 $0.0e+00;
	v9 =	vimm.f32 $0.0e+00;
	v21 =	vld.idx.msk [tilespmem:v8+s17+$0x0], $0xffff;
	v8 =	vimm.f32 $0.0e+00  }
.LBB2_6:
0x300: {  	p0 =	sne.s32 s4, $0x3C;
	v22 =	vld.idx.msk [tilespmem:v22+s6+$0x0], $0xffff  }
0x301: {  	s0 =	sadd.s32 s31, s5;
	v27 =	vadd.s32 $0x1, v12;
	v28 =	vadd.s32 $0x2, v12;
	v29 =	vadd.s32 $0x4, v12;
	s5 =	smov.u32 s4;
	v26 =	vld.idx.msk [tilespmem:v26+s6+$0x0], $0xffff  }
0x302: {  	v30 =	vadd.s32 $0x3, v12;
	v27 =	vadd.s32 s0, v27;
	v29 =	vadd.s32 s0, v29;
	v25 =	vld.idx.msk [tilespmem:v25+s6+$0x0], $0xffff  }
0x303: {  	v31 =	vadd.s32 s0, v12;
	v28 =	vadd.s32 s0, v28;
	v30 =	vadd.s32 s0, v30;
	v32 =	vld.idx.msk [tilespmem:v23+s6+$0x0], $0xffff  }
0x304: {  	v33 =	vld.idx.msk [tilespmem:v24+s6+$0x0], $0xffff  }
0x305: {  	v34 =	vld.idx.msk [tilespmem:v15+s17+$0x0], $0xffff;
	v15 =	vmov v30  }
0x306: {  	v21 =	vmul.f32 v22, v21;
	v30 =	vld.idx.msk [tilespmem:v14+s17+$0x0], $0xffff;
	v14 =	vmov v31  }
0x307: {  	v19 =	vmul.f32 v26, v19;
	v22 =	vld.idx.msk [tilespmem:v29+s16+$0x0], $0xffff  }
0x308: {  	v20 =	vmul.f32 v25, v20;
	v7 =	vadd.f32 v21, v7;
	v26 =	vld.idx.msk [tilespmem:v27+s16+$0x0], $0xffff  }
0x309: {  	v9 =	vadd.f32 v19, v9;
	v25 =	vld.idx.msk [tilespmem:v28+s16+$0x0], $0xffff  }
.Ltmp1:
0x30a: {  	v13 =	vadd.f32 v20, v13;
	v23 =	vld.idx.msk [tilespmem:v15+s16+$0x0], $0xffff;
	(pc) =	sbr.rel @p0 .LBB2_6-.Ltmp1, $4  }
0x30b: {  	v21 =	vmul.f32 v32, v34;
	v24 =	vld.idx.msk [tilespmem:v31+s16+$0x0], $0xffff  }
0x30c: {  	v19 =	vld.idx.msk [tilespmem:v27+s17+$0x0], $0xffff;
	v27 =	vmul.f32 v33, v30  }
0x30d: {  	v10 =	vadd.f32 v21, v10;
	v20 =	vld.idx.msk [tilespmem:v28+s17+$0x0], $0xffff  }
0x30e: {  	s4 =	sadd.s32 $0x5, s4;
	v21 =	vld.idx.msk [tilespmem:v29+s17+$0x0], $0xffff;
	v8 =	vadd.f32 v27, v8  }
0x30f: {  	_ =	sdelay $0x3  }
0x310: {  	s0 =	sadd.s32 s31, s5;
	v26 =	vld.idx.msk [tilespmem:v26+s6+$0x0], $0xffff  }
0x311: {  	v25 =	vld.idx.msk [tilespmem:v25+s6+$0x0], $0xffff;
	v16 =	vadd.s32 s0, v16  }
0x312: {  	v23 =	vld.idx.msk [tilespmem:v23+s6+$0x0], $0xffff;
	v17 =	vadd.s32 s0, v17  }
0x313: {  	v15 =	vld.idx.msk [tilespmem:v15+s17+$0x0], $0xffff;
	v18 =	vadd.s32 s0, v18  }
0x314: {  	v14 =	vld.idx.msk [tilespmem:v14+s17+$0x0], $0xffff;
	v12 =	vadd.s32 s0, v12  }
0x315: {  	v24 =	vld.idx.msk [tilespmem:v24+s6+$0x0], $0xffff;
	v11 =	vadd.s32 s0, v11  }
0x316: {  	v27 =	vld.idx.msk [tilespmem:v16+s16+$0x0], $0xffff  }
0x317: {  	v28 =	vld.idx.msk [tilespmem:v17+s16+$0x0], $0xffff  }
0x318: {  	v29 =	vld.idx.msk [tilespmem:v18+s16+$0x0], $0xffff  }
0x319: {  	v30 =	vld.idx.msk [tilespmem:v12+s16+$0x0], $0xffff  }
0x31a: {  	v31 =	vld.idx.msk [tilespmem:v11+s16+$0x0], $0xffff  }
0x31b: {  	v16 =	vld.idx.msk [tilespmem:v16+s17+$0x0], $0xffff  }
0x31c: {  	v17 =	vld.idx.msk [tilespmem:v17+s17+$0x0], $0xffff  }
0x31d: {  	v18 =	vld.idx.msk [tilespmem:v18+s17+$0x0], $0xffff  }
0x31e: {  	v12 =	vld.idx.msk [tilespmem:v12+s17+$0x0], $0xffff  }
0x31f: {  	v27 =	vld.idx.msk [tilespmem:v27+s6+$0x0], $0xffff  }
0x320: {  	v28 =	vld.idx.msk [tilespmem:v28+s6+$0x0], $0xffff  }
0x321: {  	v29 =	vld.idx.msk [tilespmem:v29+s6+$0x0], $0xffff  }
0x322: {  	v30 =	vld.idx.msk [tilespmem:v30+s6+$0x0], $0xffff  }
0x323: {  	v22 =	vld.idx.msk [tilespmem:v22+s6+$0x0], $0xffff;
	v19 =	vmul.f32 v26, v19;
	v20 =	vmul.f32 v25, v20  }
0x324: {  	v15 =	vmul.f32 v23, v15  }
0x325: {  	v14 =	vmul.f32 v24, v14;
	v11 =	vld.idx.msk [tilespmem:v11+s17+$0x0], $0xffff;
	v9 =	vadd.f32 v19, v9;
	v13 =	vadd.f32 v20, v13  }
0x326: {  	v10 =	vadd.f32 v15, v10;
	v59 =	vld.idx.msk [tilespmem:v31+s6+$0x0], $0xffff;
	v16 =	vmul.f32 v27, v16;
	v17 =	vmul.f32 v28, v17  }
0x327: {  	v8 =	vadd.f32 v14, v8;
	v60 =	vmul.f32 v29, v18;
	v12 =	vmul.f32 v30, v12  }
0x328: {  	v61 =	vmul.f32 v22, v21;
	v9 =	vadd.f32 v16, v9;
	v13 =	vadd.f32 v17, v13  }
0x329: {  	v10 =	vadd.f32 v60, v10;
	v8 =	vadd.f32 v12, v8  }
0x32a: {  	v7 =	vadd.f32 v61, v7  }
0x32b: {  	v11 =	vmul.f32 v59, v11;
	v8 =	vadd.f32 v9, v8;
	v62 =	vadd.f32 v10, v13;
	_ =	sdelay $0x1  }
0x32c: {  	v7 =	vadd.f32 v11, v7;
	v8 =	vadd.f32 v62, v8  }
0x32d: {  	s31 =	sshll.u32 s30, $0x4  }
0x32e: {  	s0 =	sadd.s32 s29, s31;
	v7 =	vadd.f32 v8, v7  }
0x32f: {  	v8 =	vor.u32 s0, v3  }
0x330: {  	(xrf1) =	vsort.dscd.msk.f32 $0xffff, v7, v8;
	_ =	sdelay $0xb  }
0x331: {  	v7 =	vmul.u32 $0xFFFFFFFF, v3;
	_ =	sdelay $0x1  }
0x332: {  	v7 =	vadd.s32 $0xF, v7;
	v8, v63, _ =	vpop (xrf1)  }
0x333: {  	v8 =	vperm.xlane v8, v7  }
0x334: {  	v7 =	vperm.xlane v63, v7  }
0x335: {  	vm1 =	vge.f32 v6, v8  }
0x336: {  	v6 =	vsel vm1, v6, v8;
	v5 =	vsel vm1, v5, v7  }
0x337: {  	(xrf1) =	vsort.dscd.msk.f32 $0xffff, v6, v5;
	_ =	sdelay $0x7  }
0x338: {  	s30 =	sadd.s32 $0x1, s30  }
0x339: {  	p0 =	sne.s32 s30, $0x8  }
.Ltmp2:
0x33a: {  	_ = 	snop;
	(pc) =	sbr.rel @p0 .LBB2_5-.Ltmp2, $2  }
0x33b: {  	_ =	sdelay $0x2  }
0x33c: {  	v6, v5, _ =	vpop (xrf1)  }
0x33d: {  	s26 =	sadd.s32 $0x1, s26  }
0x33e: {  	p0 =	sne.s32 s26, $0x10  }
.Ltmp3:
0x33f: {  	_ = 	snop;
	(pc) =	sbr.rel @p0 .LBB2_4-.Ltmp3, $1  }
0x340: {  	_ =	sdelay $0x3  }
0x341: {  	[tilespmem:$0x1C480] =	vst v6  }
0x342: {  	[tilespmem:$0x1C500] =	vst v5  }
0x343: {  	[hbm4b:s13+s6] =	stream.linear.scatter [tilespmem:s23], [sflag:$0x4], $0x10, $0x38;
	[tilespmem:$0x1C580] =	vst v63  }
0x344: {  	s25 =	sadd.s32 $0x1, s25;
	_ =	swait.ge [sflag:s21], $0x10  }
0x345: {  	p0 =	sne.s32 s25, s15;
	[sflag:s21] =	ssyncset.done $0x0  }
.Ltmp4:
0x346: {  	[sflag:s21] =	ssyncadd.s32 $0xFFFFFFF0;
	(pc) =	sbr.rel @p0 .LBB2_1-.Ltmp4, $4  }
0x347: {  	[hbm4b:s14+s6] =	stream.linear.scatter [tilespmem:s24], [sflag:$0x4], $0x10, $0x38;
	[tilespmem:$0x1C580] =	vst v63  }
0x348: {  	_ =	swait.ge [sflag:s21], $0x10  }
0x349: {  	[sflag:s21] =	ssyncset.done $0x0  }
0x34a: {  	[sflag:s21] =	ssyncadd.s32 $0xFFFFFFF0  }
0x34b: {  	_ =	sfence.sel $0x180000  }
0x34c: {  	[bflag:$0x0] =	sbarrier.arrive $0xFFFF  }
0x34d: {  	_ =	strace $0x90000047  }
0x34e: {  	s0 =	stileid.u32;
	[bflag:$0x2] =	sbarrier.arrive $0xFFFF  }
0x34f: {  	p0 =	sne.s32 s0, $0x0;
	s0 =	rddreg [dreg:$0x5]  }
0x350: {  	s0 =	sadd.s32 @!p0 $0x100000, s0  }
0x351: {  	[sflag:s0] =	ssyncadd.tile.s32 @!p0 $0x1;
	_ =	shalt  }
.Lfunc_end2:
_tile_overlayer_lowered:
.L_overlay_start_2:
0x352: {  	(tag) =	ssettag $0x2  }
0x353: {  	s0 =	rddreg [dreg:$0x0];
	s2 =	stileid.u32  }
0x354: {  	s1 =	rddreg [dreg:$0x1];
	p0 =	sne.s32 s2, $0x0  }
0x355: {  	s3 =	rddreg [dreg:$0x2];
	[bflag:$0x3] =	sbarrier.arrive $0xFFFF;
	s2 =	simm.s32 @!p0 $0x1C04  }
0x356: {  	[timem:s3], [sflag:s2] =	dma.local @!p0 [hbm:s0], s1  }
0x357: {  	s0 =	simm.s32 @!p0 $0x4  }
0x358: {  	_ =	swait.ge @!p0 [sflag:s0], s1  }
0x359: {  	s1 =	ssub.s32 @!p0 $0x0, s1;
	[sflag:s0] =	ssyncset.done @!p0 $0x0  }
0x35a: {  	[sflag:s0] =	ssyncadd.s32 @!p0 s1  }
0x35b: {  	[bflag:$0x3] =	sbarrier.arrive $0xFFFF  }
0x35c: {  	_ =	shalt  }

</sc_bundles>
